<compile_context>
chip_gen: v7x
topology: tpu7x:2x2x1
jax: 0.10.2.dev20260603
libtpu: 0.0.44.dev20260713+nightly
codegen_flags: <defaults>
</compile_context>

<pallas_src>
import functools

import jax
import jax.numpy as jnp
from jax import lax
from jax.experimental import pallas as pl
from jax.experimental.pallas import tpu as pltpu
from jax.experimental.pallas import tpu_sc as plsc

_NC = 2
_NS = 16
_NW = _NC * _NS
_L = 16


def _anchor_gather(vertices, idx, B, N, K, C):
    E = N * C
    E8 = E // 8
    V8 = B * E8
    BPW = B // _NW
    KP = 48
    RPB = 2 * KP
    RS = 16
    NT = (K * C + _L - 1) // _L + 1
    PW = NT * _L
    OW = BPW * PW

    table = vertices.reshape(V8, 8)
    mesh = plsc.VectorSubcoreMesh(core_axis_name="c", subcore_axis_name="s",
                                  num_cores=_NC, num_subcores=_NS)

    @functools.partial(
        pl.kernel,
        out_type=jax.ShapeDtypeStruct((B * PW,), jnp.float32),
        mesh=mesh,
        scratch_types=[
            pltpu.VMEM((K,), jnp.int32),
            pltpu.VMEM((RS, RPB), jnp.int32),
            pltpu.VMEM((RS, RPB, 8), jnp.float32),
            pltpu.VMEM((OW,), jnp.float32),
            pltpu.SemaphoreType.DMA,
        ],
        compiler_params=pltpu.CompilerParams(use_tc_tiling_on_sc=False,
                                             needs_layout_passes=False),
    )
    def k(table_hbm, idx_hbm, out_hbm, idxv, bidx, staged, outv, sem):
        wid = lax.axis_index("s") * _NC + lax.axis_index("c")
        base_b = wid * BPW
        pltpu.sync_copy(idx_hbm, idxv)

        io = lax.iota(jnp.int32, _L)

        uvecs = []
        for t in range(KP // _L):
            kv = jnp.minimum(io + t * _L, K - 1)
            uvecs.append((plsc.load_gather(idxv, [kv]) * 3) >> 3)

        kks, wos = [], []
        for t in range(NT):
            j = io + t * _L
            pos = j // 3
            fv = (plsc.load_gather(idxv, [jnp.minimum(pos, K - 1)]) * 3) & 7
            tt = fv + (j - pos * 3)
            kks.append(pos + KP * (tt >> 3))
            wos.append(tt & 7)

        G = 8

        def group(g, carry):
            b0 = g * G
            for i in range(G):
                b = b0 + i
                s = b % RS
                w0 = (base_b + b) * E8
                for t in range(KP // _L):
                    lo = uvecs[t] + w0
                    bidx[s, pl.ds(t * _L, _L)] = lo
                    bidx[s, pl.ds(KP + t * _L, _L)] = jnp.minimum(lo + 1,
                                                                  V8 - 1)
                pltpu.async_copy(table_hbm.at[bidx.at[s]], staged.at[s], sem)
            for i in range(G):
                s = (b0 + i) % RS
                pltpu.make_async_copy(table_hbm.at[bidx.at[s]],
                                      staged.at[s], sem).wait()
            for i in range(G):
                b = b0 + i
                sv = jnp.full((_L,), b % RS, dtype=jnp.int32)
                for t in range(NT):
                    outv[pl.ds(b * PW + t * _L, _L)] = plsc.load_gather(
                        staged, [sv, kks[t], wos[t]])
            return carry

        lax.fori_loop(0, BPW // G, group, 0)
        pltpu.sync_copy(outv, out_hbm.at[pl.ds(wid * OW, OW)])

    return k(table, idx)


def kernel(vertices, vert_idx):
    B, N, C = vertices.shape
    (K,) = vert_idx.shape
    idx = vert_idx.astype(jnp.int32)
    out = _anchor_gather(vertices, idx, B, N, K, C)
    pw = ((K * C + 15) // 16 + 1) * 16
    return out.reshape(B, pw)[:, :K * C].reshape(B, K, C)

# --- scband reference (transcript-rebuilt; emitter-appended) ---
"""Pipeline reference for scband-mano-anchor-28329604284801 (READ-ONLY COPY).

The authoritative reference and input builder live on the scoring server;
editing this copy changes nothing except your own understanding.
"""

import jax, jax.numpy as jnp
import numpy as np

VERT_IDX = np.array([1766, 3104, 195, 1848, 213, 2859, 1460, 1889, 1261, 749, 1337, 260, 3013, 3037, 2049, 2440, 2149, 2145, 709, 200, 1648, 1938, 2788, 906, 1505, 2070, 2569, 1768, 1884, 764, 1874, 833, 2855, 2965, 576, 2725, 797, 2492, 2990, 2801, 2490, 2076, 2760, 1282, 2185, 415], dtype=np.int64)


def setup_inputs(seed: int = 0) -> dict:
    key = jax.random.key(seed)
    vertices = jax.random.normal(key, (4096, 4040, 3), dtype=jnp.float32)
    vert_idx = jnp.asarray(VERT_IDX, dtype=jnp.int64)
    return {"vertices": vertices, "vert_idx": vert_idx}


def reference(vertices, vert_idx):
    # anchor_pos = vertices[:, vert_idx, :]
    anchor_pos = jnp.take(vertices, vert_idx, axis=1)
    return anchor_pos

if __name__ == "__main__":
    import jax
    _d = setup_inputs()
    print(jax.jit(kernel)(*tuple(_d.values())))

</pallas_src>

<mosaic_0001>
#map = affine_map<(d0, d1) -> (0, 0)>
#map1 = affine_map<(d0, d1) -> (0)>
module attributes {stable_mosaic.version = 14 : i64} {
  func.func @k(%arg0: i32, %arg1: i32, %arg2: memref<6205440x8xf32, #tpu.memory_space<hbm>>, %arg3: memref<46xi32, #tpu.memory_space<hbm>>, %arg4: memref<655360xf32, #tpu.memory_space<hbm>>, %arg5: memref<46xi32, #tpu.memory_space<vmem>>, %arg6: memref<16x96xi32, #tpu.memory_space<vmem>>, %arg7: memref<16x96x8xf32, #tpu.memory_space<vmem>>, %arg8: memref<20480xf32, #tpu.memory_space<vmem>>, %arg9: memref<!tpu.dma_semaphore, #tpu.memory_space<semaphore_mem>>) attributes {dimension_semantics = [#tpu.dimension_semantics<core_parallel>, #tpu.dimension_semantics<subcore_parallel>], iteration_bounds = array<i64: 2, 16>, scalar_prefetch = 0 : i64, scratch_operands = 5 : i64, tpu.core_type = #tpu.core_type<sc_vector_subcore>, window_params = [{transform_indices = #map}, {transform_indices = #map1}, {transform_indices = #map1}]} {
    %mul3A = arith.constant 2 : i32
    %mul3A_0 = arith.muli %arg1, %mul3A : i32
    %add3A = arith.addi %mul3A_0, %arg0 : i32
    %mul3A_1 = arith.constant 128 : i32
    %mul3A_2 = arith.muli %add3A, %mul3A_1 : i32
    "tpu.region"() ({
      %run_scoped3A = tpu.sem_alloc : memref<!tpu.dma_semaphore, #tpu.memory_space<semaphore_mem>>
      tpu.enqueue_dma source(%arg3 : memref<46xi32, #tpu.memory_space<hbm>>) target(%arg5 : memref<46xi32, #tpu.memory_space<vmem>>) target_semaphore(%run_scoped3A : memref<!tpu.dma_semaphore, #tpu.memory_space<semaphore_mem>>)
      tpu.wait_dma2 semaphore(%run_scoped3A : memref<!tpu.dma_semaphore, #tpu.memory_space<semaphore_mem>>) src(%arg3 : memref<46xi32, #tpu.memory_space<hbm>>) dst(%arg5 : memref<46xi32, #tpu.memory_space<vmem>>)
      tpu.yield
    }) : () -> ()
    %iota3A = tpu.iota {dimensions = array<i32: 0>} : vector<16xi32>
    %add3A_3 = arith.constant 0 : i32
    %add3A_4 = vector.broadcast %add3A_3 : i32 to vector<16xi32>
    %add3A_5 = arith.addi %iota3A, %add3A_4 : vector<16xi32>
    %min3A = arith.constant 45 : i32
    %min3A_6 = vector.broadcast %min3A : i32 to vector<16xi32>
    %min3A_7 = arith.minsi %add3A_5, %min3A_6 : vector<16xi32>
    %gather3A = tpu.vector_load_idx %arg5[%min3A_7] : memref<46xi32, #tpu.memory_space<vmem>>[vector<16xi32>], vector<16xi32>,
    %mul3A_8 = arith.constant 3 : i32
    %mul3A_9 = vector.broadcast %mul3A_8 : i32 to vector<16xi32>
    %mul3A_10 = arith.muli %gather3A, %mul3A_9 : vector<16xi32>
    %shift_right_arithmetic3A = arith.constant 3 : i32
    %shift_right_arithmetic3A_11 = vector.broadcast %shift_right_arithmetic3A : i32 to vector<16xi32>
    %shift_right_arithmetic3A_12 = arith.shrsi %mul3A_10, %shift_right_arithmetic3A_11 : vector<16xi32>
    %add3A_13 = arith.constant 16 : i32
    %add3A_14 = vector.broadcast %add3A_13 : i32 to vector<16xi32>
    %add3A_15 = arith.addi %iota3A, %add3A_14 : vector<16xi32>
    %min3A_16 = arith.constant 45 : i32
    %min3A_17 = vector.broadcast %min3A_16 : i32 to vector<16xi32>
    %min3A_18 = arith.minsi %add3A_15, %min3A_17 : vector<16xi32>
    %gather3A_19 = tpu.vector_load_idx %arg5[%min3A_18] : memref<46xi32, #tpu.memory_space<vmem>>[vector<16xi32>], vector<16xi32>,
    %mul3A_20 = arith.constant 3 : i32
    %mul3A_21 = vector.broadcast %mul3A_20 : i32 to vector<16xi32>
    %mul3A_22 = arith.muli %gather3A_19, %mul3A_21 : vector<16xi32>
    %shift_right_arithmetic3A_23 = arith.constant 3 : i32
    %shift_right_arithmetic3A_24 = vector.broadcast %shift_right_arithmetic3A_23 : i32 to vector<16xi32>
    %shift_right_arithmetic3A_25 = arith.shrsi %mul3A_22, %shift_right_arithmetic3A_24 : vector<16xi32>
    %add3A_26 = arith.constant 32 : i32
    %add3A_27 = vector.broadcast %add3A_26 : i32 to vector<16xi32>
    %add3A_28 = arith.addi %iota3A, %add3A_27 : vector<16xi32>
    %min3A_29 = arith.constant 45 : i32
    %min3A_30 = vector.broadcast %min3A_29 : i32 to vector<16xi32>
    %min3A_31 = arith.minsi %add3A_28, %min3A_30 : vector<16xi32>
    %gather3A_32 = tpu.vector_load_idx %arg5[%min3A_31] : memref<46xi32, #tpu.memory_space<vmem>>[vector<16xi32>], vector<16xi32>,
    %mul3A_33 = arith.constant 3 : i32
    %mul3A_34 = vector.broadcast %mul3A_33 : i32 to vector<16xi32>
    %mul3A_35 = arith.muli %gather3A_32, %mul3A_34 : vector<16xi32>
    %shift_right_arithmetic3A_36 = arith.constant 3 : i32
    %shift_right_arithmetic3A_37 = vector.broadcast %shift_right_arithmetic3A_36 : i32 to vector<16xi32>
    %shift_right_arithmetic3A_38 = arith.shrsi %mul3A_35, %shift_right_arithmetic3A_37 : vector<16xi32>
    %add3A_39 = arith.constant 0 : i32
    %add3A_40 = vector.broadcast %add3A_39 : i32 to vector<16xi32>
    %add3A_41 = arith.addi %iota3A, %add3A_40 : vector<16xi32>
    %jit3A = arith.constant 3 : i32
    %div3A = vector.broadcast %jit3A : i32 to vector<16xi32>
    %div3A_42 = arith.divsi %add3A_41, %div3A : vector<16xi32>
    %sign3A = arith.constant 0 : i32
    %sign3A_43 = vector.broadcast %sign3A : i32 to vector<16xi32>
    %sign3A_44 = arith.cmpi sgt, %add3A_41, %sign3A_43 : vector<16xi32>
    %sign3A_45 = arith.extui %sign3A_44 : vector<16xi1> to vector<16xi32>
    %sign3A_46 = arith.constant 0 : i32
    %sign3A_47 = vector.broadcast %sign3A_46 : i32 to vector<16xi32>
    %sign3A_48 = arith.cmpi slt, %add3A_41, %sign3A_47 : vector<16xi32>
    %sign3A_49 = arith.extui %sign3A_48 : vector<16xi1> to vector<16xi32>
    %sign3A_50 = arith.subi %sign3A_45, %sign3A_49 : vector<16xi32>
    %sign3A_51 = arith.constant 0 : i32
    %sign3A_52 = arith.cmpi sgt, %jit3A, %sign3A_51 : i32
    %sign3A_53 = arith.extui %sign3A_52 : i1 to i32
    %sign3A_54 = arith.constant 0 : i32
    %sign3A_55 = arith.cmpi slt, %jit3A, %sign3A_54 : i32
    %sign3A_56 = arith.extui %sign3A_55 : i1 to i32
    %sign3A_57 = arith.subi %sign3A_53, %sign3A_56 : i32
    %ne3A = vector.broadcast %sign3A_57 : i32 to vector<16xi32>
    %ne3A_58 = arith.cmpi ne, %sign3A_50, %ne3A : vector<16xi32>
    %rem3A = vector.broadcast %jit3A : i32 to vector<16xi32>
    %rem3A_59 = arith.remsi %add3A_41, %rem3A : vector<16xi32>
    %ne3A_60 = arith.constant 0 : i32
    %ne3A_61 = vector.broadcast %ne3A_60 : i32 to vector<16xi32>
    %ne3A_62 = arith.cmpi ne, %rem3A_59, %ne3A_61 : vector<16xi32>
    %and3A = arith.andi %ne3A_58, %ne3A_62 : vector<16xi1>
    %sub3A = arith.constant 1 : i32
    %sub3A_63 = vector.broadcast %sub3A : i32 to vector<16xi32>
    %sub3A_64 = arith.subi %div3A_42, %sub3A_63 : vector<16xi32>
    %select_n3A = arith.select %and3A, %sub3A_64, %div3A_42 : vector<16xi1>, vector<16xi32>
    %min3A_65 = arith.constant 45 : i32
    %min3A_66 = vector.broadcast %min3A_65 : i32 to vector<16xi32>
    %min3A_67 = arith.minsi %select_n3A, %min3A_66 : vector<16xi32>
    %gather3A_68 = tpu.vector_load_idx %arg5[%min3A_67] : memref<46xi32, #tpu.memory_space<vmem>>[vector<16xi32>], vector<16xi32>,
    %mul3A_69 = arith.constant 3 : i32
    %mul3A_70 = vector.broadcast %mul3A_69 : i32 to vector<16xi32>
    %mul3A_71 = arith.muli %gather3A_68, %mul3A_70 : vector<16xi32>
    %and3A_72 = arith.constant 7 : i32
    %and3A_73 = vector.broadcast %and3A_72 : i32 to vector<16xi32>
    %and3A_74 = arith.andi %mul3A_71, %and3A_73 : vector<16xi32>
    %mul3A_75 = arith.constant 3 : i32
    %mul3A_76 = vector.broadcast %mul3A_75 : i32 to vector<16xi32>
    %mul3A_77 = arith.muli %select_n3A, %mul3A_76 : vector<16xi32>
    %sub3A_78 = arith.subi %add3A_41, %mul3A_77 : vector<16xi32>
    %add3A_79 = arith.addi %and3A_74, %sub3A_78 : vector<16xi32>
    %shift_right_arithmetic3A_80 = arith.constant 3 : i32
    %shift_right_arithmetic3A_81 = vector.broadcast %shift_right_arithmetic3A_80 : i32 to vector<16xi32>
    %shift_right_arithmetic3A_82 = arith.shrsi %add3A_79, %shift_right_arithmetic3A_81 : vector<16xi32>
    %mul3A_83 = arith.constant 48 : i32
    %mul3A_84 = vector.broadcast %mul3A_83 : i32 to vector<16xi32>
    %mul3A_85 = arith.muli %mul3A_84, %shift_right_arithmetic3A_82 : vector<16xi32>
    %add3A_86 = arith.addi %select_n3A, %mul3A_85 : vector<16xi32>
    %and3A_87 = arith.constant 7 : i32
    %and3A_88 = vector.broadcast %and3A_87 : i32 to vector<16xi32>
    %and3A_89 = arith.andi %add3A_79, %and3A_88 : vector<16xi32>
    %add3A_90 = arith.constant 16 : i32
    %add3A_91 = vector.broadcast %add3A_90 : i32 to vector<16xi32>
    %add3A_92 = arith.addi %iota3A, %add3A_91 : vector<16xi32>
    %jit3A_93 = arith.constant 3 : i32
    %div3A_94 = vector.broadcast %jit3A_93 : i32 to vector<16xi32>
    %div3A_95 = arith.divsi %add3A_92, %div3A_94 : vector<16xi32>
    %sign3A_96 = arith.constant 0 : i32
    %sign3A_97 = vector.broadcast %sign3A_96 : i32 to vector<16xi32>
    %sign3A_98 = arith.cmpi sgt, %add3A_92, %sign3A_97 : vector<16xi32>
    %sign3A_99 = arith.extui %sign3A_98 : vector<16xi1> to vector<16xi32>
    %sign3A_100 = arith.constant 0 : i32
    %sign3A_101 = vector.broadcast %sign3A_100 : i32 to vector<16xi32>
    %sign3A_102 = arith.cmpi slt, %add3A_92, %sign3A_101 : vector<16xi32>
    %sign3A_103 = arith.extui %sign3A_102 : vector<16xi1> to vector<16xi32>
    %sign3A_104 = arith.subi %sign3A_99, %sign3A_103 : vector<16xi32>
    %sign3A_105 = arith.constant 0 : i32
    %sign3A_106 = arith.cmpi sgt, %jit3A_93, %sign3A_105 : i32
    %sign3A_107 = arith.extui %sign3A_106 : i1 to i32
    %sign3A_108 = arith.constant 0 : i32
    %sign3A_109 = arith.cmpi slt, %jit3A_93, %sign3A_108 : i32
    %sign3A_110 = arith.extui %sign3A_109 : i1 to i32
    %sign3A_111 = arith.subi %sign3A_107, %sign3A_110 : i32
    %ne3A_112 = vector.broadcast %sign3A_111 : i32 to vector<16xi32>
    %ne3A_113 = arith.cmpi ne, %sign3A_104, %ne3A_112 : vector<16xi32>
    %rem3A_114 = vector.broadcast %jit3A_93 : i32 to vector<16xi32>
    %rem3A_115 = arith.remsi %add3A_92, %rem3A_114 : vector<16xi32>
    %ne3A_116 = arith.constant 0 : i32
    %ne3A_117 = vector.broadcast %ne3A_116 : i32 to vector<16xi32>
    %ne3A_118 = arith.cmpi ne, %rem3A_115, %ne3A_117 : vector<16xi32>
    %and3A_119 = arith.andi %ne3A_113, %ne3A_118 : vector<16xi1>
    %sub3A_120 = arith.constant 1 : i32
    %sub3A_121 = vector.broadcast %sub3A_120 : i32 to vector<16xi32>
    %sub3A_122 = arith.subi %div3A_95, %sub3A_121 : vector<16xi32>
    %select_n3A_123 = arith.select %and3A_119, %sub3A_122, %div3A_95 : vector<16xi1>, vector<16xi32>
    %min3A_124 = arith.constant 45 : i32
    %min3A_125 = vector.broadcast %min3A_124 : i32 to vector<16xi32>
    %min3A_126 = arith.minsi %select_n3A_123, %min3A_125 : vector<16xi32>
    %gather3A_127 = tpu.vector_load_idx %arg5[%min3A_126] : memref<46xi32, #tpu.memory_space<vmem>>[vector<16xi32>], vector<16xi32>,
    %mul3A_128 = arith.constant 3 : i32
    %mul3A_129 = vector.broadcast %mul3A_128 : i32 to vector<16xi32>
    %mul3A_130 = arith.muli %gather3A_127, %mul3A_129 : vector<16xi32>
    %and3A_131 = arith.constant 7 : i32
    %and3A_132 = vector.broadcast %and3A_131 : i32 to vector<16xi32>
    %and3A_133 = arith.andi %mul3A_130, %and3A_132 : vector<16xi32>
    %mul3A_134 = arith.constant 3 : i32
    %mul3A_135 = vector.broadcast %mul3A_134 : i32 to vector<16xi32>
    %mul3A_136 = arith.muli %select_n3A_123, %mul3A_135 : vector<16xi32>
    %sub3A_137 = arith.subi %add3A_92, %mul3A_136 : vector<16xi32>
    %add3A_138 = arith.addi %and3A_133, %sub3A_137 : vector<16xi32>
    %shift_right_arithmetic3A_139 = arith.constant 3 : i32
    %shift_right_arithmetic3A_140 = vector.broadcast %shift_right_arithmetic3A_139 : i32 to vector<16xi32>
    %shift_right_arithmetic3A_141 = arith.shrsi %add3A_138, %shift_right_arithmetic3A_140 : vector<16xi32>
    %mul3A_142 = arith.constant 48 : i32
    %mul3A_143 = vector.broadcast %mul3A_142 : i32 to vector<16xi32>
    %mul3A_144 = arith.muli %mul3A_143, %shift_right_arithmetic3A_141 : vector<16xi32>
    %add3A_145 = arith.addi %select_n3A_123, %mul3A_144 : vector<16xi32>
    %and3A_146 = arith.constant 7 : i32
    %and3A_147 = vector.broadcast %and3A_146 : i32 to vector<16xi32>
    %and3A_148 = arith.andi %add3A_138, %and3A_147 : vector<16xi32>
    %add3A_149 = arith.constant 32 : i32
    %add3A_150 = vector.broadcast %add3A_149 : i32 to vector<16xi32>
    %add3A_151 = arith.addi %iota3A, %add3A_150 : vector<16xi32>
    %jit3A_152 = arith.constant 3 : i32
    %div3A_153 = vector.broadcast %jit3A_152 : i32 to vector<16xi32>
    %div3A_154 = arith.divsi %add3A_151, %div3A_153 : vector<16xi32>
    %sign3A_155 = arith.constant 0 : i32
    %sign3A_156 = vector.broadcast %sign3A_155 : i32 to vector<16xi32>
    %sign3A_157 = arith.cmpi sgt, %add3A_151, %sign3A_156 : vector<16xi32>
    %sign3A_158 = arith.extui %sign3A_157 : vector<16xi1> to vector<16xi32>
    %sign3A_159 = arith.constant 0 : i32
    %sign3A_160 = vector.broadcast %sign3A_159 : i32 to vector<16xi32>
    %sign3A_161 = arith.cmpi slt, %add3A_151, %sign3A_160 : vector<16xi32>
    %sign3A_162 = arith.extui %sign3A_161 : vector<16xi1> to vector<16xi32>
    %sign3A_163 = arith.subi %sign3A_158, %sign3A_162 : vector<16xi32>
    %sign3A_164 = arith.constant 0 : i32
    %sign3A_165 = arith.cmpi sgt, %jit3A_152, %sign3A_164 : i32
    %sign3A_166 = arith.extui %sign3A_165 : i1 to i32
    %sign3A_167 = arith.constant 0 : i32
    %sign3A_168 = arith.cmpi slt, %jit3A_152, %sign3A_167 : i32
    %sign3A_169 = arith.extui %sign3A_168 : i1 to i32
    %sign3A_170 = arith.subi %sign3A_166, %sign3A_169 : i32
    %ne3A_171 = vector.broadcast %sign3A_170 : i32 to vector<16xi32>
    %ne3A_172 = arith.cmpi ne, %sign3A_163, %ne3A_171 : vector<16xi32>
    %rem3A_173 = vector.broadcast %jit3A_152 : i32 to vector<16xi32>
    %rem3A_174 = arith.remsi %add3A_151, %rem3A_173 : vector<16xi32>
    %ne3A_175 = arith.constant 0 : i32
    %ne3A_176 = vector.broadcast %ne3A_175 : i32 to vector<16xi32>
    %ne3A_177 = arith.cmpi ne, %rem3A_174, %ne3A_176 : vector<16xi32>
    %and3A_178 = arith.andi %ne3A_172, %ne3A_177 : vector<16xi1>
    %sub3A_179 = arith.constant 1 : i32
    %sub3A_180 = vector.broadcast %sub3A_179 : i32 to vector<16xi32>
    %sub3A_181 = arith.subi %div3A_154, %sub3A_180 : vector<16xi32>
    %select_n3A_182 = arith.select %and3A_178, %sub3A_181, %div3A_154 : vector<16xi1>, vector<16xi32>
    %min3A_183 = arith.constant 45 : i32
    %min3A_184 = vector.broadcast %min3A_183 : i32 to vector<16xi32>
    %min3A_185 = arith.minsi %select_n3A_182, %min3A_184 : vector<16xi32>
    %gather3A_186 = tpu.vector_load_idx %arg5[%min3A_185] : memref<46xi32, #tpu.memory_space<vmem>>[vector<16xi32>], vector<16xi32>,
    %mul3A_187 = arith.constant 3 : i32
    %mul3A_188 = vector.broadcast %mul3A_187 : i32 to vector<16xi32>
    %mul3A_189 = arith.muli %gather3A_186, %mul3A_188 : vector<16xi32>
    %and3A_190 = arith.constant 7 : i32
    %and3A_191 = vector.broadcast %and3A_190 : i32 to vector<16xi32>
    %and3A_192 = arith.andi %mul3A_189, %and3A_191 : vector<16xi32>
    %mul3A_193 = arith.constant 3 : i32
    %mul3A_194 = vector.broadcast %mul3A_193 : i32 to vector<16xi32>
    %mul3A_195 = arith.muli %select_n3A_182, %mul3A_194 : vector<16xi32>
    %sub3A_196 = arith.subi %add3A_151, %mul3A_195 : vector<16xi32>
    %add3A_197 = arith.addi %and3A_192, %sub3A_196 : vector<16xi32>
    %shift_right_arithmetic3A_198 = arith.constant 3 : i32
    %shift_right_arithmetic3A_199 = vector.broadcast %shift_right_arithmetic3A_198 : i32 to vector<16xi32>
    %shift_right_arithmetic3A_200 = arith.shrsi %add3A_197, %shift_right_arithmetic3A_199 : vector<16xi32>
    %mul3A_201 = arith.constant 48 : i32
    %mul3A_202 = vector.broadcast %mul3A_201 : i32 to vector<16xi32>
    %mul3A_203 = arith.muli %mul3A_202, %shift_right_arithmetic3A_200 : vector<16xi32>
    %add3A_204 = arith.addi %select_n3A_182, %mul3A_203 : vector<16xi32>
    %and3A_205 = arith.constant 7 : i32
    %and3A_206 = vector.broadcast %and3A_205 : i32 to vector<16xi32>
    %and3A_207 = arith.andi %add3A_197, %and3A_206 : vector<16xi32>
    %add3A_208 = arith.constant 48 : i32
    %add3A_209 = vector.broadcast %add3A_208 : i32 to vector<16xi32>
    %add3A_210 = arith.addi %iota3A, %add3A_209 : vector<16xi32>
    %jit3A_211 = arith.constant 3 : i32
    %div3A_212 = vector.broadcast %jit3A_211 : i32 to vector<16xi32>
    %div3A_213 = arith.divsi %add3A_210, %div3A_212 : vector<16xi32>
    %sign3A_214 = arith.constant 0 : i32
    %sign3A_215 = vector.broadcast %sign3A_214 : i32 to vector<16xi32>
    %sign3A_216 = arith.cmpi sgt, %add3A_210, %sign3A_215 : vector<16xi32>
    %sign3A_217 = arith.extui %sign3A_216 : vector<16xi1> to vector<16xi32>
    %sign3A_218 = arith.constant 0 : i32
    %sign3A_219 = vector.broadcast %sign3A_218 : i32 to vector<16xi32>
    %sign3A_220 = arith.cmpi slt, %add3A_210, %sign3A_219 : vector<16xi32>
    %sign3A_221 = arith.extui %sign3A_220 : vector<16xi1> to vector<16xi32>
    %sign3A_222 = arith.subi %sign3A_217, %sign3A_221 : vector<16xi32>
    %sign3A_223 = arith.constant 0 : i32
    %sign3A_224 = arith.cmpi sgt, %jit3A_211, %sign3A_223 : i32
    %sign3A_225 = arith.extui %sign3A_224 : i1 to i32
    %sign3A_226 = arith.constant 0 : i32
    %sign3A_227 = arith.cmpi slt, %jit3A_211, %sign3A_226 : i32
    %sign3A_228 = arith.extui %sign3A_227 : i1 to i32
    %sign3A_229 = arith.subi %sign3A_225, %sign3A_228 : i32
    %ne3A_230 = vector.broadcast %sign3A_229 : i32 to vector<16xi32>
    %ne3A_231 = arith.cmpi ne, %sign3A_222, %ne3A_230 : vector<16xi32>
    %rem3A_232 = vector.broadcast %jit3A_211 : i32 to vector<16xi32>
    %rem3A_233 = arith.remsi %add3A_210, %rem3A_232 : vector<16xi32>
    %ne3A_234 = arith.constant 0 : i32
    %ne3A_235 = vector.broadcast %ne3A_234 : i32 to vector<16xi32>
    %ne3A_236 = arith.cmpi ne, %rem3A_233, %ne3A_235 : vector<16xi32>
    %and3A_237 = arith.andi %ne3A_231, %ne3A_236 : vector<16xi1>
    %sub3A_238 = arith.constant 1 : i32
    %sub3A_239 = vector.broadcast %sub3A_238 : i32 to vector<16xi32>
    %sub3A_240 = arith.subi %div3A_213, %sub3A_239 : vector<16xi32>
    %select_n3A_241 = arith.select %and3A_237, %sub3A_240, %div3A_213 : vector<16xi1>, vector<16xi32>
    %min3A_242 = arith.constant 45 : i32
    %min3A_243 = vector.broadcast %min3A_242 : i32 to vector<16xi32>
    %min3A_244 = arith.minsi %select_n3A_241, %min3A_243 : vector<16xi32>
    %gather3A_245 = tpu.vector_load_idx %arg5[%min3A_244] : memref<46xi32, #tpu.memory_space<vmem>>[vector<16xi32>], vector<16xi32>,
    %mul3A_246 = arith.constant 3 : i32
    %mul3A_247 = vector.broadcast %mul3A_246 : i32 to vector<16xi32>
    %mul3A_248 = arith.muli %gather3A_245, %mul3A_247 : vector<16xi32>
    %and3A_249 = arith.constant 7 : i32
    %and3A_250 = vector.broadcast %and3A_249 : i32 to vector<16xi32>
    %and3A_251 = arith.andi %mul3A_248, %and3A_250 : vector<16xi32>
    %mul3A_252 = arith.constant 3 : i32
    %mul3A_253 = vector.broadcast %mul3A_252 : i32 to vector<16xi32>
    %mul3A_254 = arith.muli %select_n3A_241, %mul3A_253 : vector<16xi32>
    %sub3A_255 = arith.subi %add3A_210, %mul3A_254 : vector<16xi32>
    %add3A_256 = arith.addi %and3A_251, %sub3A_255 : vector<16xi32>
    %shift_right_arithmetic3A_257 = arith.constant 3 : i32
    %shift_right_arithmetic3A_258 = vector.broadcast %shift_right_arithmetic3A_257 : i32 to vector<16xi32>
    %shift_right_arithmetic3A_259 = arith.shrsi %add3A_256, %shift_right_arithmetic3A_258 : vector<16xi32>
    %mul3A_260 = arith.constant 48 : i32
    %mul3A_261 = vector.broadcast %mul3A_260 : i32 to vector<16xi32>
    %mul3A_262 = arith.muli %mul3A_261, %shift_right_arithmetic3A_259 : vector<16xi32>
    %add3A_263 = arith.addi %select_n3A_241, %mul3A_262 : vector<16xi32>
    %and3A_264 = arith.constant 7 : i32
    %and3A_265 = vector.broadcast %and3A_264 : i32 to vector<16xi32>
    %and3A_266 = arith.andi %add3A_256, %and3A_265 : vector<16xi32>
    %add3A_267 = arith.constant 64 : i32
    %add3A_268 = vector.broadcast %add3A_267 : i32 to vector<16xi32>
    %add3A_269 = arith.addi %iota3A, %add3A_268 : vector<16xi32>
    %jit3A_270 = arith.constant 3 : i32
    %div3A_271 = vector.broadcast %jit3A_270 : i32 to vector<16xi32>
    %div3A_272 = arith.divsi %add3A_269, %div3A_271 : vector<16xi32>
    %sign3A_273 = arith.constant 0 : i32
    %sign3A_274 = vector.broadcast %sign3A_273 : i32 to vector<16xi32>
    %sign3A_275 = arith.cmpi sgt, %add3A_269, %sign3A_274 : vector<16xi32>
    %sign3A_276 = arith.extui %sign3A_275 : vector<16xi1> to vector<16xi32>
    %sign3A_277 = arith.constant 0 : i32
    %sign3A_278 = vector.broadcast %sign3A_277 : i32 to vector<16xi32>
    %sign3A_279 = arith.cmpi slt, %add3A_269, %sign3A_278 : vector<16xi32>
    %sign3A_280 = arith.extui %sign3A_279 : vector<16xi1> to vector<16xi32>
    %sign3A_281 = arith.subi %sign3A_276, %sign3A_280 : vector<16xi32>
    %sign3A_282 = arith.constant 0 : i32
    %sign3A_283 = arith.cmpi sgt, %jit3A_270, %sign3A_282 : i32
    %sign3A_284 = arith.extui %sign3A_283 : i1 to i32
    %sign3A_285 = arith.constant 0 : i32
    %sign3A_286 = arith.cmpi slt, %jit3A_270, %sign3A_285 : i32
    %sign3A_287 = arith.extui %sign3A_286 : i1 to i32
    %sign3A_288 = arith.subi %sign3A_284, %sign3A_287 : i32
    %ne3A_289 = vector.broadcast %sign3A_288 : i32 to vector<16xi32>
    %ne3A_290 = arith.cmpi ne, %sign3A_281, %ne3A_289 : vector<16xi32>
    %rem3A_291 = vector.broadcast %jit3A_270 : i32 to vector<16xi32>
    %rem3A_292 = arith.remsi %add3A_269, %rem3A_291 : vector<16xi32>
    %ne3A_293 = arith.constant 0 : i32
    %ne3A_294 = vector.broadcast %ne3A_293 : i32 to vector<16xi32>
    %ne3A_295 = arith.cmpi ne, %rem3A_292, %ne3A_294 : vector<16xi32>
    %and3A_296 = arith.andi %ne3A_290, %ne3A_295 : vector<16xi1>
    %sub3A_297 = arith.constant 1 : i32
    %sub3A_298 = vector.broadcast %sub3A_297 : i32 to vector<16xi32>
    %sub3A_299 = arith.subi %div3A_272, %sub3A_298 : vector<16xi32>
    %select_n3A_300 = arith.select %and3A_296, %sub3A_299, %div3A_272 : vector<16xi1>, vector<16xi32>
    %min3A_301 = arith.constant 45 : i32
    %min3A_302 = vector.broadcast %min3A_301 : i32 to vector<16xi32>
    %min3A_303 = arith.minsi %select_n3A_300, %min3A_302 : vector<16xi32>
    %gather3A_304 = tpu.vector_load_idx %arg5[%min3A_303] : memref<46xi32, #tpu.memory_space<vmem>>[vector<16xi32>], vector<16xi32>,
    %mul3A_305 = arith.constant 3 : i32
    %mul3A_306 = vector.broadcast %mul3A_305 : i32 to vector<16xi32>
    %mul3A_307 = arith.muli %gather3A_304, %mul3A_306 : vector<16xi32>
    %and3A_308 = arith.constant 7 : i32
    %and3A_309 = vector.broadcast %and3A_308 : i32 to vector<16xi32>
    %and3A_310 = arith.andi %mul3A_307, %and3A_309 : vector<16xi32>
    %mul3A_311 = arith.constant 3 : i32
    %mul3A_312 = vector.broadcast %mul3A_311 : i32 to vector<16xi32>
    %mul3A_313 = arith.muli %select_n3A_300, %mul3A_312 : vector<16xi32>
    %sub3A_314 = arith.subi %add3A_269, %mul3A_313 : vector<16xi32>
    %add3A_315 = arith.addi %and3A_310, %sub3A_314 : vector<16xi32>
    %shift_right_arithmetic3A_316 = arith.constant 3 : i32
    %shift_right_arithmetic3A_317 = vector.broadcast %shift_right_arithmetic3A_316 : i32 to vector<16xi32>
    %shift_right_arithmetic3A_318 = arith.shrsi %add3A_315, %shift_right_arithmetic3A_317 : vector<16xi32>
    %mul3A_319 = arith.constant 48 : i32
    %mul3A_320 = vector.broadcast %mul3A_319 : i32 to vector<16xi32>
    %mul3A_321 = arith.muli %mul3A_320, %shift_right_arithmetic3A_318 : vector<16xi32>
    %add3A_322 = arith.addi %select_n3A_300, %mul3A_321 : vector<16xi32>
    %and3A_323 = arith.constant 7 : i32
    %and3A_324 = vector.broadcast %and3A_323 : i32 to vector<16xi32>
    %and3A_325 = arith.andi %add3A_315, %and3A_324 : vector<16xi32>
    %add3A_326 = arith.constant 80 : i32
    %add3A_327 = vector.broadcast %add3A_326 : i32 to vector<16xi32>
    %add3A_328 = arith.addi %iota3A, %add3A_327 : vector<16xi32>
    %jit3A_329 = arith.constant 3 : i32
    %div3A_330 = vector.broadcast %jit3A_329 : i32 to vector<16xi32>
    %div3A_331 = arith.divsi %add3A_328, %div3A_330 : vector<16xi32>
    %sign3A_332 = arith.constant 0 : i32
    %sign3A_333 = vector.broadcast %sign3A_332 : i32 to vector<16xi32>
    %sign3A_334 = arith.cmpi sgt, %add3A_328, %sign3A_333 : vector<16xi32>
    %sign3A_335 = arith.extui %sign3A_334 : vector<16xi1> to vector<16xi32>
    %sign3A_336 = arith.constant 0 : i32
    %sign3A_337 = vector.broadcast %sign3A_336 : i32 to vector<16xi32>
    %sign3A_338 = arith.cmpi slt, %add3A_328, %sign3A_337 : vector<16xi32>
    %sign3A_339 = arith.extui %sign3A_338 : vector<16xi1> to vector<16xi32>
    %sign3A_340 = arith.subi %sign3A_335, %sign3A_339 : vector<16xi32>
    %sign3A_341 = arith.constant 0 : i32
    %sign3A_342 = arith.cmpi sgt, %jit3A_329, %sign3A_341 : i32
    %sign3A_343 = arith.extui %sign3A_342 : i1 to i32
    %sign3A_344 = arith.constant 0 : i32
    %sign3A_345 = arith.cmpi slt, %jit3A_329, %sign3A_344 : i32
    %sign3A_346 = arith.extui %sign3A_345 : i1 to i32
    %sign3A_347 = arith.subi %sign3A_343, %sign3A_346 : i32
    %ne3A_348 = vector.broadcast %sign3A_347 : i32 to vector<16xi32>
    %ne3A_349 = arith.cmpi ne, %sign3A_340, %ne3A_348 : vector<16xi32>
    %rem3A_350 = vector.broadcast %jit3A_329 : i32 to vector<16xi32>
    %rem3A_351 = arith.remsi %add3A_328, %rem3A_350 : vector<16xi32>
    %ne3A_352 = arith.constant 0 : i32
    %ne3A_353 = vector.broadcast %ne3A_352 : i32 to vector<16xi32>
    %ne3A_354 = arith.cmpi ne, %rem3A_351, %ne3A_353 : vector<16xi32>
    %and3A_355 = arith.andi %ne3A_349, %ne3A_354 : vector<16xi1>
    %sub3A_356 = arith.constant 1 : i32
    %sub3A_357 = vector.broadcast %sub3A_356 : i32 to vector<16xi32>
    %sub3A_358 = arith.subi %div3A_331, %sub3A_357 : vector<16xi32>
    %select_n3A_359 = arith.select %and3A_355, %sub3A_358, %div3A_331 : vector<16xi1>, vector<16xi32>
    %min3A_360 = arith.constant 45 : i32
    %min3A_361 = vector.broadcast %min3A_360 : i32 to vector<16xi32>
    %min3A_362 = arith.minsi %select_n3A_359, %min3A_361 : vector<16xi32>
    %gather3A_363 = tpu.vector_load_idx %arg5[%min3A_362] : memref<46xi32, #tpu.memory_space<vmem>>[vector<16xi32>], vector<16xi32>,
    %mul3A_364 = arith.constant 3 : i32
    %mul3A_365 = vector.broadcast %mul3A_364 : i32 to vector<16xi32>
    %mul3A_366 = arith.muli %gather3A_363, %mul3A_365 : vector<16xi32>
    %and3A_367 = arith.constant 7 : i32
    %and3A_368 = vector.broadcast %and3A_367 : i32 to vector<16xi32>
    %and3A_369 = arith.andi %mul3A_366, %and3A_368 : vector<16xi32>
    %mul3A_370 = arith.constant 3 : i32
    %mul3A_371 = vector.broadcast %mul3A_370 : i32 to vector<16xi32>
    %mul3A_372 = arith.muli %select_n3A_359, %mul3A_371 : vector<16xi32>
    %sub3A_373 = arith.subi %add3A_328, %mul3A_372 : vector<16xi32>
    %add3A_374 = arith.addi %and3A_369, %sub3A_373 : vector<16xi32>
    %shift_right_arithmetic3A_375 = arith.constant 3 : i32
    %shift_right_arithmetic3A_376 = vector.broadcast %shift_right_arithmetic3A_375 : i32 to vector<16xi32>
    %shift_right_arithmetic3A_377 = arith.shrsi %add3A_374, %shift_right_arithmetic3A_376 : vector<16xi32>
    %mul3A_378 = arith.constant 48 : i32
    %mul3A_379 = vector.broadcast %mul3A_378 : i32 to vector<16xi32>
    %mul3A_380 = arith.muli %mul3A_379, %shift_right_arithmetic3A_377 : vector<16xi32>
    %add3A_381 = arith.addi %select_n3A_359, %mul3A_380 : vector<16xi32>
    %and3A_382 = arith.constant 7 : i32
    %and3A_383 = vector.broadcast %and3A_382 : i32 to vector<16xi32>
    %and3A_384 = arith.andi %add3A_374, %and3A_383 : vector<16xi32>
    %add3A_385 = arith.constant 96 : i32
    %add3A_386 = vector.broadcast %add3A_385 : i32 to vector<16xi32>
    %add3A_387 = arith.addi %iota3A, %add3A_386 : vector<16xi32>
    %jit3A_388 = arith.constant 3 : i32
    %div3A_389 = vector.broadcast %jit3A_388 : i32 to vector<16xi32>
    %div3A_390 = arith.divsi %add3A_387, %div3A_389 : vector<16xi32>
    %sign3A_391 = arith.constant 0 : i32
    %sign3A_392 = vector.broadcast %sign3A_391 : i32 to vector<16xi32>
    %sign3A_393 = arith.cmpi sgt, %add3A_387, %sign3A_392 : vector<16xi32>
    %sign3A_394 = arith.extui %sign3A_393 : vector<16xi1> to vector<16xi32>
    %sign3A_395 = arith.constant 0 : i32
    %sign3A_396 = vector.broadcast %sign3A_395 : i32 to vector<16xi32>
    %sign3A_397 = arith.cmpi slt, %add3A_387, %sign3A_396 : vector<16xi32>
    %sign3A_398 = arith.extui %sign3A_397 : vector<16xi1> to vector<16xi32>
    %sign3A_399 = arith.subi %sign3A_394, %sign3A_398 : vector<16xi32>
    %sign3A_400 = arith.constant 0 : i32
    %sign3A_401 = arith.cmpi sgt, %jit3A_388, %sign3A_400 : i32
    %sign3A_402 = arith.extui %sign3A_401 : i1 to i32
    %sign3A_403 = arith.constant 0 : i32
    %sign3A_404 = arith.cmpi slt, %jit3A_388, %sign3A_403 : i32
    %sign3A_405 = arith.extui %sign3A_404 : i1 to i32
    %sign3A_406 = arith.subi %sign3A_402, %sign3A_405 : i32
    %ne3A_407 = vector.broadcast %sign3A_406 : i32 to vector<16xi32>
    %ne3A_408 = arith.cmpi ne, %sign3A_399, %ne3A_407 : vector<16xi32>
    %rem3A_409 = vector.broadcast %jit3A_388 : i32 to vector<16xi32>
    %rem3A_410 = arith.remsi %add3A_387, %rem3A_409 : vector<16xi32>
    %ne3A_411 = arith.constant 0 : i32
    %ne3A_412 = vector.broadcast %ne3A_411 : i32 to vector<16xi32>
    %ne3A_413 = arith.cmpi ne, %rem3A_410, %ne3A_412 : vector<16xi32>
    %and3A_414 = arith.andi %ne3A_408, %ne3A_413 : vector<16xi1>
    %sub3A_415 = arith.constant 1 : i32
    %sub3A_416 = vector.broadcast %sub3A_415 : i32 to vector<16xi32>
    %sub3A_417 = arith.subi %div3A_390, %sub3A_416 : vector<16xi32>
    %select_n3A_418 = arith.select %and3A_414, %sub3A_417, %div3A_390 : vector<16xi1>, vector<16xi32>
    %min3A_419 = arith.constant 45 : i32
    %min3A_420 = vector.broadcast %min3A_419 : i32 to vector<16xi32>
    %min3A_421 = arith.minsi %select_n3A_418, %min3A_420 : vector<16xi32>
    %gather3A_422 = tpu.vector_load_idx %arg5[%min3A_421] : memref<46xi32, #tpu.memory_space<vmem>>[vector<16xi32>], vector<16xi32>,
    %mul3A_423 = arith.constant 3 : i32
    %mul3A_424 = vector.broadcast %mul3A_423 : i32 to vector<16xi32>
    %mul3A_425 = arith.muli %gather3A_422, %mul3A_424 : vector<16xi32>
    %and3A_426 = arith.constant 7 : i32
    %and3A_427 = vector.broadcast %and3A_426 : i32 to vector<16xi32>
    %and3A_428 = arith.andi %mul3A_425, %and3A_427 : vector<16xi32>
    %mul3A_429 = arith.constant 3 : i32
    %mul3A_430 = vector.broadcast %mul3A_429 : i32 to vector<16xi32>
    %mul3A_431 = arith.muli %select_n3A_418, %mul3A_430 : vector<16xi32>
    %sub3A_432 = arith.subi %add3A_387, %mul3A_431 : vector<16xi32>
    %add3A_433 = arith.addi %and3A_428, %sub3A_432 : vector<16xi32>
    %shift_right_arithmetic3A_434 = arith.constant 3 : i32
    %shift_right_arithmetic3A_435 = vector.broadcast %shift_right_arithmetic3A_434 : i32 to vector<16xi32>
    %shift_right_arithmetic3A_436 = arith.shrsi %add3A_433, %shift_right_arithmetic3A_435 : vector<16xi32>
    %mul3A_437 = arith.constant 48 : i32
    %mul3A_438 = vector.broadcast %mul3A_437 : i32 to vector<16xi32>
    %mul3A_439 = arith.muli %mul3A_438, %shift_right_arithmetic3A_436 : vector<16xi32>
    %add3A_440 = arith.addi %select_n3A_418, %mul3A_439 : vector<16xi32>
    %and3A_441 = arith.constant 7 : i32
    %and3A_442 = vector.broadcast %and3A_441 : i32 to vector<16xi32>
    %and3A_443 = arith.andi %add3A_433, %and3A_442 : vector<16xi32>
    %add3A_444 = arith.constant 112 : i32
    %add3A_445 = vector.broadcast %add3A_444 : i32 to vector<16xi32>
    %add3A_446 = arith.addi %iota3A, %add3A_445 : vector<16xi32>
    %jit3A_447 = arith.constant 3 : i32
    %div3A_448 = vector.broadcast %jit3A_447 : i32 to vector<16xi32>
    %div3A_449 = arith.divsi %add3A_446, %div3A_448 : vector<16xi32>
    %sign3A_450 = arith.constant 0 : i32
    %sign3A_451 = vector.broadcast %sign3A_450 : i32 to vector<16xi32>
    %sign3A_452 = arith.cmpi sgt, %add3A_446, %sign3A_451 : vector<16xi32>
    %sign3A_453 = arith.extui %sign3A_452 : vector<16xi1> to vector<16xi32>
    %sign3A_454 = arith.constant 0 : i32
    %sign3A_455 = vector.broadcast %sign3A_454 : i32 to vector<16xi32>
    %sign3A_456 = arith.cmpi slt, %add3A_446, %sign3A_455 : vector<16xi32>
    %sign3A_457 = arith.extui %sign3A_456 : vector<16xi1> to vector<16xi32>
    %sign3A_458 = arith.subi %sign3A_453, %sign3A_457 : vector<16xi32>
    %sign3A_459 = arith.constant 0 : i32
    %sign3A_460 = arith.cmpi sgt, %jit3A_447, %sign3A_459 : i32
    %sign3A_461 = arith.extui %sign3A_460 : i1 to i32
    %sign3A_462 = arith.constant 0 : i32
    %sign3A_463 = arith.cmpi slt, %jit3A_447, %sign3A_462 : i32
    %sign3A_464 = arith.extui %sign3A_463 : i1 to i32
    %sign3A_465 = arith.subi %sign3A_461, %sign3A_464 : i32
    %ne3A_466 = vector.broadcast %sign3A_465 : i32 to vector<16xi32>
    %ne3A_467 = arith.cmpi ne, %sign3A_458, %ne3A_466 : vector<16xi32>
    %rem3A_468 = vector.broadcast %jit3A_447 : i32 to vector<16xi32>
    %rem3A_469 = arith.remsi %add3A_446, %rem3A_468 : vector<16xi32>
    %ne3A_470 = arith.constant 0 : i32
    %ne3A_471 = vector.broadcast %ne3A_470 : i32 to vector<16xi32>
    %ne3A_472 = arith.cmpi ne, %rem3A_469, %ne3A_471 : vector<16xi32>
    %and3A_473 = arith.andi %ne3A_467, %ne3A_472 : vector<16xi1>
    %sub3A_474 = arith.constant 1 : i32
    %sub3A_475 = vector.broadcast %sub3A_474 : i32 to vector<16xi32>
    %sub3A_476 = arith.subi %div3A_449, %sub3A_475 : vector<16xi32>
    %select_n3A_477 = arith.select %and3A_473, %sub3A_476, %div3A_449 : vector<16xi1>, vector<16xi32>
    %min3A_478 = arith.constant 45 : i32
    %min3A_479 = vector.broadcast %min3A_478 : i32 to vector<16xi32>
    %min3A_480 = arith.minsi %select_n3A_477, %min3A_479 : vector<16xi32>
    %gather3A_481 = tpu.vector_load_idx %arg5[%min3A_480] : memref<46xi32, #tpu.memory_space<vmem>>[vector<16xi32>], vector<16xi32>,
    %mul3A_482 = arith.constant 3 : i32
    %mul3A_483 = vector.broadcast %mul3A_482 : i32 to vector<16xi32>
    %mul3A_484 = arith.muli %gather3A_481, %mul3A_483 : vector<16xi32>
    %and3A_485 = arith.constant 7 : i32
    %and3A_486 = vector.broadcast %and3A_485 : i32 to vector<16xi32>
    %and3A_487 = arith.andi %mul3A_484, %and3A_486 : vector<16xi32>
    %mul3A_488 = arith.constant 3 : i32
    %mul3A_489 = vector.broadcast %mul3A_488 : i32 to vector<16xi32>
    %mul3A_490 = arith.muli %select_n3A_477, %mul3A_489 : vector<16xi32>
    %sub3A_491 = arith.subi %add3A_446, %mul3A_490 : vector<16xi32>
    %add3A_492 = arith.addi %and3A_487, %sub3A_491 : vector<16xi32>
    %shift_right_arithmetic3A_493 = arith.constant 3 : i32
    %shift_right_arithmetic3A_494 = vector.broadcast %shift_right_arithmetic3A_493 : i32 to vector<16xi32>
    %shift_right_arithmetic3A_495 = arith.shrsi %add3A_492, %shift_right_arithmetic3A_494 : vector<16xi32>
    %mul3A_496 = arith.constant 48 : i32
    %mul3A_497 = vector.broadcast %mul3A_496 : i32 to vector<16xi32>
    %mul3A_498 = arith.muli %mul3A_497, %shift_right_arithmetic3A_495 : vector<16xi32>
    %add3A_499 = arith.addi %select_n3A_477, %mul3A_498 : vector<16xi32>
    %and3A_500 = arith.constant 7 : i32
    %and3A_501 = vector.broadcast %and3A_500 : i32 to vector<16xi32>
    %and3A_502 = arith.andi %add3A_492, %and3A_501 : vector<16xi32>
    %add3A_503 = arith.constant 128 : i32
    %add3A_504 = vector.broadcast %add3A_503 : i32 to vector<16xi32>
    %add3A_505 = arith.addi %iota3A, %add3A_504 : vector<16xi32>
    %jit3A_506 = arith.constant 3 : i32
    %div3A_507 = vector.broadcast %jit3A_506 : i32 to vector<16xi32>
    %div3A_508 = arith.divsi %add3A_505, %div3A_507 : vector<16xi32>
    %sign3A_509 = arith.constant 0 : i32
    %sign3A_510 = vector.broadcast %sign3A_509 : i32 to vector<16xi32>
    %sign3A_511 = arith.cmpi sgt, %add3A_505, %sign3A_510 : vector<16xi32>
    %sign3A_512 = arith.extui %sign3A_511 : vector<16xi1> to vector<16xi32>
    %sign3A_513 = arith.constant 0 : i32
    %sign3A_514 = vector.broadcast %sign3A_513 : i32 to vector<16xi32>
    %sign3A_515 = arith.cmpi slt, %add3A_505, %sign3A_514 : vector<16xi32>
    %sign3A_516 = arith.extui %sign3A_515 : vector<16xi1> to vector<16xi32>
    %sign3A_517 = arith.subi %sign3A_512, %sign3A_516 : vector<16xi32>
    %sign3A_518 = arith.constant 0 : i32
    %sign3A_519 = arith.cmpi sgt, %jit3A_506, %sign3A_518 : i32
    %sign3A_520 = arith.extui %sign3A_519 : i1 to i32
    %sign3A_521 = arith.constant 0 : i32
    %sign3A_522 = arith.cmpi slt, %jit3A_506, %sign3A_521 : i32
    %sign3A_523 = arith.extui %sign3A_522 : i1 to i32
    %sign3A_524 = arith.subi %sign3A_520, %sign3A_523 : i32
    %ne3A_525 = vector.broadcast %sign3A_524 : i32 to vector<16xi32>
    %ne3A_526 = arith.cmpi ne, %sign3A_517, %ne3A_525 : vector<16xi32>
    %rem3A_527 = vector.broadcast %jit3A_506 : i32 to vector<16xi32>
    %rem3A_528 = arith.remsi %add3A_505, %rem3A_527 : vector<16xi32>
    %ne3A_529 = arith.constant 0 : i32
    %ne3A_530 = vector.broadcast %ne3A_529 : i32 to vector<16xi32>
    %ne3A_531 = arith.cmpi ne, %rem3A_528, %ne3A_530 : vector<16xi32>
    %and3A_532 = arith.andi %ne3A_526, %ne3A_531 : vector<16xi1>
    %sub3A_533 = arith.constant 1 : i32
    %sub3A_534 = vector.broadcast %sub3A_533 : i32 to vector<16xi32>
    %sub3A_535 = arith.subi %div3A_508, %sub3A_534 : vector<16xi32>
    %select_n3A_536 = arith.select %and3A_532, %sub3A_535, %div3A_508 : vector<16xi1>, vector<16xi32>
    %min3A_537 = arith.constant 45 : i32
    %min3A_538 = vector.broadcast %min3A_537 : i32 to vector<16xi32>
    %min3A_539 = arith.minsi %select_n3A_536, %min3A_538 : vector<16xi32>
    %gather3A_540 = tpu.vector_load_idx %arg5[%min3A_539] : memref<46xi32, #tpu.memory_space<vmem>>[vector<16xi32>], vector<16xi32>,
    %mul3A_541 = arith.constant 3 : i32
    %mul3A_542 = vector.broadcast %mul3A_541 : i32 to vector<16xi32>
    %mul3A_543 = arith.muli %gather3A_540, %mul3A_542 : vector<16xi32>
    %and3A_544 = arith.constant 7 : i32
    %and3A_545 = vector.broadcast %and3A_544 : i32 to vector<16xi32>
    %and3A_546 = arith.andi %mul3A_543, %and3A_545 : vector<16xi32>
    %mul3A_547 = arith.constant 3 : i32
    %mul3A_548 = vector.broadcast %mul3A_547 : i32 to vector<16xi32>
    %mul3A_549 = arith.muli %select_n3A_536, %mul3A_548 : vector<16xi32>
    %sub3A_550 = arith.subi %add3A_505, %mul3A_549 : vector<16xi32>
    %add3A_551 = arith.addi %and3A_546, %sub3A_550 : vector<16xi32>
    %shift_right_arithmetic3A_552 = arith.constant 3 : i32
    %shift_right_arithmetic3A_553 = vector.broadcast %shift_right_arithmetic3A_552 : i32 to vector<16xi32>
    %shift_right_arithmetic3A_554 = arith.shrsi %add3A_551, %shift_right_arithmetic3A_553 : vector<16xi32>
    %mul3A_555 = arith.constant 48 : i32
    %mul3A_556 = vector.broadcast %mul3A_555 : i32 to vector<16xi32>
    %mul3A_557 = arith.muli %mul3A_556, %shift_right_arithmetic3A_554 : vector<16xi32>
    %add3A_558 = arith.addi %select_n3A_536, %mul3A_557 : vector<16xi32>
    %and3A_559 = arith.constant 7 : i32
    %and3A_560 = vector.broadcast %and3A_559 : i32 to vector<16xi32>
    %and3A_561 = arith.andi %add3A_551, %and3A_560 : vector<16xi32>
    %add3A_562 = arith.constant 144 : i32
    %add3A_563 = vector.broadcast %add3A_562 : i32 to vector<16xi32>
    %add3A_564 = arith.addi %iota3A, %add3A_563 : vector<16xi32>
    %jit3A_565 = arith.constant 3 : i32
    %div3A_566 = vector.broadcast %jit3A_565 : i32 to vector<16xi32>
    %div3A_567 = arith.divsi %add3A_564, %div3A_566 : vector<16xi32>
    %sign3A_568 = arith.constant 0 : i32
    %sign3A_569 = vector.broadcast %sign3A_568 : i32 to vector<16xi32>
    %sign3A_570 = arith.cmpi sgt, %add3A_564, %sign3A_569 : vector<16xi32>
    %sign3A_571 = arith.extui %sign3A_570 : vector<16xi1> to vector<16xi32>
    %sign3A_572 = arith.constant 0 : i32
    %sign3A_573 = vector.broadcast %sign3A_572 : i32 to vector<16xi32>
    %sign3A_574 = arith.cmpi slt, %add3A_564, %sign3A_573 : vector<16xi32>
    %sign3A_575 = arith.extui %sign3A_574 : vector<16xi1> to vector<16xi32>
    %sign3A_576 = arith.subi %sign3A_571, %sign3A_575 : vector<16xi32>
    %sign3A_577 = arith.constant 0 : i32
    %sign3A_578 = arith.cmpi sgt, %jit3A_565, %sign3A_577 : i32
    %sign3A_579 = arith.extui %sign3A_578 : i1 to i32
    %sign3A_580 = arith.constant 0 : i32
    %sign3A_581 = arith.cmpi slt, %jit3A_565, %sign3A_580 : i32
    %sign3A_582 = arith.extui %sign3A_581 : i1 to i32
    %sign3A_583 = arith.subi %sign3A_579, %sign3A_582 : i32
    %ne3A_584 = vector.broadcast %sign3A_583 : i32 to vector<16xi32>
    %ne3A_585 = arith.cmpi ne, %sign3A_576, %ne3A_584 : vector<16xi32>
    %rem3A_586 = vector.broadcast %jit3A_565 : i32 to vector<16xi32>
    %rem3A_587 = arith.remsi %add3A_564, %rem3A_586 : vector<16xi32>
    %ne3A_588 = arith.constant 0 : i32
    %ne3A_589 = vector.broadcast %ne3A_588 : i32 to vector<16xi32>
    %ne3A_590 = arith.cmpi ne, %rem3A_587, %ne3A_589 : vector<16xi32>
    %and3A_591 = arith.andi %ne3A_585, %ne3A_590 : vector<16xi1>
    %sub3A_592 = arith.constant 1 : i32
    %sub3A_593 = vector.broadcast %sub3A_592 : i32 to vector<16xi32>
    %sub3A_594 = arith.subi %div3A_567, %sub3A_593 : vector<16xi32>
    %select_n3A_595 = arith.select %and3A_591, %sub3A_594, %div3A_567 : vector<16xi1>, vector<16xi32>
    %min3A_596 = arith.constant 45 : i32
    %min3A_597 = vector.broadcast %min3A_596 : i32 to vector<16xi32>
    %min3A_598 = arith.minsi %select_n3A_595, %min3A_597 : vector<16xi32>
    %gather3A_599 = tpu.vector_load_idx %arg5[%min3A_598] : memref<46xi32, #tpu.memory_space<vmem>>[vector<16xi32>], vector<16xi32>,
    %mul3A_600 = arith.constant 3 : i32
    %mul3A_601 = vector.broadcast %mul3A_600 : i32 to vector<16xi32>
    %mul3A_602 = arith.muli %gather3A_599, %mul3A_601 : vector<16xi32>
    %and3A_603 = arith.constant 7 : i32
    %and3A_604 = vector.broadcast %and3A_603 : i32 to vector<16xi32>
    %and3A_605 = arith.andi %mul3A_602, %and3A_604 : vector<16xi32>
    %mul3A_606 = arith.constant 3 : i32
    %mul3A_607 = vector.broadcast %mul3A_606 : i32 to vector<16xi32>
    %mul3A_608 = arith.muli %select_n3A_595, %mul3A_607 : vector<16xi32>
    %sub3A_609 = arith.subi %add3A_564, %mul3A_608 : vector<16xi32>
    %add3A_610 = arith.addi %and3A_605, %sub3A_609 : vector<16xi32>
    %shift_right_arithmetic3A_611 = arith.constant 3 : i32
    %shift_right_arithmetic3A_612 = vector.broadcast %shift_right_arithmetic3A_611 : i32 to vector<16xi32>
    %shift_right_arithmetic3A_613 = arith.shrsi %add3A_610, %shift_right_arithmetic3A_612 : vector<16xi32>
    %mul3A_614 = arith.constant 48 : i32
    %mul3A_615 = vector.broadcast %mul3A_614 : i32 to vector<16xi32>
    %mul3A_616 = arith.muli %mul3A_615, %shift_right_arithmetic3A_613 : vector<16xi32>
    %add3A_617 = arith.addi %select_n3A_595, %mul3A_616 : vector<16xi32>
    %and3A_618 = arith.constant 7 : i32
    %and3A_619 = vector.broadcast %and3A_618 : i32 to vector<16xi32>
    %and3A_620 = arith.andi %add3A_610, %and3A_619 : vector<16xi32>
    %scan3A = arith.constant 0 : i32
    %scan3A_621 = arith.constant 0 : i32
    %scan3A_622 = arith.constant 16 : i32
    %scan3A_623 = arith.addi %scan3A_621, %scan3A_622 : i32
    %scan3A_624 = arith.constant 1 : i32
    scf.for %scan3A_628 = %scan3A_621 to %scan3A_623 step %scan3A_624  : i32 {
      %mul3A_629 = arith.constant 8 : i32
      %mul3A_630 = arith.muli %scan3A_628, %mul3A_629 : i32
      %add3A_631 = arith.constant 0 : i32
      %add3A_632 = arith.addi %mul3A_630, %add3A_631 : i32
      %jit3A_633 = arith.constant 16 : i32
      %eq3A = arith.constant 0 : i32
      %eq3A_634 = arith.cmpi eq, %jit3A_633, %eq3A : i32
      %jit3A_635 = arith.constant 1 : i32
      %select_n3A_636 = arith.select %eq3A_634, %jit3A_635, %jit3A_633 : i32
      %rem3A_637 = arith.remsi %add3A_632, %select_n3A_636 : i32
      %ne3A_638 = arith.constant 0 : i32
      %ne3A_639 = arith.cmpi ne, %rem3A_637, %ne3A_638 : i32
      %lt3A = arith.constant 0 : i32
      %lt3A_640 = arith.cmpi slt, %rem3A_637, %lt3A : i32
      %lt3A_641 = arith.constant 0 : i32
      %lt3A_642 = arith.cmpi slt, %select_n3A_636, %lt3A_641 : i32
      %ne3A_643 = arith.xori %lt3A_640, %lt3A_642 : i1
      %and3A_644 = arith.andi %ne3A_643, %ne3A_639 : i1
      %add3A_645 = arith.addi %rem3A_637, %select_n3A_636 : i32
      %select_n3A_646 = arith.select %and3A_644, %add3A_645, %rem3A_637 : i32
      %add3A_647 = arith.addi %mul3A_2, %add3A_632 : i32
      %mul3A_648 = arith.constant 1515 : i32
      %mul3A_649 = arith.muli %add3A_647, %mul3A_648 : i32
      %add3A_650 = vector.broadcast %mul3A_649 : i32 to vector<16xi32>
      %add3A_651 = arith.addi %shift_right_arithmetic3A_12, %add3A_650 : vector<16xi32>
      %swap3A = arith.index_cast %select_n3A_646 : i32 to index
      %swap3A_652 = arith.constant 0 : index
      %swap3A_653 = tpu.vector_load %arg6[%swap3A, %swap3A_652] {strides = array<i32>} : memref<16x96xi32, #tpu.memory_space<vmem>>, vector<16xi32>,
      tpu.vector_store %arg6[%swap3A, %swap3A_652], %add3A_651 {strides = array<i32>} : memref<16x96xi32, #tpu.memory_space<vmem>>, vector<16xi32>,
      %add3A_654 = arith.constant 1 : i32
      %add3A_655 = vector.broadcast %add3A_654 : i32 to vector<16xi32>
      %add3A_656 = arith.addi %add3A_651, %add3A_655 : vector<16xi32>
      %min3A_657 = arith.constant 6205439 : i32
      %min3A_658 = vector.broadcast %min3A_657 : i32 to vector<16xi32>
      %min3A_659 = arith.minsi %add3A_656, %min3A_658 : vector<16xi32>
      %swap3A_660 = arith.index_cast %select_n3A_646 : i32 to index
      %swap3A_661 = arith.constant 48 : index
      %swap3A_662 = tpu.vector_load %arg6[%swap3A_660, %swap3A_661] {strides = array<i32>} : memref<16x96xi32, #tpu.memory_space<vmem>>, vector<16xi32>,
      tpu.vector_store %arg6[%swap3A_660, %swap3A_661], %min3A_659 {strides = array<i32>} : memref<16x96xi32, #tpu.memory_space<vmem>>, vector<16xi32>,
      %add3A_663 = vector.broadcast %mul3A_649 : i32 to vector<16xi32>
      %add3A_664 = arith.addi %shift_right_arithmetic3A_25, %add3A_663 : vector<16xi32>
      %swap3A_665 = arith.index_cast %select_n3A_646 : i32 to index
      %swap3A_666 = arith.constant 16 : index
      %swap3A_667 = tpu.vector_load %arg6[%swap3A_665, %swap3A_666] {strides = array<i32>} : memref<16x96xi32, #tpu.memory_space<vmem>>, vector<16xi32>,
      tpu.vector_store %arg6[%swap3A_665, %swap3A_666], %add3A_664 {strides = array<i32>} : memref<16x96xi32, #tpu.memory_space<vmem>>, vector<16xi32>,
      %add3A_668 = arith.constant 1 : i32
      %add3A_669 = vector.broadcast %add3A_668 : i32 to vector<16xi32>
      %add3A_670 = arith.addi %add3A_664, %add3A_669 : vector<16xi32>
      %min3A_671 = arith.constant 6205439 : i32
      %min3A_672 = vector.broadcast %min3A_671 : i32 to vector<16xi32>
      %min3A_673 = arith.minsi %add3A_670, %min3A_672 : vector<16xi32>
      %swap3A_674 = arith.index_cast %select_n3A_646 : i32 to index
      %swap3A_675 = arith.constant 64 : index
      %swap3A_676 = tpu.vector_load %arg6[%swap3A_674, %swap3A_675] {strides = array<i32>} : memref<16x96xi32, #tpu.memory_space<vmem>>, vector<16xi32>,
      tpu.vector_store %arg6[%swap3A_674, %swap3A_675], %min3A_673 {strides = array<i32>} : memref<16x96xi32, #tpu.memory_space<vmem>>, vector<16xi32>,
      %add3A_677 = vector.broadcast %mul3A_649 : i32 to vector<16xi32>
      %add3A_678 = arith.addi %shift_right_arithmetic3A_38, %add3A_677 : vector<16xi32>
      %swap3A_679 = arith.index_cast %select_n3A_646 : i32 to index
      %swap3A_680 = arith.constant 32 : index
      %swap3A_681 = tpu.vector_load %arg6[%swap3A_679, %swap3A_680] {strides = array<i32>} : memref<16x96xi32, #tpu.memory_space<vmem>>, vector<16xi32>,
      tpu.vector_store %arg6[%swap3A_679, %swap3A_680], %add3A_678 {strides = array<i32>} : memref<16x96xi32, #tpu.memory_space<vmem>>, vector<16xi32>,
      %add3A_682 = arith.constant 1 : i32
      %add3A_683 = vector.broadcast %add3A_682 : i32 to vector<16xi32>
      %add3A_684 = arith.addi %add3A_678, %add3A_683 : vector<16xi32>
      %min3A_685 = arith.constant 6205439 : i32
      %min3A_686 = vector.broadcast %min3A_685 : i32 to vector<16xi32>
      %min3A_687 = arith.minsi %add3A_684, %min3A_686 : vector<16xi32>
      %swap3A_688 = arith.index_cast %select_n3A_646 : i32 to index
      %swap3A_689 = arith.constant 80 : index
      %swap3A_690 = tpu.vector_load %arg6[%swap3A_688, %swap3A_689] {strides = array<i32>} : memref<16x96xi32, #tpu.memory_space<vmem>>, vector<16xi32>,
      tpu.vector_store %arg6[%swap3A_688, %swap3A_689], %min3A_687 {strides = array<i32>} : memref<16x96xi32, #tpu.memory_space<vmem>>, vector<16xi32>,
      %dma_start3A = arith.constant 0 : i32
      %dma_start3A_691 = arith.constant 0 : i32
      %dma_start3A_692 = tpu.memref_slice %arg7[%select_n3A_646, %dma_start3A, %dma_start3A_691] : memref<16x96x8xf32, #tpu.memory_space<vmem>> -> memref<1x96x8xf32, #tpu.memory_space<vmem>>
      %dma_start3A_693 = tpu.memref_squeeze %dma_start3A_692 : memref<1x96x8xf32, #tpu.memory_space<vmem>> -> memref<96x8xf32, #tpu.memory_space<vmem>>
      %dma_start3A_694 = arith.constant 0 : i32
      %dma_start3A_695 = tpu.memref_slice %arg6[%select_n3A_646, %dma_start3A_694] : memref<16x96xi32, #tpu.memory_space<vmem>> -> memref<1x96xi32, #tpu.memory_space<vmem>>
      %dma_start3A_696 = tpu.memref_squeeze %dma_start3A_695 : memref<1x96xi32, #tpu.memory_space<vmem>> -> memref<96xi32, #tpu.memory_space<vmem>>
      %dma_start3A_697 = arith.constant 0 : i32
      %dma_start3A_698 = arith.constant 0 : i32
      %dma_start3A_699 = tpu.memref_slice %arg2[%dma_start3A_697, %dma_start3A_698] : memref<6205440x8xf32, #tpu.memory_space<hbm>> -> memref<6205440x8xf32, #tpu.memory_space<hbm>>
      tpu.enqueue_indirect_dma source(%dma_start3A_699 : memref<6205440x8xf32, #tpu.memory_space<hbm>>) target(%dma_start3A_693 : memref<96x8xf32, #tpu.memory_space<vmem>>) offsets(%dma_start3A_696 : memref<96xi32, #tpu.memory_space<vmem>>) semaphore(%arg9 : memref<!tpu.dma_semaphore, #tpu.memory_space<semaphore_mem>>)
      %add3A_700 = arith.constant 1 : i32
      %add3A_701 = arith.addi %mul3A_630, %add3A_700 : i32
      %jit3A_702 = arith.constant 16 : i32
      %eq3A_703 = arith.constant 0 : i32
      %eq3A_704 = arith.cmpi eq, %jit3A_702, %eq3A_703 : i32
      %jit3A_705 = arith.constant 1 : i32
      %select_n3A_706 = arith.select %eq3A_704, %jit3A_705, %jit3A_702 : i32
      %rem3A_707 = arith.remsi %add3A_701, %select_n3A_706 : i32
      %ne3A_708 = arith.constant 0 : i32
      %ne3A_709 = arith.cmpi ne, %rem3A_707, %ne3A_708 : i32
      %lt3A_710 = arith.constant 0 : i32
      %lt3A_711 = arith.cmpi slt, %rem3A_707, %lt3A_710 : i32
      %lt3A_712 = arith.constant 0 : i32
      %lt3A_713 = arith.cmpi slt, %select_n3A_706, %lt3A_712 : i32
      %ne3A_714 = arith.xori %lt3A_711, %lt3A_713 : i1
      %and3A_715 = arith.andi %ne3A_714, %ne3A_709 : i1
      %add3A_716 = arith.addi %rem3A_707, %select_n3A_706 : i32
      %select_n3A_717 = arith.select %and3A_715, %add3A_716, %rem3A_707 : i32
      %add3A_718 = arith.addi %mul3A_2, %add3A_701 : i32
      %mul3A_719 = arith.constant 1515 : i32
      %mul3A_720 = arith.muli %add3A_718, %mul3A_719 : i32
      %add3A_721 = vector.broadcast %mul3A_720 : i32 to vector<16xi32>
      %add3A_722 = arith.addi %shift_right_arithmetic3A_12, %add3A_721 : vector<16xi32>
      %swap3A_723 = arith.index_cast %select_n3A_717 : i32 to index
      %swap3A_724 = arith.constant 0 : index
      %swap3A_725 = tpu.vector_load %arg6[%swap3A_723, %swap3A_724] {strides = array<i32>} : memref<16x96xi32, #tpu.memory_space<vmem>>, vector<16xi32>,
      tpu.vector_store %arg6[%swap3A_723, %swap3A_724], %add3A_722 {strides = array<i32>} : memref<16x96xi32, #tpu.memory_space<vmem>>, vector<16xi32>,
      %add3A_726 = arith.constant 1 : i32
      %add3A_727 = vector.broadcast %add3A_726 : i32 to vector<16xi32>
      %add3A_728 = arith.addi %add3A_722, %add3A_727 : vector<16xi32>
      %min3A_729 = arith.constant 6205439 : i32
      %min3A_730 = vector.broadcast %min3A_729 : i32 to vector<16xi32>
      %min3A_731 = arith.minsi %add3A_728, %min3A_730 : vector<16xi32>
      %swap3A_732 = arith.index_cast %select_n3A_717 : i32 to index
      %swap3A_733 = arith.constant 48 : index
      %swap3A_734 = tpu.vector_load %arg6[%swap3A_732, %swap3A_733] {strides = array<i32>} : memref<16x96xi32, #tpu.memory_space<vmem>>, vector<16xi32>,
      tpu.vector_store %arg6[%swap3A_732, %swap3A_733], %min3A_731 {strides = array<i32>} : memref<16x96xi32, #tpu.memory_space<vmem>>, vector<16xi32>,
      %add3A_735 = vector.broadcast %mul3A_720 : i32 to vector<16xi32>
      %add3A_736 = arith.addi %shift_right_arithmetic3A_25, %add3A_735 : vector<16xi32>
      %swap3A_737 = arith.index_cast %select_n3A_717 : i32 to index
      %swap3A_738 = arith.constant 16 : index
      %swap3A_739 = tpu.vector_load %arg6[%swap3A_737, %swap3A_738] {strides = array<i32>} : memref<16x96xi32, #tpu.memory_space<vmem>>, vector<16xi32>,
      tpu.vector_store %arg6[%swap3A_737, %swap3A_738], %add3A_736 {strides = array<i32>} : memref<16x96xi32, #tpu.memory_space<vmem>>, vector<16xi32>,
      %add3A_740 = arith.constant 1 : i32
      %add3A_741 = vector.broadcast %add3A_740 : i32 to vector<16xi32>
      %add3A_742 = arith.addi %add3A_736, %add3A_741 : vector<16xi32>
      %min3A_743 = arith.constant 6205439 : i32
      %min3A_744 = vector.broadcast %min3A_743 : i32 to vector<16xi32>
      %min3A_745 = arith.minsi %add3A_742, %min3A_744 : vector<16xi32>
      %swap3A_746 = arith.index_cast %select_n3A_717 : i32 to index
      %swap3A_747 = arith.constant 64 : index
      %swap3A_748 = tpu.vector_load %arg6[%swap3A_746, %swap3A_747] {strides = array<i32>} : memref<16x96xi32, #tpu.memory_space<vmem>>, vector<16xi32>,
      tpu.vector_store %arg6[%swap3A_746, %swap3A_747], %min3A_745 {strides = array<i32>} : memref<16x96xi32, #tpu.memory_space<vmem>>, vector<16xi32>,
      %add3A_749 = vector.broadcast %mul3A_720 : i32 to vector<16xi32>
      %add3A_750 = arith.addi %shift_right_arithmetic3A_38, %add3A_749 : vector<16xi32>
      %swap3A_751 = arith.index_cast %select_n3A_717 : i32 to index
      %swap3A_752 = arith.constant 32 : index
      %swap3A_753 = tpu.vector_load %arg6[%swap3A_751, %swap3A_752] {strides = array<i32>} : memref<16x96xi32, #tpu.memory_space<vmem>>, vector<16xi32>,
      tpu.vector_store %arg6[%swap3A_751, %swap3A_752], %add3A_750 {strides = array<i32>} : memref<16x96xi32, #tpu.memory_space<vmem>>, vector<16xi32>,
      %add3A_754 = arith.constant 1 : i32
      %add3A_755 = vector.broadcast %add3A_754 : i32 to vector<16xi32>
      %add3A_756 = arith.addi %add3A_750, %add3A_755 : vector<16xi32>
      %min3A_757 = arith.constant 6205439 : i32
      %min3A_758 = vector.broadcast %min3A_757 : i32 to vector<16xi32>
      %min3A_759 = arith.minsi %add3A_756, %min3A_758 : vector<16xi32>
      %swap3A_760 = arith.index_cast %select_n3A_717 : i32 to index
      %swap3A_761 = arith.constant 80 : index
      %swap3A_762 = tpu.vector_load %arg6[%swap3A_760, %swap3A_761] {strides = array<i32>} : memref<16x96xi32, #tpu.memory_space<vmem>>, vector<16xi32>,
      tpu.vector_store %arg6[%swap3A_760, %swap3A_761], %min3A_759 {strides = array<i32>} : memref<16x96xi32, #tpu.memory_space<vmem>>, vector<16xi32>,
      %dma_start3A_763 = arith.constant 0 : i32
      %dma_start3A_764 = arith.constant 0 : i32
      %dma_start3A_765 = tpu.memref_slice %arg7[%select_n3A_717, %dma_start3A_763, %dma_start3A_764] : memref<16x96x8xf32, #tpu.memory_space<vmem>> -> memref<1x96x8xf32, #tpu.memory_space<vmem>>
      %dma_start3A_766 = tpu.memref_squeeze %dma_start3A_765 : memref<1x96x8xf32, #tpu.memory_space<vmem>> -> memref<96x8xf32, #tpu.memory_space<vmem>>
      %dma_start3A_767 = arith.constant 0 : i32
      %dma_start3A_768 = tpu.memref_slice %arg6[%select_n3A_717, %dma_start3A_767] : memref<16x96xi32, #tpu.memory_space<vmem>> -> memref<1x96xi32, #tpu.memory_space<vmem>>
      %dma_start3A_769 = tpu.memref_squeeze %dma_start3A_768 : memref<1x96xi32, #tpu.memory_space<vmem>> -> memref<96xi32, #tpu.memory_space<vmem>>
      %dma_start3A_770 = arith.constant 0 : i32
      %dma_start3A_771 = arith.constant 0 : i32
      %dma_start3A_772 = tpu.memref_slice %arg2[%dma_start3A_770, %dma_start3A_771] : memref<6205440x8xf32, #tpu.memory_space<hbm>> -> memref<6205440x8xf32, #tpu.memory_space<hbm>>
      tpu.enqueue_indirect_dma source(%dma_start3A_772 : memref<6205440x8xf32, #tpu.memory_space<hbm>>) target(%dma_start3A_766 : memref<96x8xf32, #tpu.memory_space<vmem>>) offsets(%dma_start3A_769 : memref<96xi32, #tpu.memory_space<vmem>>) semaphore(%arg9 : memref<!tpu.dma_semaphore, #tpu.memory_space<semaphore_mem>>)
      %add3A_773 = arith.constant 2 : i32
      %add3A_774 = arith.addi %mul3A_630, %add3A_773 : i32
      %jit3A_775 = arith.constant 16 : i32
      %eq3A_776 = arith.constant 0 : i32
      %eq3A_777 = arith.cmpi eq, %jit3A_775, %eq3A_776 : i32
      %jit3A_778 = arith.constant 1 : i32
      %select_n3A_779 = arith.select %eq3A_777, %jit3A_778, %jit3A_775 : i32
      %rem3A_780 = arith.remsi %add3A_774, %select_n3A_779 : i32
      %ne3A_781 = arith.constant 0 : i32
      %ne3A_782 = arith.cmpi ne, %rem3A_780, %ne3A_781 : i32
      %lt3A_783 = arith.constant 0 : i32
      %lt3A_784 = arith.cmpi slt, %rem3A_780, %lt3A_783 : i32
      %lt3A_785 = arith.constant 0 : i32
      %lt3A_786 = arith.cmpi slt, %select_n3A_779, %lt3A_785 : i32
      %ne3A_787 = arith.xori %lt3A_784, %lt3A_786 : i1
      %and3A_788 = arith.andi %ne3A_787, %ne3A_782 : i1
      %add3A_789 = arith.addi %rem3A_780, %select_n3A_779 : i32
      %select_n3A_790 = arith.select %and3A_788, %add3A_789, %rem3A_780 : i32
      %add3A_791 = arith.addi %mul3A_2, %add3A_774 : i32
      %mul3A_792 = arith.constant 1515 : i32
      %mul3A_793 = arith.muli %add3A_791, %mul3A_792 : i32
      %add3A_794 = vector.broadcast %mul3A_793 : i32 to vector<16xi32>
      %add3A_795 = arith.addi %shift_right_arithmetic3A_12, %add3A_794 : vector<16xi32>
      %swap3A_796 = arith.index_cast %select_n3A_790 : i32 to index
      %swap3A_797 = arith.constant 0 : index
      %swap3A_798 = tpu.vector_load %arg6[%swap3A_796, %swap3A_797] {strides = array<i32>} : memref<16x96xi32, #tpu.memory_space<vmem>>, vector<16xi32>,
      tpu.vector_store %arg6[%swap3A_796, %swap3A_797], %add3A_795 {strides = array<i32>} : memref<16x96xi32, #tpu.memory_space<vmem>>, vector<16xi32>,
      %add3A_799 = arith.constant 1 : i32
      %add3A_800 = vector.broadcast %add3A_799 : i32 to vector<16xi32>
      %add3A_801 = arith.addi %add3A_795, %add3A_800 : vector<16xi32>
      %min3A_802 = arith.constant 6205439 : i32
      %min3A_803 = vector.broadcast %min3A_802 : i32 to vector<16xi32>
      %min3A_804 = arith.minsi %add3A_801, %min3A_803 : vector<16xi32>
      %swap3A_805 = arith.index_cast %select_n3A_790 : i32 to index
      %swap3A_806 = arith.constant 48 : index
      %swap3A_807 = tpu.vector_load %arg6[%swap3A_805, %swap3A_806] {strides = array<i32>} : memref<16x96xi32, #tpu.memory_space<vmem>>, vector<16xi32>,
      tpu.vector_store %arg6[%swap3A_805, %swap3A_806], %min3A_804 {strides = array<i32>} : memref<16x96xi32, #tpu.memory_space<vmem>>, vector<16xi32>,
      %add3A_808 = vector.broadcast %mul3A_793 : i32 to vector<16xi32>
      %add3A_809 = arith.addi %shift_right_arithmetic3A_25, %add3A_808 : vector<16xi32>
      %swap3A_810 = arith.index_cast %select_n3A_790 : i32 to index
      %swap3A_811 = arith.constant 16 : index
      %swap3A_812 = tpu.vector_load %arg6[%swap3A_810, %swap3A_811] {strides = array<i32>} : memref<16x96xi32, #tpu.memory_space<vmem>>, vector<16xi32>,
      tpu.vector_store %arg6[%swap3A_810, %swap3A_811], %add3A_809 {strides = array<i32>} : memref<16x96xi32, #tpu.memory_space<vmem>>, vector<16xi32>,
      %add3A_813 = arith.constant 1 : i32
      %add3A_814 = vector.broadcast %add3A_813 : i32 to vector<16xi32>
      %add3A_815 = arith.addi %add3A_809, %add3A_814 : vector<16xi32>
      %min3A_816 = arith.constant 6205439 : i32
      %min3A_817 = vector.broadcast %min3A_816 : i32 to vector<16xi32>
      %min3A_818 = arith.minsi %add3A_815, %min3A_817 : vector<16xi32>
      %swap3A_819 = arith.index_cast %select_n3A_790 : i32 to index
      %swap3A_820 = arith.constant 64 : index
      %swap3A_821 = tpu.vector_load %arg6[%swap3A_819, %swap3A_820] {strides = array<i32>} : memref<16x96xi32, #tpu.memory_space<vmem>>, vector<16xi32>,
      tpu.vector_store %arg6[%swap3A_819, %swap3A_820], %min3A_818 {strides = array<i32>} : memref<16x96xi32, #tpu.memory_space<vmem>>, vector<16xi32>,
      %add3A_822 = vector.broadcast %mul3A_793 : i32 to vector<16xi32>
      %add3A_823 = arith.addi %shift_right_arithmetic3A_38, %add3A_822 : vector<16xi32>
      %swap3A_824 = arith.index_cast %select_n3A_790 : i32 to index
      %swap3A_825 = arith.constant 32 : index
      %swap3A_826 = tpu.vector_load %arg6[%swap3A_824, %swap3A_825] {strides = array<i32>} : memref<16x96xi32, #tpu.memory_space<vmem>>, vector<16xi32>,
      tpu.vector_store %arg6[%swap3A_824, %swap3A_825], %add3A_823 {strides = array<i32>} : memref<16x96xi32, #tpu.memory_space<vmem>>, vector<16xi32>,
      %add3A_827 = arith.constant 1 : i32
      %add3A_828 = vector.broadcast %add3A_827 : i32 to vector<16xi32>
      %add3A_829 = arith.addi %add3A_823, %add3A_828 : vector<16xi32>
      %min3A_830 = arith.constant 6205439 : i32
      %min3A_831 = vector.broadcast %min3A_830 : i32 to vector<16xi32>
      %min3A_832 = arith.minsi %add3A_829, %min3A_831 : vector<16xi32>
      %swap3A_833 = arith.index_cast %select_n3A_790 : i32 to index
      %swap3A_834 = arith.constant 80 : index
      %swap3A_835 = tpu.vector_load %arg6[%swap3A_833, %swap3A_834] {strides = array<i32>} : memref<16x96xi32, #tpu.memory_space<vmem>>, vector<16xi32>,
      tpu.vector_store %arg6[%swap3A_833, %swap3A_834], %min3A_832 {strides = array<i32>} : memref<16x96xi32, #tpu.memory_space<vmem>>, vector<16xi32>,
      %dma_start3A_836 = arith.constant 0 : i32
      %dma_start3A_837 = arith.constant 0 : i32
      %dma_start3A_838 = tpu.memref_slice %arg7[%select_n3A_790, %dma_start3A_836, %dma_start3A_837] : memref<16x96x8xf32, #tpu.memory_space<vmem>> -> memref<1x96x8xf32, #tpu.memory_space<vmem>>
      %dma_start3A_839 = tpu.memref_squeeze %dma_start3A_838 : memref<1x96x8xf32, #tpu.memory_space<vmem>> -> memref<96x8xf32, #tpu.memory_space<vmem>>
      %dma_start3A_840 = arith.constant 0 : i32
      %dma_start3A_841 = tpu.memref_slice %arg6[%select_n3A_790, %dma_start3A_840] : memref<16x96xi32, #tpu.memory_space<vmem>> -> memref<1x96xi32, #tpu.memory_space<vmem>>
      %dma_start3A_842 = tpu.memref_squeeze %dma_start3A_841 : memref<1x96xi32, #tpu.memory_space<vmem>> -> memref<96xi32, #tpu.memory_space<vmem>>
      %dma_start3A_843 = arith.constant 0 : i32
      %dma_start3A_844 = arith.constant 0 : i32
      %dma_start3A_845 = tpu.memref_slice %arg2[%dma_start3A_843, %dma_start3A_844] : memref<6205440x8xf32, #tpu.memory_space<hbm>> -> memref<6205440x8xf32, #tpu.memory_space<hbm>>
      tpu.enqueue_indirect_dma source(%dma_start3A_845 : memref<6205440x8xf32, #tpu.memory_space<hbm>>) target(%dma_start3A_839 : memref<96x8xf32, #tpu.memory_space<vmem>>) offsets(%dma_start3A_842 : memref<96xi32, #tpu.memory_space<vmem>>) semaphore(%arg9 : memref<!tpu.dma_semaphore, #tpu.memory_space<semaphore_mem>>)
      %add3A_846 = arith.constant 3 : i32
      %add3A_847 = arith.addi %mul3A_630, %add3A_846 : i32
      %jit3A_848 = arith.constant 16 : i32
      %eq3A_849 = arith.constant 0 : i32
      %eq3A_850 = arith.cmpi eq, %jit3A_848, %eq3A_849 : i32
      %jit3A_851 = arith.constant 1 : i32
      %select_n3A_852 = arith.select %eq3A_850, %jit3A_851, %jit3A_848 : i32
      %rem3A_853 = arith.remsi %add3A_847, %select_n3A_852 : i32
      %ne3A_854 = arith.constant 0 : i32
      %ne3A_855 = arith.cmpi ne, %rem3A_853, %ne3A_854 : i32
      %lt3A_856 = arith.constant 0 : i32
      %lt3A_857 = arith.cmpi slt, %rem3A_853, %lt3A_856 : i32
      %lt3A_858 = arith.constant 0 : i32
      %lt3A_859 = arith.cmpi slt, %select_n3A_852, %lt3A_858 : i32
      %ne3A_860 = arith.xori %lt3A_857, %lt3A_859 : i1
      %and3A_861 = arith.andi %ne3A_860, %ne3A_855 : i1
      %add3A_862 = arith.addi %rem3A_853, %select_n3A_852 : i32
      %select_n3A_863 = arith.select %and3A_861, %add3A_862, %rem3A_853 : i32
      %add3A_864 = arith.addi %mul3A_2, %add3A_847 : i32
      %mul3A_865 = arith.constant 1515 : i32
      %mul3A_866 = arith.muli %add3A_864, %mul3A_865 : i32
      %add3A_867 = vector.broadcast %mul3A_866 : i32 to vector<16xi32>
      %add3A_868 = arith.addi %shift_right_arithmetic3A_12, %add3A_867 : vector<16xi32>
      %swap3A_869 = arith.index_cast %select_n3A_863 : i32 to index
      %swap3A_870 = arith.constant 0 : index
      %swap3A_871 = tpu.vector_load %arg6[%swap3A_869, %swap3A_870] {strides = array<i32>} : memref<16x96xi32, #tpu.memory_space<vmem>>, vector<16xi32>,
      tpu.vector_store %arg6[%swap3A_869, %swap3A_870], %add3A_868 {strides = array<i32>} : memref<16x96xi32, #tpu.memory_space<vmem>>, vector<16xi32>,
      %add3A_872 = arith.constant 1 : i32
      %add3A_873 = vector.broadcast %add3A_872 : i32 to vector<16xi32>
      %add3A_874 = arith.addi %add3A_868, %add3A_873 : vector<16xi32>
      %min3A_875 = arith.constant 6205439 : i32
      %min3A_876 = vector.broadcast %min3A_875 : i32 to vector<16xi32>
      %min3A_877 = arith.minsi %add3A_874, %min3A_876 : vector<16xi32>
      %swap3A_878 = arith.index_cast %select_n3A_863 : i32 to index
      %swap3A_879 = arith.constant 48 : index
      %swap3A_880 = tpu.vector_load %arg6[%swap3A_878, %swap3A_879] {strides = array<i32>} : memref<16x96xi32, #tpu.memory_space<vmem>>, vector<16xi32>,
      tpu.vector_store %arg6[%swap3A_878, %swap3A_879], %min3A_877 {strides = array<i32>} : memref<16x96xi32, #tpu.memory_space<vmem>>, vector<16xi32>,
      %add3A_881 = vector.broadcast %mul3A_866 : i32 to vector<16xi32>
      %add3A_882 = arith.addi %shift_right_arithmetic3A_25, %add3A_881 : vector<16xi32>
      %swap3A_883 = arith.index_cast %select_n3A_863 : i32 to index
      %swap3A_884 = arith.constant 16 : index
      %swap3A_885 = tpu.vector_load %arg6[%swap3A_883, %swap3A_884] {strides = array<i32>} : memref<16x96xi32, #tpu.memory_space<vmem>>, vector<16xi32>,
      tpu.vector_store %arg6[%swap3A_883, %swap3A_884], %add3A_882 {strides = array<i32>} : memref<16x96xi32, #tpu.memory_space<vmem>>, vector<16xi32>,
      %add3A_886 = arith.constant 1 : i32
      %add3A_887 = vector.broadcast %add3A_886 : i32 to vector<16xi32>
      %add3A_888 = arith.addi %add3A_882, %add3A_887 : vector<16xi32>
      %min3A_889 = arith.constant 6205439 : i32
      %min3A_890 = vector.broadcast %min3A_889 : i32 to vector<16xi32>
      %min3A_891 = arith.minsi %add3A_888, %min3A_890 : vector<16xi32>
      %swap3A_892 = arith.index_cast %select_n3A_863 : i32 to index
      %swap3A_893 = arith.constant 64 : index
      %swap3A_894 = tpu.vector_load %arg6[%swap3A_892, %swap3A_893] {strides = array<i32>} : memref<16x96xi32, #tpu.memory_space<vmem>>, vector<16xi32>,
      tpu.vector_store %arg6[%swap3A_892, %swap3A_893], %min3A_891 {strides = array<i32>} : memref<16x96xi32, #tpu.memory_space<vmem>>, vector<16xi32>,
      %add3A_895 = vector.broadcast %mul3A_866 : i32 to vector<16xi32>
      %add3A_896 = arith.addi %shift_right_arithmetic3A_38, %add3A_895 : vector<16xi32>
      %swap3A_897 = arith.index_cast %select_n3A_863 : i32 to index
      %swap3A_898 = arith.constant 32 : index
      %swap3A_899 = tpu.vector_load %arg6[%swap3A_897, %swap3A_898] {strides = array<i32>} : memref<16x96xi32, #tpu.memory_space<vmem>>, vector<16xi32>,
      tpu.vector_store %arg6[%swap3A_897, %swap3A_898], %add3A_896 {strides = array<i32>} : memref<16x96xi32, #tpu.memory_space<vmem>>, vector<16xi32>,
      %add3A_900 = arith.constant 1 : i32
      %add3A_901 = vector.broadcast %add3A_900 : i32 to vector<16xi32>
      %add3A_902 = arith.addi %add3A_896, %add3A_901 : vector<16xi32>
      %min3A_903 = arith.constant 6205439 : i32
      %min3A_904 = vector.broadcast %min3A_903 : i32 to vector<16xi32>
      %min3A_905 = arith.minsi %add3A_902, %min3A_904 : vector<16xi32>
      %swap3A_906 = arith.index_cast %select_n3A_863 : i32 to index
      %swap3A_907 = arith.constant 80 : index
      %swap3A_908 = tpu.vector_load %arg6[%swap3A_906, %swap3A_907] {strides = array<i32>} : memref<16x96xi32, #tpu.memory_space<vmem>>, vector<16xi32>,
      tpu.vector_store %arg6[%swap3A_906, %swap3A_907], %min3A_905 {strides = array<i32>} : memref<16x96xi32, #tpu.memory_space<vmem>>, vector<16xi32>,
      %dma_start3A_909 = arith.constant 0 : i32
      %dma_start3A_910 = arith.constant 0 : i32
      %dma_start3A_911 = tpu.memref_slice %arg7[%select_n3A_863, %dma_start3A_909, %dma_start3A_910] : memref<16x96x8xf32, #tpu.memory_space<vmem>> -> memref<1x96x8xf32, #tpu.memory_space<vmem>>
      %dma_start3A_912 = tpu.memref_squeeze %dma_start3A_911 : memref<1x96x8xf32, #tpu.memory_space<vmem>> -> memref<96x8xf32, #tpu.memory_space<vmem>>
      %dma_start3A_913 = arith.constant 0 : i32
      %dma_start3A_914 = tpu.memref_slice %arg6[%select_n3A_863, %dma_start3A_913] : memref<16x96xi32, #tpu.memory_space<vmem>> -> memref<1x96xi32, #tpu.memory_space<vmem>>
      %dma_start3A_915 = tpu.memref_squeeze %dma_start3A_914 : memref<1x96xi32, #tpu.memory_space<vmem>> -> memref<96xi32, #tpu.memory_space<vmem>>
      %dma_start3A_916 = arith.constant 0 : i32
      %dma_start3A_917 = arith.constant 0 : i32
      %dma_start3A_918 = tpu.memref_slice %arg2[%dma_start3A_916, %dma_start3A_917] : memref<6205440x8xf32, #tpu.memory_space<hbm>> -> memref<6205440x8xf32, #tpu.memory_space<hbm>>
      tpu.enqueue_indirect_dma source(%dma_start3A_918 : memref<6205440x8xf32, #tpu.memory_space<hbm>>) target(%dma_start3A_912 : memref<96x8xf32, #tpu.memory_space<vmem>>) offsets(%dma_start3A_915 : memref<96xi32, #tpu.memory_space<vmem>>) semaphore(%arg9 : memref<!tpu.dma_semaphore, #tpu.memory_space<semaphore_mem>>)
      %add3A_919 = arith.constant 4 : i32
      %add3A_920 = arith.addi %mul3A_630, %add3A_919 : i32
      %jit3A_921 = arith.constant 16 : i32
      %eq3A_922 = arith.constant 0 : i32
      %eq3A_923 = arith.cmpi eq, %jit3A_921, %eq3A_922 : i32
      %jit3A_924 = arith.constant 1 : i32
      %select_n3A_925 = arith.select %eq3A_923, %jit3A_924, %jit3A_921 : i32
      %rem3A_926 = arith.remsi %add3A_920, %select_n3A_925 : i32
      %ne3A_927 = arith.constant 0 : i32
      %ne3A_928 = arith.cmpi ne, %rem3A_926, %ne3A_927 : i32
      %lt3A_929 = arith.constant 0 : i32
      %lt3A_930 = arith.cmpi slt, %rem3A_926, %lt3A_929 : i32
      %lt3A_931 = arith.constant 0 : i32
      %lt3A_932 = arith.cmpi slt, %select_n3A_925, %lt3A_931 : i32
      %ne3A_933 = arith.xori %lt3A_930, %lt3A_932 : i1
      %and3A_934 = arith.andi %ne3A_933, %ne3A_928 : i1
      %add3A_935 = arith.addi %rem3A_926, %select_n3A_925 : i32
      %select_n3A_936 = arith.select %and3A_934, %add3A_935, %rem3A_926 : i32
      %add3A_937 = arith.addi %mul3A_2, %add3A_920 : i32
      %mul3A_938 = arith.constant 1515 : i32
      %mul3A_939 = arith.muli %add3A_937, %mul3A_938 : i32
      %add3A_940 = vector.broadcast %mul3A_939 : i32 to vector<16xi32>
      %add3A_941 = arith.addi %shift_right_arithmetic3A_12, %add3A_940 : vector<16xi32>
      %swap3A_942 = arith.index_cast %select_n3A_936 : i32 to index
      %swap3A_943 = arith.constant 0 : index
      %swap3A_944 = tpu.vector_load %arg6[%swap3A_942, %swap3A_943] {strides = array<i32>} : memref<16x96xi32, #tpu.memory_space<vmem>>, vector<16xi32>,
      tpu.vector_store %arg6[%swap3A_942, %swap3A_943], %add3A_941 {strides = array<i32>} : memref<16x96xi32, #tpu.memory_space<vmem>>, vector<16xi32>,
      %add3A_945 = arith.constant 1 : i32
      %add3A_946 = vector.broadcast %add3A_945 : i32 to vector<16xi32>
      %add3A_947 = arith.addi %add3A_941, %add3A_946 : vector<16xi32>
      %min3A_948 = arith.constant 6205439 : i32
      %min3A_949 = vector.broadcast %min3A_948 : i32 to vector<16xi32>
      %min3A_950 = arith.minsi %add3A_947, %min3A_949 : vector<16xi32>
      %swap3A_951 = arith.index_cast %select_n3A_936 : i32 to index
      %swap3A_952 = arith.constant 48 : index
      %swap3A_953 = tpu.vector_load %arg6[%swap3A_951, %swap3A_952] {strides = array<i32>} : memref<16x96xi32, #tpu.memory_space<vmem>>, vector<16xi32>,
      tpu.vector_store %arg6[%swap3A_951, %swap3A_952], %min3A_950 {strides = array<i32>} : memref<16x96xi32, #tpu.memory_space<vmem>>, vector<16xi32>,
      %add3A_954 = vector.broadcast %mul3A_939 : i32 to vector<16xi32>
      %add3A_955 = arith.addi %shift_right_arithmetic3A_25, %add3A_954 : vector<16xi32>
      %swap3A_956 = arith.index_cast %select_n3A_936 : i32 to index
      %swap3A_957 = arith.constant 16 : index
      %swap3A_958 = tpu.vector_load %arg6[%swap3A_956, %swap3A_957] {strides = array<i32>} : memref<16x96xi32, #tpu.memory_space<vmem>>, vector<16xi32>,
      tpu.vector_store %arg6[%swap3A_956, %swap3A_957], %add3A_955 {strides = array<i32>} : memref<16x96xi32, #tpu.memory_space<vmem>>, vector<16xi32>,
      %add3A_959 = arith.constant 1 : i32
      %add3A_960 = vector.broadcast %add3A_959 : i32 to vector<16xi32>
      %add3A_961 = arith.addi %add3A_955, %add3A_960 : vector<16xi32>
      %min3A_962 = arith.constant 6205439 : i32
      %min3A_963 = vector.broadcast %min3A_962 : i32 to vector<16xi32>
      %min3A_964 = arith.minsi %add3A_961, %min3A_963 : vector<16xi32>
      %swap3A_965 = arith.index_cast %select_n3A_936 : i32 to index
      %swap3A_966 = arith.constant 64 : index
      %swap3A_967 = tpu.vector_load %arg6[%swap3A_965, %swap3A_966] {strides = array<i32>} : memref<16x96xi32, #tpu.memory_space<vmem>>, vector<16xi32>,
      tpu.vector_store %arg6[%swap3A_965, %swap3A_966], %min3A_964 {strides = array<i32>} : memref<16x96xi32, #tpu.memory_space<vmem>>, vector<16xi32>,
      %add3A_968 = vector.broadcast %mul3A_939 : i32 to vector<16xi32>
      %add3A_969 = arith.addi %shift_right_arithmetic3A_38, %add3A_968 : vector<16xi32>
      %swap3A_970 = arith.index_cast %select_n3A_936 : i32 to index
      %swap3A_971 = arith.constant 32 : index
      %swap3A_972 = tpu.vector_load %arg6[%swap3A_970, %swap3A_971] {strides = array<i32>} : memref<16x96xi32, #tpu.memory_space<vmem>>, vector<16xi32>,
      tpu.vector_store %arg6[%swap3A_970, %swap3A_971], %add3A_969 {strides = array<i32>} : memref<16x96xi32, #tpu.memory_space<vmem>>, vector<16xi32>,
      %add3A_973 = arith.constant 1 : i32
      %add3A_974 = vector.broadcast %add3A_973 : i32 to vector<16xi32>
      %add3A_975 = arith.addi %add3A_969, %add3A_974 : vector<16xi32>
      %min3A_976 = arith.constant 6205439 : i32
      %min3A_977 = vector.broadcast %min3A_976 : i32 to vector<16xi32>
      %min3A_978 = arith.minsi %add3A_975, %min3A_977 : vector<16xi32>
      %swap3A_979 = arith.index_cast %select_n3A_936 : i32 to index
      %swap3A_980 = arith.constant 80 : index
      %swap3A_981 = tpu.vector_load %arg6[%swap3A_979, %swap3A_980] {strides = array<i32>} : memref<16x96xi32, #tpu.memory_space<vmem>>, vector<16xi32>,
      tpu.vector_store %arg6[%swap3A_979, %swap3A_980], %min3A_978 {strides = array<i32>} : memref<16x96xi32, #tpu.memory_space<vmem>>, vector<16xi32>,
      %dma_start3A_982 = arith.constant 0 : i32
      %dma_start3A_983 = arith.constant 0 : i32
      %dma_start3A_984 = tpu.memref_slice %arg7[%select_n3A_936, %dma_start3A_982, %dma_start3A_983] : memref<16x96x8xf32, #tpu.memory_space<vmem>> -> memref<1x96x8xf32, #tpu.memory_space<vmem>>
      %dma_start3A_985 = tpu.memref_squeeze %dma_start3A_984 : memref<1x96x8xf32, #tpu.memory_space<vmem>> -> memref<96x8xf32, #tpu.memory_space<vmem>>
      %dma_start3A_986 = arith.constant 0 : i32
      %dma_start3A_987 = tpu.memref_slice %arg6[%select_n3A_936, %dma_start3A_986] : memref<16x96xi32, #tpu.memory_space<vmem>> -> memref<1x96xi32, #tpu.memory_space<vmem>>
      %dma_start3A_988 = tpu.memref_squeeze %dma_start3A_987 : memref<1x96xi32, #tpu.memory_space<vmem>> -> memref<96xi32, #tpu.memory_space<vmem>>
      %dma_start3A_989 = arith.constant 0 : i32
      %dma_start3A_990 = arith.constant 0 : i32
      %dma_start3A_991 = tpu.memref_slice %arg2[%dma_start3A_989, %dma_start3A_990] : memref<6205440x8xf32, #tpu.memory_space<hbm>> -> memref<6205440x8xf32, #tpu.memory_space<hbm>>
      tpu.enqueue_indirect_dma source(%dma_start3A_991 : memref<6205440x8xf32, #tpu.memory_space<hbm>>) target(%dma_start3A_985 : memref<96x8xf32, #tpu.memory_space<vmem>>) offsets(%dma_start3A_988 : memref<96xi32, #tpu.memory_space<vmem>>) semaphore(%arg9 : memref<!tpu.dma_semaphore, #tpu.memory_space<semaphore_mem>>)
      %add3A_992 = arith.constant 5 : i32
      %add3A_993 = arith.addi %mul3A_630, %add3A_992 : i32
      %jit3A_994 = arith.constant 16 : i32
      %eq3A_995 = arith.constant 0 : i32
      %eq3A_996 = arith.cmpi eq, %jit3A_994, %eq3A_995 : i32
      %jit3A_997 = arith.constant 1 : i32
      %select_n3A_998 = arith.select %eq3A_996, %jit3A_997, %jit3A_994 : i32
      %rem3A_999 = arith.remsi %add3A_993, %select_n3A_998 : i32
      %ne3A_1000 = arith.constant 0 : i32
      %ne3A_1001 = arith.cmpi ne, %rem3A_999, %ne3A_1000 : i32
      %lt3A_1002 = arith.constant 0 : i32
      %lt3A_1003 = arith.cmpi slt, %rem3A_999, %lt3A_1002 : i32
      %lt3A_1004 = arith.constant 0 : i32
      %lt3A_1005 = arith.cmpi slt, %select_n3A_998, %lt3A_1004 : i32
      %ne3A_1006 = arith.xori %lt3A_1003, %lt3A_1005 : i1
      %and3A_1007 = arith.andi %ne3A_1006, %ne3A_1001 : i1
      %add3A_1008 = arith.addi %rem3A_999, %select_n3A_998 : i32
      %select_n3A_1009 = arith.select %and3A_1007, %add3A_1008, %rem3A_999 : i32
      %add3A_1010 = arith.addi %mul3A_2, %add3A_993 : i32
      %mul3A_1011 = arith.constant 1515 : i32
      %mul3A_1012 = arith.muli %add3A_1010, %mul3A_1011 : i32
      %add3A_1013 = vector.broadcast %mul3A_1012 : i32 to vector<16xi32>
      %add3A_1014 = arith.addi %shift_right_arithmetic3A_12, %add3A_1013 : vector<16xi32>
      %swap3A_1015 = arith.index_cast %select_n3A_1009 : i32 to index
      %swap3A_1016 = arith.constant 0 : index
      %swap3A_1017 = tpu.vector_load %arg6[%swap3A_1015, %swap3A_1016] {strides = array<i32>} : memref<16x96xi32, #tpu.memory_space<vmem>>, vector<16xi32>,
      tpu.vector_store %arg6[%swap3A_1015, %swap3A_1016], %add3A_1014 {strides = array<i32>} : memref<16x96xi32, #tpu.memory_space<vmem>>, vector<16xi32>,
      %add3A_1018 = arith.constant 1 : i32
      %add3A_1019 = vector.broadcast %add3A_1018 : i32 to vector<16xi32>
      %add3A_1020 = arith.addi %add3A_1014, %add3A_1019 : vector<16xi32>
      %min3A_1021 = arith.constant 6205439 : i32
      %min3A_1022 = vector.broadcast %min3A_1021 : i32 to vector<16xi32>
      %min3A_1023 = arith.minsi %add3A_1020, %min3A_1022 : vector<16xi32>
      %swap3A_1024 = arith.index_cast %select_n3A_1009 : i32 to index
      %swap3A_1025 = arith.constant 48 : index
      %swap3A_1026 = tpu.vector_load %arg6[%swap3A_1024, %swap3A_1025] {strides = array<i32>} : memref<16x96xi32, #tpu.memory_space<vmem>>, vector<16xi32>,
      tpu.vector_store %arg6[%swap3A_1024, %swap3A_1025], %min3A_1023 {strides = array<i32>} : memref<16x96xi32, #tpu.memory_space<vmem>>, vector<16xi32>,
      %add3A_1027 = vector.broadcast %mul3A_1012 : i32 to vector<16xi32>
      %add3A_1028 = arith.addi %shift_right_arithmetic3A_25, %add3A_1027 : vector<16xi32>
      %swap3A_1029 = arith.index_cast %select_n3A_1009 : i32 to index
      %swap3A_1030 = arith.constant 16 : index
      %swap3A_1031 = tpu.vector_load %arg6[%swap3A_1029, %swap3A_1030] {strides = array<i32>} : memref<16x96xi32, #tpu.memory_space<vmem>>, vector<16xi32>,
      tpu.vector_store %arg6[%swap3A_1029, %swap3A_1030], %add3A_1028 {strides = array<i32>} : memref<16x96xi32, #tpu.memory_space<vmem>>, vector<16xi32>,
      %add3A_1032 = arith.constant 1 : i32
      %add3A_1033 = vector.broadcast %add3A_1032 : i32 to vector<16xi32>
      %add3A_1034 = arith.addi %add3A_1028, %add3A_1033 : vector<16xi32>
      %min3A_1035 = arith.constant 6205439 : i32
      %min3A_1036 = vector.broadcast %min3A_1035 : i32 to vector<16xi32>
      %min3A_1037 = arith.minsi %add3A_1034, %min3A_1036 : vector<16xi32>
      %swap3A_1038 = arith.index_cast %select_n3A_1009 : i32 to index
      %swap3A_1039 = arith.constant 64 : index
      %swap3A_1040 = tpu.vector_load %arg6[%swap3A_1038, %swap3A_1039] {strides = array<i32>} : memref<16x96xi32, #tpu.memory_space<vmem>>, vector<16xi32>,
      tpu.vector_store %arg6[%swap3A_1038, %swap3A_1039], %min3A_1037 {strides = array<i32>} : memref<16x96xi32, #tpu.memory_space<vmem>>, vector<16xi32>,
      %add3A_1041 = vector.broadcast %mul3A_1012 : i32 to vector<16xi32>
      %add3A_1042 = arith.addi %shift_right_arithmetic3A_38, %add3A_1041 : vector<16xi32>
      %swap3A_1043 = arith.index_cast %select_n3A_1009 : i32 to index
      %swap3A_1044 = arith.constant 32 : index
      %swap3A_1045 = tpu.vector_load %arg6[%swap3A_1043, %swap3A_1044] {strides = array<i32>} : memref<16x96xi32, #tpu.memory_space<vmem>>, vector<16xi32>,
      tpu.vector_store %arg6[%swap3A_1043, %swap3A_1044], %add3A_1042 {strides = array<i32>} : memref<16x96xi32, #tpu.memory_space<vmem>>, vector<16xi32>,
      %add3A_1046 = arith.constant 1 : i32
      %add3A_1047 = vector.broadcast %add3A_1046 : i32 to vector<16xi32>
      %add3A_1048 = arith.addi %add3A_1042, %add3A_1047 : vector<16xi32>
      %min3A_1049 = arith.constant 6205439 : i32
      %min3A_1050 = vector.broadcast %min3A_1049 : i32 to vector<16xi32>
      %min3A_1051 = arith.minsi %add3A_1048, %min3A_1050 : vector<16xi32>
      %swap3A_1052 = arith.index_cast %select_n3A_1009 : i32 to index
      %swap3A_1053 = arith.constant 80 : index
      %swap3A_1054 = tpu.vector_load %arg6[%swap3A_1052, %swap3A_1053] {strides = array<i32>} : memref<16x96xi32, #tpu.memory_space<vmem>>, vector<16xi32>,
      tpu.vector_store %arg6[%swap3A_1052, %swap3A_1053], %min3A_1051 {strides = array<i32>} : memref<16x96xi32, #tpu.memory_space<vmem>>, vector<16xi32>,
      %dma_start3A_1055 = arith.constant 0 : i32
      %dma_start3A_1056 = arith.constant 0 : i32
      %dma_start3A_1057 = tpu.memref_slice %arg7[%select_n3A_1009, %dma_start3A_1055, %dma_start3A_1056] : memref<16x96x8xf32, #tpu.memory_space<vmem>> -> memref<1x96x8xf32, #tpu.memory_space<vmem>>
      %dma_start3A_1058 = tpu.memref_squeeze %dma_start3A_1057 : memref<1x96x8xf32, #tpu.memory_space<vmem>> -> memref<96x8xf32, #tpu.memory_space<vmem>>
      %dma_start3A_1059 = arith.constant 0 : i32
      %dma_start3A_1060 = tpu.memref_slice %arg6[%select_n3A_1009, %dma_start3A_1059] : memref<16x96xi32, #tpu.memory_space<vmem>> -> memref<1x96xi32, #tpu.memory_space<vmem>>
      %dma_start3A_1061 = tpu.memref_squeeze %dma_start3A_1060 : memref<1x96xi32, #tpu.memory_space<vmem>> -> memref<96xi32, #tpu.memory_space<vmem>>
      %dma_start3A_1062 = arith.constant 0 : i32
      %dma_start3A_1063 = arith.constant 0 : i32
      %dma_start3A_1064 = tpu.memref_slice %arg2[%dma_start3A_1062, %dma_start3A_1063] : memref<6205440x8xf32, #tpu.memory_space<hbm>> -> memref<6205440x8xf32, #tpu.memory_space<hbm>>
      tpu.enqueue_indirect_dma source(%dma_start3A_1064 : memref<6205440x8xf32, #tpu.memory_space<hbm>>) target(%dma_start3A_1058 : memref<96x8xf32, #tpu.memory_space<vmem>>) offsets(%dma_start3A_1061 : memref<96xi32, #tpu.memory_space<vmem>>) semaphore(%arg9 : memref<!tpu.dma_semaphore, #tpu.memory_space<semaphore_mem>>)
      %add3A_1065 = arith.constant 6 : i32
      %add3A_1066 = arith.addi %mul3A_630, %add3A_1065 : i32
      %jit3A_1067 = arith.constant 16 : i32
      %eq3A_1068 = arith.constant 0 : i32
      %eq3A_1069 = arith.cmpi eq, %jit3A_1067, %eq3A_1068 : i32
      %jit3A_1070 = arith.constant 1 : i32
      %select_n3A_1071 = arith.select %eq3A_1069, %jit3A_1070, %jit3A_1067 : i32
      %rem3A_1072 = arith.remsi %add3A_1066, %select_n3A_1071 : i32
      %ne3A_1073 = arith.constant 0 : i32
      %ne3A_1074 = arith.cmpi ne, %rem3A_1072, %ne3A_1073 : i32
      %lt3A_1075 = arith.constant 0 : i32
      %lt3A_1076 = arith.cmpi slt, %rem3A_1072, %lt3A_1075 : i32
      %lt3A_1077 = arith.constant 0 : i32
      %lt3A_1078 = arith.cmpi slt, %select_n3A_1071, %lt3A_1077 : i32
      %ne3A_1079 = arith.xori %lt3A_1076, %lt3A_1078 : i1
      %and3A_1080 = arith.andi %ne3A_1079, %ne3A_1074 : i1
      %add3A_1081 = arith.addi %rem3A_1072, %select_n3A_1071 : i32
      %select_n3A_1082 = arith.select %and3A_1080, %add3A_1081, %rem3A_1072 : i32
      %add3A_1083 = arith.addi %mul3A_2, %add3A_1066 : i32
      %mul3A_1084 = arith.constant 1515 : i32
      %mul3A_1085 = arith.muli %add3A_1083, %mul3A_1084 : i32
      %add3A_1086 = vector.broadcast %mul3A_1085 : i32 to vector<16xi32>
      %add3A_1087 = arith.addi %shift_right_arithmetic3A_12, %add3A_1086 : vector<16xi32>
      %swap3A_1088 = arith.index_cast %select_n3A_1082 : i32 to index
      %swap3A_1089 = arith.constant 0 : index
      %swap3A_1090 = tpu.vector_load %arg6[%swap3A_1088, %swap3A_1089] {strides = array<i32>} : memref<16x96xi32, #tpu.memory_space<vmem>>, vector<16xi32>,
      tpu.vector_store %arg6[%swap3A_1088, %swap3A_1089], %add3A_1087 {strides = array<i32>} : memref<16x96xi32, #tpu.memory_space<vmem>>, vector<16xi32>,
      %add3A_1091 = arith.constant 1 : i32
      %add3A_1092 = vector.broadcast %add3A_1091 : i32 to vector<16xi32>
      %add3A_1093 = arith.addi %add3A_1087, %add3A_1092 : vector<16xi32>
      %min3A_1094 = arith.constant 6205439 : i32
      %min3A_1095 = vector.broadcast %min3A_1094 : i32 to vector<16xi32>
      %min3A_1096 = arith.minsi %add3A_1093, %min3A_1095 : vector<16xi32>
      %swap3A_1097 = arith.index_cast %select_n3A_1082 : i32 to index
      %swap3A_1098 = arith.constant 48 : index
      %swap3A_1099 = tpu.vector_load %arg6[%swap3A_1097, %swap3A_1098] {strides = array<i32>} : memref<16x96xi32, #tpu.memory_space<vmem>>, vector<16xi32>,
      tpu.vector_store %arg6[%swap3A_1097, %swap3A_1098], %min3A_1096 {strides = array<i32>} : memref<16x96xi32, #tpu.memory_space<vmem>>, vector<16xi32>,
      %add3A_1100 = vector.broadcast %mul3A_1085 : i32 to vector<16xi32>
      %add3A_1101 = arith.addi %shift_right_arithmetic3A_25, %add3A_1100 : vector<16xi32>
      %swap3A_1102 = arith.index_cast %select_n3A_1082 : i32 to index
      %swap3A_1103 = arith.constant 16 : index
      %swap3A_1104 = tpu.vector_load %arg6[%swap3A_1102, %swap3A_1103] {strides = array<i32>} : memref<16x96xi32, #tpu.memory_space<vmem>>, vector<16xi32>,
      tpu.vector_store %arg6[%swap3A_1102, %swap3A_1103], %add3A_1101 {strides = array<i32>} : memref<16x96xi32, #tpu.memory_space<vmem>>, vector<16xi32>,
      %add3A_1105 = arith.constant 1 : i32
      %add3A_1106 = vector.broadcast %add3A_1105 : i32 to vector<16xi32>
      %add3A_1107 = arith.addi %add3A_1101, %add3A_1106 : vector<16xi32>
      %min3A_1108 = arith.constant 6205439 : i32
      %min3A_1109 = vector.broadcast %min3A_1108 : i32 to vector<16xi32>
      %min3A_1110 = arith.minsi %add3A_1107, %min3A_1109 : vector<16xi32>
      %swap3A_1111 = arith.index_cast %select_n3A_1082 : i32 to index
      %swap3A_1112 = arith.constant 64 : index
      %swap3A_1113 = tpu.vector_load %arg6[%swap3A_1111, %swap3A_1112] {strides = array<i32>} : memref<16x96xi32, #tpu.memory_space<vmem>>, vector<16xi32>,
      tpu.vector_store %arg6[%swap3A_1111, %swap3A_1112], %min3A_1110 {strides = array<i32>} : memref<16x96xi32, #tpu.memory_space<vmem>>, vector<16xi32>,
      %add3A_1114 = vector.broadcast %mul3A_1085 : i32 to vector<16xi32>
      %add3A_1115 = arith.addi %shift_right_arithmetic3A_38, %add3A_1114 : vector<16xi32>
      %swap3A_1116 = arith.index_cast %select_n3A_1082 : i32 to index
      %swap3A_1117 = arith.constant 32 : index
      %swap3A_1118 = tpu.vector_load %arg6[%swap3A_1116, %swap3A_1117] {strides = array<i32>} : memref<16x96xi32, #tpu.memory_space<vmem>>, vector<16xi32>,
      tpu.vector_store %arg6[%swap3A_1116, %swap3A_1117], %add3A_1115 {strides = array<i32>} : memref<16x96xi32, #tpu.memory_space<vmem>>, vector<16xi32>,
      %add3A_1119 = arith.constant 1 : i32
      %add3A_1120 = vector.broadcast %add3A_1119 : i32 to vector<16xi32>
      %add3A_1121 = arith.addi %add3A_1115, %add3A_1120 : vector<16xi32>
      %min3A_1122 = arith.constant 6205439 : i32
      %min3A_1123 = vector.broadcast %min3A_1122 : i32 to vector<16xi32>
      %min3A_1124 = arith.minsi %add3A_1121, %min3A_1123 : vector<16xi32>
      %swap3A_1125 = arith.index_cast %select_n3A_1082 : i32 to index
      %swap3A_1126 = arith.constant 80 : index
      %swap3A_1127 = tpu.vector_load %arg6[%swap3A_1125, %swap3A_1126] {strides = array<i32>} : memref<16x96xi32, #tpu.memory_space<vmem>>, vector<16xi32>,
      tpu.vector_store %arg6[%swap3A_1125, %swap3A_1126], %min3A_1124 {strides = array<i32>} : memref<16x96xi32, #tpu.memory_space<vmem>>, vector<16xi32>,
      %dma_start3A_1128 = arith.constant 0 : i32
      %dma_start3A_1129 = arith.constant 0 : i32
      %dma_start3A_1130 = tpu.memref_slice %arg7[%select_n3A_1082, %dma_start3A_1128, %dma_start3A_1129] : memref<16x96x8xf32, #tpu.memory_space<vmem>> -> memref<1x96x8xf32, #tpu.memory_space<vmem>>
      %dma_start3A_1131 = tpu.memref_squeeze %dma_start3A_1130 : memref<1x96x8xf32, #tpu.memory_space<vmem>> -> memref<96x8xf32, #tpu.memory_space<vmem>>
      %dma_start3A_1132 = arith.constant 0 : i32
      %dma_start3A_1133 = tpu.memref_slice %arg6[%select_n3A_1082, %dma_start3A_1132] : memref<16x96xi32, #tpu.memory_space<vmem>> -> memref<1x96xi32, #tpu.memory_space<vmem>>
      %dma_start3A_1134 = tpu.memref_squeeze %dma_start3A_1133 : memref<1x96xi32, #tpu.memory_space<vmem>> -> memref<96xi32, #tpu.memory_space<vmem>>
      %dma_start3A_1135 = arith.constant 0 : i32
      %dma_start3A_1136 = arith.constant 0 : i32
      %dma_start3A_1137 = tpu.memref_slice %arg2[%dma_start3A_1135, %dma_start3A_1136] : memref<6205440x8xf32, #tpu.memory_space<hbm>> -> memref<6205440x8xf32, #tpu.memory_space<hbm>>
      tpu.enqueue_indirect_dma source(%dma_start3A_1137 : memref<6205440x8xf32, #tpu.memory_space<hbm>>) target(%dma_start3A_1131 : memref<96x8xf32, #tpu.memory_space<vmem>>) offsets(%dma_start3A_1134 : memref<96xi32, #tpu.memory_space<vmem>>) semaphore(%arg9 : memref<!tpu.dma_semaphore, #tpu.memory_space<semaphore_mem>>)
      %add3A_1138 = arith.constant 7 : i32
      %add3A_1139 = arith.addi %mul3A_630, %add3A_1138 : i32
      %jit3A_1140 = arith.constant 16 : i32
      %eq3A_1141 = arith.constant 0 : i32
      %eq3A_1142 = arith.cmpi eq, %jit3A_1140, %eq3A_1141 : i32
      %jit3A_1143 = arith.constant 1 : i32
      %select_n3A_1144 = arith.select %eq3A_1142, %jit3A_1143, %jit3A_1140 : i32
      %rem3A_1145 = arith.remsi %add3A_1139, %select_n3A_1144 : i32
      %ne3A_1146 = arith.constant 0 : i32
      %ne3A_1147 = arith.cmpi ne, %rem3A_1145, %ne3A_1146 : i32
      %lt3A_1148 = arith.constant 0 : i32
      %lt3A_1149 = arith.cmpi slt, %rem3A_1145, %lt3A_1148 : i32
      %lt3A_1150 = arith.constant 0 : i32
      %lt3A_1151 = arith.cmpi slt, %select_n3A_1144, %lt3A_1150 : i32
      %ne3A_1152 = arith.xori %lt3A_1149, %lt3A_1151 : i1
      %and3A_1153 = arith.andi %ne3A_1152, %ne3A_1147 : i1
      %add3A_1154 = arith.addi %rem3A_1145, %select_n3A_1144 : i32
      %select_n3A_1155 = arith.select %and3A_1153, %add3A_1154, %rem3A_1145 : i32
      %add3A_1156 = arith.addi %mul3A_2, %add3A_1139 : i32
      %mul3A_1157 = arith.constant 1515 : i32
      %mul3A_1158 = arith.muli %add3A_1156, %mul3A_1157 : i32
      %add3A_1159 = vector.broadcast %mul3A_1158 : i32 to vector<16xi32>
      %add3A_1160 = arith.addi %shift_right_arithmetic3A_12, %add3A_1159 : vector<16xi32>
      %swap3A_1161 = arith.index_cast %select_n3A_1155 : i32 to index
      %swap3A_1162 = arith.constant 0 : index
      %swap3A_1163 = tpu.vector_load %arg6[%swap3A_1161, %swap3A_1162] {strides = array<i32>} : memref<16x96xi32, #tpu.memory_space<vmem>>, vector<16xi32>,
      tpu.vector_store %arg6[%swap3A_1161, %swap3A_1162], %add3A_1160 {strides = array<i32>} : memref<16x96xi32, #tpu.memory_space<vmem>>, vector<16xi32>,
      %add3A_1164 = arith.constant 1 : i32
      %add3A_1165 = vector.broadcast %add3A_1164 : i32 to vector<16xi32>
      %add3A_1166 = arith.addi %add3A_1160, %add3A_1165 : vector<16xi32>
      %min3A_1167 = arith.constant 6205439 : i32
      %min3A_1168 = vector.broadcast %min3A_1167 : i32 to vector<16xi32>
      %min3A_1169 = arith.minsi %add3A_1166, %min3A_1168 : vector<16xi32>
      %swap3A_1170 = arith.index_cast %select_n3A_1155 : i32 to index
      %swap3A_1171 = arith.constant 48 : index
      %swap3A_1172 = tpu.vector_load %arg6[%swap3A_1170, %swap3A_1171] {strides = array<i32>} : memref<16x96xi32, #tpu.memory_space<vmem>>, vector<16xi32>,
      tpu.vector_store %arg6[%swap3A_1170, %swap3A_1171], %min3A_1169 {strides = array<i32>} : memref<16x96xi32, #tpu.memory_space<vmem>>, vector<16xi32>,
      %add3A_1173 = vector.broadcast %mul3A_1158 : i32 to vector<16xi32>
      %add3A_1174 = arith.addi %shift_right_arithmetic3A_25, %add3A_1173 : vector<16xi32>
      %swap3A_1175 = arith.index_cast %select_n3A_1155 : i32 to index
      %swap3A_1176 = arith.constant 16 : index
      %swap3A_1177 = tpu.vector_load %arg6[%swap3A_1175, %swap3A_1176] {strides = array<i32>} : memref<16x96xi32, #tpu.memory_space<vmem>>, vector<16xi32>,
      tpu.vector_store %arg6[%swap3A_1175, %swap3A_1176], %add3A_1174 {strides = array<i32>} : memref<16x96xi32, #tpu.memory_space<vmem>>, vector<16xi32>,
      %add3A_1178 = arith.constant 1 : i32
      %add3A_1179 = vector.broadcast %add3A_1178 : i32 to vector<16xi32>
      %add3A_1180 = arith.addi %add3A_1174, %add3A_1179 : vector<16xi32>
      %min3A_1181 = arith.constant 6205439 : i32
      %min3A_1182 = vector.broadcast %min3A_1181 : i32 to vector<16xi32>
      %min3A_1183 = arith.minsi %add3A_1180, %min3A_1182 : vector<16xi32>
      %swap3A_1184 = arith.index_cast %select_n3A_1155 : i32 to index
      %swap3A_1185 = arith.constant 64 : index
      %swap3A_1186 = tpu.vector_load %arg6[%swap3A_1184, %swap3A_1185] {strides = array<i32>} : memref<16x96xi32, #tpu.memory_space<vmem>>, vector<16xi32>,
      tpu.vector_store %arg6[%swap3A_1184, %swap3A_1185], %min3A_1183 {strides = array<i32>} : memref<16x96xi32, #tpu.memory_space<vmem>>, vector<16xi32>,
      %add3A_1187 = vector.broadcast %mul3A_1158 : i32 to vector<16xi32>
      %add3A_1188 = arith.addi %shift_right_arithmetic3A_38, %add3A_1187 : vector<16xi32>
      %swap3A_1189 = arith.index_cast %select_n3A_1155 : i32 to index
      %swap3A_1190 = arith.constant 32 : index
      %swap3A_1191 = tpu.vector_load %arg6[%swap3A_1189, %swap3A_1190] {strides = array<i32>} : memref<16x96xi32, #tpu.memory_space<vmem>>, vector<16xi32>,
      tpu.vector_store %arg6[%swap3A_1189, %swap3A_1190], %add3A_1188 {strides = array<i32>} : memref<16x96xi32, #tpu.memory_space<vmem>>, vector<16xi32>,
      %add3A_1192 = arith.constant 1 : i32
      %add3A_1193 = vector.broadcast %add3A_1192 : i32 to vector<16xi32>
      %add3A_1194 = arith.addi %add3A_1188, %add3A_1193 : vector<16xi32>
      %min3A_1195 = arith.constant 6205439 : i32
      %min3A_1196 = vector.broadcast %min3A_1195 : i32 to vector<16xi32>
      %min3A_1197 = arith.minsi %add3A_1194, %min3A_1196 : vector<16xi32>
      %swap3A_1198 = arith.index_cast %select_n3A_1155 : i32 to index
      %swap3A_1199 = arith.constant 80 : index
      %swap3A_1200 = tpu.vector_load %arg6[%swap3A_1198, %swap3A_1199] {strides = array<i32>} : memref<16x96xi32, #tpu.memory_space<vmem>>, vector<16xi32>,
      tpu.vector_store %arg6[%swap3A_1198, %swap3A_1199], %min3A_1197 {strides = array<i32>} : memref<16x96xi32, #tpu.memory_space<vmem>>, vector<16xi32>,
      %dma_start3A_1201 = arith.constant 0 : i32
      %dma_start3A_1202 = arith.constant 0 : i32
      %dma_start3A_1203 = tpu.memref_slice %arg7[%select_n3A_1155, %dma_start3A_1201, %dma_start3A_1202] : memref<16x96x8xf32, #tpu.memory_space<vmem>> -> memref<1x96x8xf32, #tpu.memory_space<vmem>>
      %dma_start3A_1204 = tpu.memref_squeeze %dma_start3A_1203 : memref<1x96x8xf32, #tpu.memory_space<vmem>> -> memref<96x8xf32, #tpu.memory_space<vmem>>
      %dma_start3A_1205 = arith.constant 0 : i32
      %dma_start3A_1206 = tpu.memref_slice %arg6[%select_n3A_1155, %dma_start3A_1205] : memref<16x96xi32, #tpu.memory_space<vmem>> -> memref<1x96xi32, #tpu.memory_space<vmem>>
      %dma_start3A_1207 = tpu.memref_squeeze %dma_start3A_1206 : memref<1x96xi32, #tpu.memory_space<vmem>> -> memref<96xi32, #tpu.memory_space<vmem>>
      %dma_start3A_1208 = arith.constant 0 : i32
      %dma_start3A_1209 = arith.constant 0 : i32
      %dma_start3A_1210 = tpu.memref_slice %arg2[%dma_start3A_1208, %dma_start3A_1209] : memref<6205440x8xf32, #tpu.memory_space<hbm>> -> memref<6205440x8xf32, #tpu.memory_space<hbm>>
      tpu.enqueue_indirect_dma source(%dma_start3A_1210 : memref<6205440x8xf32, #tpu.memory_space<hbm>>) target(%dma_start3A_1204 : memref<96x8xf32, #tpu.memory_space<vmem>>) offsets(%dma_start3A_1207 : memref<96xi32, #tpu.memory_space<vmem>>) semaphore(%arg9 : memref<!tpu.dma_semaphore, #tpu.memory_space<semaphore_mem>>)
      %add3A_1211 = arith.constant 0 : i32
      %add3A_1212 = arith.addi %mul3A_630, %add3A_1211 : i32
      %jit3A_1213 = arith.constant 16 : i32
      %eq3A_1214 = arith.constant 0 : i32
      %eq3A_1215 = arith.cmpi eq, %jit3A_1213, %eq3A_1214 : i32
      %jit3A_1216 = arith.constant 1 : i32
      %select_n3A_1217 = arith.select %eq3A_1215, %jit3A_1216, %jit3A_1213 : i32
      %rem3A_1218 = arith.remsi %add3A_1212, %select_n3A_1217 : i32
      %ne3A_1219 = arith.constant 0 : i32
      %ne3A_1220 = arith.cmpi ne, %rem3A_1218, %ne3A_1219 : i32
      %lt3A_1221 = arith.constant 0 : i32
      %lt3A_1222 = arith.cmpi slt, %rem3A_1218, %lt3A_1221 : i32
      %lt3A_1223 = arith.constant 0 : i32
      %lt3A_1224 = arith.cmpi slt, %select_n3A_1217, %lt3A_1223 : i32
      %ne3A_1225 = arith.xori %lt3A_1222, %lt3A_1224 : i1
      %and3A_1226 = arith.andi %ne3A_1225, %ne3A_1220 : i1
      %add3A_1227 = arith.addi %rem3A_1218, %select_n3A_1217 : i32
      %select_n3A_1228 = arith.select %and3A_1226, %add3A_1227, %rem3A_1218 : i32
      %dma_wait3A = arith.constant 0 : i32
      %dma_wait3A_1229 = arith.constant 0 : i32
      %dma_wait3A_1230 = tpu.memref_slice %arg7[%select_n3A_1228, %dma_wait3A, %dma_wait3A_1229] : memref<16x96x8xf32, #tpu.memory_space<vmem>> -> memref<1x96x8xf32, #tpu.memory_space<vmem>>
      %dma_wait3A_1231 = tpu.memref_squeeze %dma_wait3A_1230 : memref<1x96x8xf32, #tpu.memory_space<vmem>> -> memref<96x8xf32, #tpu.memory_space<vmem>>
      %dma_wait3A_1232 = arith.constant 0 : i32
      %dma_wait3A_1233 = tpu.memref_slice %arg6[%select_n3A_1228, %dma_wait3A_1232] : memref<16x96xi32, #tpu.memory_space<vmem>> -> memref<1x96xi32, #tpu.memory_space<vmem>>
      %dma_wait3A_1234 = tpu.memref_squeeze %dma_wait3A_1233 : memref<1x96xi32, #tpu.memory_space<vmem>> -> memref<96xi32, #tpu.memory_space<vmem>>
      %dma_wait3A_1235 = arith.constant 0 : i32
      %dma_wait3A_1236 = arith.constant 0 : i32
      %dma_wait3A_1237 = tpu.memref_slice %arg2[%dma_wait3A_1235, %dma_wait3A_1236] : memref<6205440x8xf32, #tpu.memory_space<hbm>> -> memref<6205440x8xf32, #tpu.memory_space<hbm>>
      tpu.wait_indirect_dma semaphore(%arg9 : memref<!tpu.dma_semaphore, #tpu.memory_space<semaphore_mem>>) src(%dma_wait3A_1237 : memref<6205440x8xf32, #tpu.memory_space<hbm>>) dst(%dma_wait3A_1231 : memref<96x8xf32, #tpu.memory_space<vmem>>)
      %add3A_1238 = arith.constant 1 : i32
      %add3A_1239 = arith.addi %mul3A_630, %add3A_1238 : i32
      %jit3A_1240 = arith.constant 16 : i32
      %eq3A_1241 = arith.constant 0 : i32
      %eq3A_1242 = arith.cmpi eq, %jit3A_1240, %eq3A_1241 : i32
      %jit3A_1243 = arith.constant 1 : i32
      %select_n3A_1244 = arith.select %eq3A_1242, %jit3A_1243, %jit3A_1240 : i32
      %rem3A_1245 = arith.remsi %add3A_1239, %select_n3A_1244 : i32
      %ne3A_1246 = arith.constant 0 : i32
      %ne3A_1247 = arith.cmpi ne, %rem3A_1245, %ne3A_1246 : i32
      %lt3A_1248 = arith.constant 0 : i32
      %lt3A_1249 = arith.cmpi slt, %rem3A_1245, %lt3A_1248 : i32
      %lt3A_1250 = arith.constant 0 : i32
      %lt3A_1251 = arith.cmpi slt, %select_n3A_1244, %lt3A_1250 : i32
      %ne3A_1252 = arith.xori %lt3A_1249, %lt3A_1251 : i1
      %and3A_1253 = arith.andi %ne3A_1252, %ne3A_1247 : i1
      %add3A_1254 = arith.addi %rem3A_1245, %select_n3A_1244 : i32
      %select_n3A_1255 = arith.select %and3A_1253, %add3A_1254, %rem3A_1245 : i32
      %dma_wait3A_1256 = arith.constant 0 : i32
      %dma_wait3A_1257 = arith.constant 0 : i32
      %dma_wait3A_1258 = tpu.memref_slice %arg7[%select_n3A_1255, %dma_wait3A_1256, %dma_wait3A_1257] : memref<16x96x8xf32, #tpu.memory_space<vmem>> -> memref<1x96x8xf32, #tpu.memory_space<vmem>>
      %dma_wait3A_1259 = tpu.memref_squeeze %dma_wait3A_1258 : memref<1x96x8xf32, #tpu.memory_space<vmem>> -> memref<96x8xf32, #tpu.memory_space<vmem>>
      %dma_wait3A_1260 = arith.constant 0 : i32
      %dma_wait3A_1261 = tpu.memref_slice %arg6[%select_n3A_1255, %dma_wait3A_1260] : memref<16x96xi32, #tpu.memory_space<vmem>> -> memref<1x96xi32, #tpu.memory_space<vmem>>
      %dma_wait3A_1262 = tpu.memref_squeeze %dma_wait3A_1261 : memref<1x96xi32, #tpu.memory_space<vmem>> -> memref<96xi32, #tpu.memory_space<vmem>>
      %dma_wait3A_1263 = arith.constant 0 : i32
      %dma_wait3A_1264 = arith.constant 0 : i32
      %dma_wait3A_1265 = tpu.memref_slice %arg2[%dma_wait3A_1263, %dma_wait3A_1264] : memref<6205440x8xf32, #tpu.memory_space<hbm>> -> memref<6205440x8xf32, #tpu.memory_space<hbm>>
      tpu.wait_indirect_dma semaphore(%arg9 : memref<!tpu.dma_semaphore, #tpu.memory_space<semaphore_mem>>) src(%dma_wait3A_1265 : memref<6205440x8xf32, #tpu.memory_space<hbm>>) dst(%dma_wait3A_1259 : memref<96x8xf32, #tpu.memory_space<vmem>>)
      %add3A_1266 = arith.constant 2 : i32
      %add3A_1267 = arith.addi %mul3A_630, %add3A_1266 : i32
      %jit3A_1268 = arith.constant 16 : i32
      %eq3A_1269 = arith.constant 0 : i32
      %eq3A_1270 = arith.cmpi eq, %jit3A_1268, %eq3A_1269 : i32
      %jit3A_1271 = arith.constant 1 : i32
      %select_n3A_1272 = arith.select %eq3A_1270, %jit3A_1271, %jit3A_1268 : i32
      %rem3A_1273 = arith.remsi %add3A_1267, %select_n3A_1272 : i32
      %ne3A_1274 = arith.constant 0 : i32
      %ne3A_1275 = arith.cmpi ne, %rem3A_1273, %ne3A_1274 : i32
      %lt3A_1276 = arith.constant 0 : i32
      %lt3A_1277 = arith.cmpi slt, %rem3A_1273, %lt3A_1276 : i32
      %lt3A_1278 = arith.constant 0 : i32
      %lt3A_1279 = arith.cmpi slt, %select_n3A_1272, %lt3A_1278 : i32
      %ne3A_1280 = arith.xori %lt3A_1277, %lt3A_1279 : i1
      %and3A_1281 = arith.andi %ne3A_1280, %ne3A_1275 : i1
      %add3A_1282 = arith.addi %rem3A_1273, %select_n3A_1272 : i32
      %select_n3A_1283 = arith.select %and3A_1281, %add3A_1282, %rem3A_1273 : i32
      %dma_wait3A_1284 = arith.constant 0 : i32
      %dma_wait3A_1285 = arith.constant 0 : i32
      %dma_wait3A_1286 = tpu.memref_slice %arg7[%select_n3A_1283, %dma_wait3A_1284, %dma_wait3A_1285] : memref<16x96x8xf32, #tpu.memory_space<vmem>> -> memref<1x96x8xf32, #tpu.memory_space<vmem>>
      %dma_wait3A_1287 = tpu.memref_squeeze %dma_wait3A_1286 : memref<1x96x8xf32, #tpu.memory_space<vmem>> -> memref<96x8xf32, #tpu.memory_space<vmem>>
      %dma_wait3A_1288 = arith.constant 0 : i32
      %dma_wait3A_1289 = tpu.memref_slice %arg6[%select_n3A_1283, %dma_wait3A_1288] : memref<16x96xi32, #tpu.memory_space<vmem>> -> memref<1x96xi32, #tpu.memory_space<vmem>>
      %dma_wait3A_1290 = tpu.memref_squeeze %dma_wait3A_1289 : memref<1x96xi32, #tpu.memory_space<vmem>> -> memref<96xi32, #tpu.memory_space<vmem>>
      %dma_wait3A_1291 = arith.constant 0 : i32
      %dma_wait3A_1292 = arith.constant 0 : i32
      %dma_wait3A_1293 = tpu.memref_slice %arg2[%dma_wait3A_1291, %dma_wait3A_1292] : memref<6205440x8xf32, #tpu.memory_space<hbm>> -> memref<6205440x8xf32, #tpu.memory_space<hbm>>
      tpu.wait_indirect_dma semaphore(%arg9 : memref<!tpu.dma_semaphore, #tpu.memory_space<semaphore_mem>>) src(%dma_wait3A_1293 : memref<6205440x8xf32, #tpu.memory_space<hbm>>) dst(%dma_wait3A_1287 : memref<96x8xf32, #tpu.memory_space<vmem>>)
      %add3A_1294 = arith.constant 3 : i32
      %add3A_1295 = arith.addi %mul3A_630, %add3A_1294 : i32
      %jit3A_1296 = arith.constant 16 : i32
      %eq3A_1297 = arith.constant 0 : i32
      %eq3A_1298 = arith.cmpi eq, %jit3A_1296, %eq3A_1297 : i32
      %jit3A_1299 = arith.constant 1 : i32
      %select_n3A_1300 = arith.select %eq3A_1298, %jit3A_1299, %jit3A_1296 : i32
      %rem3A_1301 = arith.remsi %add3A_1295, %select_n3A_1300 : i32
      %ne3A_1302 = arith.constant 0 : i32
      %ne3A_1303 = arith.cmpi ne, %rem3A_1301, %ne3A_1302 : i32
      %lt3A_1304 = arith.constant 0 : i32
      %lt3A_1305 = arith.cmpi slt, %rem3A_1301, %lt3A_1304 : i32
      %lt3A_1306 = arith.constant 0 : i32
      %lt3A_1307 = arith.cmpi slt, %select_n3A_1300, %lt3A_1306 : i32
      %ne3A_1308 = arith.xori %lt3A_1305, %lt3A_1307 : i1
      %and3A_1309 = arith.andi %ne3A_1308, %ne3A_1303 : i1
      %add3A_1310 = arith.addi %rem3A_1301, %select_n3A_1300 : i32
      %select_n3A_1311 = arith.select %and3A_1309, %add3A_1310, %rem3A_1301 : i32
      %dma_wait3A_1312 = arith.constant 0 : i32
      %dma_wait3A_1313 = arith.constant 0 : i32
      %dma_wait3A_1314 = tpu.memref_slice %arg7[%select_n3A_1311, %dma_wait3A_1312, %dma_wait3A_1313] : memref<16x96x8xf32, #tpu.memory_space<vmem>> -> memref<1x96x8xf32, #tpu.memory_space<vmem>>
      %dma_wait3A_1315 = tpu.memref_squeeze %dma_wait3A_1314 : memref<1x96x8xf32, #tpu.memory_space<vmem>> -> memref<96x8xf32, #tpu.memory_space<vmem>>
      %dma_wait3A_1316 = arith.constant 0 : i32
      %dma_wait3A_1317 = tpu.memref_slice %arg6[%select_n3A_1311, %dma_wait3A_1316] : memref<16x96xi32, #tpu.memory_space<vmem>> -> memref<1x96xi32, #tpu.memory_space<vmem>>
      %dma_wait3A_1318 = tpu.memref_squeeze %dma_wait3A_1317 : memref<1x96xi32, #tpu.memory_space<vmem>> -> memref<96xi32, #tpu.memory_space<vmem>>
      %dma_wait3A_1319 = arith.constant 0 : i32
      %dma_wait3A_1320 = arith.constant 0 : i32
      %dma_wait3A_1321 = tpu.memref_slice %arg2[%dma_wait3A_1319, %dma_wait3A_1320] : memref<6205440x8xf32, #tpu.memory_space<hbm>> -> memref<6205440x8xf32, #tpu.memory_space<hbm>>
      tpu.wait_indirect_dma semaphore(%arg9 : memref<!tpu.dma_semaphore, #tpu.memory_space<semaphore_mem>>) src(%dma_wait3A_1321 : memref<6205440x8xf32, #tpu.memory_space<hbm>>) dst(%dma_wait3A_1315 : memref<96x8xf32, #tpu.memory_space<vmem>>)
      %add3A_1322 = arith.constant 4 : i32
      %add3A_1323 = arith.addi %mul3A_630, %add3A_1322 : i32
      %jit3A_1324 = arith.constant 16 : i32
      %eq3A_1325 = arith.constant 0 : i32
      %eq3A_1326 = arith.cmpi eq, %jit3A_1324, %eq3A_1325 : i32
      %jit3A_1327 = arith.constant 1 : i32
      %select_n3A_1328 = arith.select %eq3A_1326, %jit3A_1327, %jit3A_1324 : i32
      %rem3A_1329 = arith.remsi %add3A_1323, %select_n3A_1328 : i32
      %ne3A_1330 = arith.constant 0 : i32
      %ne3A_1331 = arith.cmpi ne, %rem3A_1329, %ne3A_1330 : i32
      %lt3A_1332 = arith.constant 0 : i32
      %lt3A_1333 = arith.cmpi slt, %rem3A_1329, %lt3A_1332 : i32
      %lt3A_1334 = arith.constant 0 : i32
      %lt3A_1335 = arith.cmpi slt, %select_n3A_1328, %lt3A_1334 : i32
      %ne3A_1336 = arith.xori %lt3A_1333, %lt3A_1335 : i1
      %and3A_1337 = arith.andi %ne3A_1336, %ne3A_1331 : i1
      %add3A_1338 = arith.addi %rem3A_1329, %select_n3A_1328 : i32
      %select_n3A_1339 = arith.select %and3A_1337, %add3A_1338, %rem3A_1329 : i32
      %dma_wait3A_1340 = arith.constant 0 : i32
      %dma_wait3A_1341 = arith.constant 0 : i32
      %dma_wait3A_1342 = tpu.memref_slice %arg7[%select_n3A_1339, %dma_wait3A_1340, %dma_wait3A_1341] : memref<16x96x8xf32, #tpu.memory_space<vmem>> -> memref<1x96x8xf32, #tpu.memory_space<vmem>>
      %dma_wait3A_1343 = tpu.memref_squeeze %dma_wait3A_1342 : memref<1x96x8xf32, #tpu.memory_space<vmem>> -> memref<96x8xf32, #tpu.memory_space<vmem>>
      %dma_wait3A_1344 = arith.constant 0 : i32
      %dma_wait3A_1345 = tpu.memref_slice %arg6[%select_n3A_1339, %dma_wait3A_1344] : memref<16x96xi32, #tpu.memory_space<vmem>> -> memref<1x96xi32, #tpu.memory_space<vmem>>
      %dma_wait3A_1346 = tpu.memref_squeeze %dma_wait3A_1345 : memref<1x96xi32, #tpu.memory_space<vmem>> -> memref<96xi32, #tpu.memory_space<vmem>>
      %dma_wait3A_1347 = arith.constant 0 : i32
      %dma_wait3A_1348 = arith.constant 0 : i32
      %dma_wait3A_1349 = tpu.memref_slice %arg2[%dma_wait3A_1347, %dma_wait3A_1348] : memref<6205440x8xf32, #tpu.memory_space<hbm>> -> memref<6205440x8xf32, #tpu.memory_space<hbm>>
      tpu.wait_indirect_dma semaphore(%arg9 : memref<!tpu.dma_semaphore, #tpu.memory_space<semaphore_mem>>) src(%dma_wait3A_1349 : memref<6205440x8xf32, #tpu.memory_space<hbm>>) dst(%dma_wait3A_1343 : memref<96x8xf32, #tpu.memory_space<vmem>>)
      %add3A_1350 = arith.constant 5 : i32
      %add3A_1351 = arith.addi %mul3A_630, %add3A_1350 : i32
      %jit3A_1352 = arith.constant 16 : i32
      %eq3A_1353 = arith.constant 0 : i32
      %eq3A_1354 = arith.cmpi eq, %jit3A_1352, %eq3A_1353 : i32
      %jit3A_1355 = arith.constant 1 : i32
      %select_n3A_1356 = arith.select %eq3A_1354, %jit3A_1355, %jit3A_1352 : i32
      %rem3A_1357 = arith.remsi %add3A_1351, %select_n3A_1356 : i32
      %ne3A_1358 = arith.constant 0 : i32
      %ne3A_1359 = arith.cmpi ne, %rem3A_1357, %ne3A_1358 : i32
      %lt3A_1360 = arith.constant 0 : i32
      %lt3A_1361 = arith.cmpi slt, %rem3A_1357, %lt3A_1360 : i32
      %lt3A_1362 = arith.constant 0 : i32
      %lt3A_1363 = arith.cmpi slt, %select_n3A_1356, %lt3A_1362 : i32
      %ne3A_1364 = arith.xori %lt3A_1361, %lt3A_1363 : i1
      %and3A_1365 = arith.andi %ne3A_1364, %ne3A_1359 : i1
      %add3A_1366 = arith.addi %rem3A_1357, %select_n3A_1356 : i32
      %select_n3A_1367 = arith.select %and3A_1365, %add3A_1366, %rem3A_1357 : i32
      %dma_wait3A_1368 = arith.constant 0 : i32
      %dma_wait3A_1369 = arith.constant 0 : i32
      %dma_wait3A_1370 = tpu.memref_slice %arg7[%select_n3A_1367, %dma_wait3A_1368, %dma_wait3A_1369] : memref<16x96x8xf32, #tpu.memory_space<vmem>> -> memref<1x96x8xf32, #tpu.memory_space<vmem>>
      %dma_wait3A_1371 = tpu.memref_squeeze %dma_wait3A_1370 : memref<1x96x8xf32, #tpu.memory_space<vmem>> -> memref<96x8xf32, #tpu.memory_space<vmem>>
      %dma_wait3A_1372 = arith.constant 0 : i32
      %dma_wait3A_1373 = tpu.memref_slice %arg6[%select_n3A_1367, %dma_wait3A_1372] : memref<16x96xi32, #tpu.memory_space<vmem>> -> memref<1x96xi32, #tpu.memory_space<vmem>>
      %dma_wait3A_1374 = tpu.memref_squeeze %dma_wait3A_1373 : memref<1x96xi32, #tpu.memory_space<vmem>> -> memref<96xi32, #tpu.memory_space<vmem>>
      %dma_wait3A_1375 = arith.constant 0 : i32
      %dma_wait3A_1376 = arith.constant 0 : i32
      %dma_wait3A_1377 = tpu.memref_slice %arg2[%dma_wait3A_1375, %dma_wait3A_1376] : memref<6205440x8xf32, #tpu.memory_space<hbm>> -> memref<6205440x8xf32, #tpu.memory_space<hbm>>
      tpu.wait_indirect_dma semaphore(%arg9 : memref<!tpu.dma_semaphore, #tpu.memory_space<semaphore_mem>>) src(%dma_wait3A_1377 : memref<6205440x8xf32, #tpu.memory_space<hbm>>) dst(%dma_wait3A_1371 : memref<96x8xf32, #tpu.memory_space<vmem>>)
      %add3A_1378 = arith.constant 6 : i32
      %add3A_1379 = arith.addi %mul3A_630, %add3A_1378 : i32
      %jit3A_1380 = arith.constant 16 : i32
      %eq3A_1381 = arith.constant 0 : i32
      %eq3A_1382 = arith.cmpi eq, %jit3A_1380, %eq3A_1381 : i32
      %jit3A_1383 = arith.constant 1 : i32
      %select_n3A_1384 = arith.select %eq3A_1382, %jit3A_1383, %jit3A_1380 : i32
      %rem3A_1385 = arith.remsi %add3A_1379, %select_n3A_1384 : i32
      %ne3A_1386 = arith.constant 0 : i32
      %ne3A_1387 = arith.cmpi ne, %rem3A_1385, %ne3A_1386 : i32
      %lt3A_1388 = arith.constant 0 : i32
      %lt3A_1389 = arith.cmpi slt, %rem3A_1385, %lt3A_1388 : i32
      %lt3A_1390 = arith.constant 0 : i32
      %lt3A_1391 = arith.cmpi slt, %select_n3A_1384, %lt3A_1390 : i32
      %ne3A_1392 = arith.xori %lt3A_1389, %lt3A_1391 : i1
      %and3A_1393 = arith.andi %ne3A_1392, %ne3A_1387 : i1
      %add3A_1394 = arith.addi %rem3A_1385, %select_n3A_1384 : i32
      %select_n3A_1395 = arith.select %and3A_1393, %add3A_1394, %rem3A_1385 : i32
      %dma_wait3A_1396 = arith.constant 0 : i32
      %dma_wait3A_1397 = arith.constant 0 : i32
      %dma_wait3A_1398 = tpu.memref_slice %arg7[%select_n3A_1395, %dma_wait3A_1396, %dma_wait3A_1397] : memref<16x96x8xf32, #tpu.memory_space<vmem>> -> memref<1x96x8xf32, #tpu.memory_space<vmem>>
      %dma_wait3A_1399 = tpu.memref_squeeze %dma_wait3A_1398 : memref<1x96x8xf32, #tpu.memory_space<vmem>> -> memref<96x8xf32, #tpu.memory_space<vmem>>
      %dma_wait3A_1400 = arith.constant 0 : i32
      %dma_wait3A_1401 = tpu.memref_slice %arg6[%select_n3A_1395, %dma_wait3A_1400] : memref<16x96xi32, #tpu.memory_space<vmem>> -> memref<1x96xi32, #tpu.memory_space<vmem>>
      %dma_wait3A_1402 = tpu.memref_squeeze %dma_wait3A_1401 : memref<1x96xi32, #tpu.memory_space<vmem>> -> memref<96xi32, #tpu.memory_space<vmem>>
      %dma_wait3A_1403 = arith.constant 0 : i32
      %dma_wait3A_1404 = arith.constant 0 : i32
      %dma_wait3A_1405 = tpu.memref_slice %arg2[%dma_wait3A_1403, %dma_wait3A_1404] : memref<6205440x8xf32, #tpu.memory_space<hbm>> -> memref<6205440x8xf32, #tpu.memory_space<hbm>>
      tpu.wait_indirect_dma semaphore(%arg9 : memref<!tpu.dma_semaphore, #tpu.memory_space<semaphore_mem>>) src(%dma_wait3A_1405 : memref<6205440x8xf32, #tpu.memory_space<hbm>>) dst(%dma_wait3A_1399 : memref<96x8xf32, #tpu.memory_space<vmem>>)
      %add3A_1406 = arith.constant 7 : i32
      %add3A_1407 = arith.addi %mul3A_630, %add3A_1406 : i32
      %jit3A_1408 = arith.constant 16 : i32
      %eq3A_1409 = arith.constant 0 : i32
      %eq3A_1410 = arith.cmpi eq, %jit3A_1408, %eq3A_1409 : i32
      %jit3A_1411 = arith.constant 1 : i32
      %select_n3A_1412 = arith.select %eq3A_1410, %jit3A_1411, %jit3A_1408 : i32
      %rem3A_1413 = arith.remsi %add3A_1407, %select_n3A_1412 : i32
      %ne3A_1414 = arith.constant 0 : i32
      %ne3A_1415 = arith.cmpi ne, %rem3A_1413, %ne3A_1414 : i32
      %lt3A_1416 = arith.constant 0 : i32
      %lt3A_1417 = arith.cmpi slt, %rem3A_1413, %lt3A_1416 : i32
      %lt3A_1418 = arith.constant 0 : i32
      %lt3A_1419 = arith.cmpi slt, %select_n3A_1412, %lt3A_1418 : i32
      %ne3A_1420 = arith.xori %lt3A_1417, %lt3A_1419 : i1
      %and3A_1421 = arith.andi %ne3A_1420, %ne3A_1415 : i1
      %add3A_1422 = arith.addi %rem3A_1413, %select_n3A_1412 : i32
      %select_n3A_1423 = arith.select %and3A_1421, %add3A_1422, %rem3A_1413 : i32
      %dma_wait3A_1424 = arith.constant 0 : i32
      %dma_wait3A_1425 = arith.constant 0 : i32
      %dma_wait3A_1426 = tpu.memref_slice %arg7[%select_n3A_1423, %dma_wait3A_1424, %dma_wait3A_1425] : memref<16x96x8xf32, #tpu.memory_space<vmem>> -> memref<1x96x8xf32, #tpu.memory_space<vmem>>
      %dma_wait3A_1427 = tpu.memref_squeeze %dma_wait3A_1426 : memref<1x96x8xf32, #tpu.memory_space<vmem>> -> memref<96x8xf32, #tpu.memory_space<vmem>>
      %dma_wait3A_1428 = arith.constant 0 : i32
      %dma_wait3A_1429 = tpu.memref_slice %arg6[%select_n3A_1423, %dma_wait3A_1428] : memref<16x96xi32, #tpu.memory_space<vmem>> -> memref<1x96xi32, #tpu.memory_space<vmem>>
      %dma_wait3A_1430 = tpu.memref_squeeze %dma_wait3A_1429 : memref<1x96xi32, #tpu.memory_space<vmem>> -> memref<96xi32, #tpu.memory_space<vmem>>
      %dma_wait3A_1431 = arith.constant 0 : i32
      %dma_wait3A_1432 = arith.constant 0 : i32
      %dma_wait3A_1433 = tpu.memref_slice %arg2[%dma_wait3A_1431, %dma_wait3A_1432] : memref<6205440x8xf32, #tpu.memory_space<hbm>> -> memref<6205440x8xf32, #tpu.memory_space<hbm>>
      tpu.wait_indirect_dma semaphore(%arg9 : memref<!tpu.dma_semaphore, #tpu.memory_space<semaphore_mem>>) src(%dma_wait3A_1433 : memref<6205440x8xf32, #tpu.memory_space<hbm>>) dst(%dma_wait3A_1427 : memref<96x8xf32, #tpu.memory_space<vmem>>)
      %add3A_1434 = arith.constant 0 : i32
      %add3A_1435 = arith.addi %mul3A_630, %add3A_1434 : i32
      %jit3A_1436 = arith.constant 16 : i32
      %eq3A_1437 = arith.constant 0 : i32
      %eq3A_1438 = arith.cmpi eq, %jit3A_1436, %eq3A_1437 : i32
      %jit3A_1439 = arith.constant 1 : i32
      %select_n3A_1440 = arith.select %eq3A_1438, %jit3A_1439, %jit3A_1436 : i32
      %rem3A_1441 = arith.remsi %add3A_1435, %select_n3A_1440 : i32
      %ne3A_1442 = arith.constant 0 : i32
      %ne3A_1443 = arith.cmpi ne, %rem3A_1441, %ne3A_1442 : i32
      %lt3A_1444 = arith.constant 0 : i32
      %lt3A_1445 = arith.cmpi slt, %rem3A_1441, %lt3A_1444 : i32
      %lt3A_1446 = arith.constant 0 : i32
      %lt3A_1447 = arith.cmpi slt, %select_n3A_1440, %lt3A_1446 : i32
      %ne3A_1448 = arith.xori %lt3A_1445, %lt3A_1447 : i1
      %and3A_1449 = arith.andi %ne3A_1448, %ne3A_1443 : i1
      %add3A_1450 = arith.addi %rem3A_1441, %select_n3A_1440 : i32
      %select_n3A_1451 = arith.select %and3A_1449, %add3A_1450, %rem3A_1441 : i32
      %broadcast_in_dim3A = vector.broadcast %select_n3A_1451 : i32 to vector<16xi32>
      %gather3A_1452 = tpu.vector_load_idx %arg7[%broadcast_in_dim3A, %add3A_86, %and3A_89] : memref<16x96x8xf32, #tpu.memory_space<vmem>>[vector<16xi32>, vector<16xi32>, vector<16xi32>], vector<16xf32>,
      %mul3A_1453 = arith.constant 160 : i32
      %mul3A_1454 = arith.muli %add3A_1435, %mul3A_1453 : i32
      %add3A_1455 = arith.constant 0 : i32
      %add3A_1456 = arith.addi %mul3A_1454, %add3A_1455 : i32
      %swap3A_1457 = arith.index_cast %add3A_1456 : i32 to index
      %swap3A_1458 = tpu.vector_load %arg8[%swap3A_1457] {strides = array<i32>} : memref<20480xf32, #tpu.memory_space<vmem>>, vector<16xf32>,
      tpu.vector_store %arg8[%swap3A_1457], %gather3A_1452 {strides = array<i32>} : memref<20480xf32, #tpu.memory_space<vmem>>, vector<16xf32>,
      %gather3A_1459 = tpu.vector_load_idx %arg7[%broadcast_in_dim3A, %add3A_145, %and3A_148] : memref<16x96x8xf32, #tpu.memory_space<vmem>>[vector<16xi32>, vector<16xi32>, vector<16xi32>], vector<16xf32>,
      %mul3A_1460 = arith.constant 160 : i32
      %mul3A_1461 = arith.muli %add3A_1435, %mul3A_1460 : i32
      %add3A_1462 = arith.constant 16 : i32
      %add3A_1463 = arith.addi %mul3A_1461, %add3A_1462 : i32
      %swap3A_1464 = arith.index_cast %add3A_1463 : i32 to index
      %swap3A_1465 = tpu.vector_load %arg8[%swap3A_1464] {strides = array<i32>} : memref<20480xf32, #tpu.memory_space<vmem>>, vector<16xf32>,
      tpu.vector_store %arg8[%swap3A_1464], %gather3A_1459 {strides = array<i32>} : memref<20480xf32, #tpu.memory_space<vmem>>, vector<16xf32>,
      %gather3A_1466 = tpu.vector_load_idx %arg7[%broadcast_in_dim3A, %add3A_204, %and3A_207] : memref<16x96x8xf32, #tpu.memory_space<vmem>>[vector<16xi32>, vector<16xi32>, vector<16xi32>], vector<16xf32>,
      %mul3A_1467 = arith.constant 160 : i32
      %mul3A_1468 = arith.muli %add3A_1435, %mul3A_1467 : i32
      %add3A_1469 = arith.constant 32 : i32
      %add3A_1470 = arith.addi %mul3A_1468, %add3A_1469 : i32
      %swap3A_1471 = arith.index_cast %add3A_1470 : i32 to index
      %swap3A_1472 = tpu.vector_load %arg8[%swap3A_1471] {strides = array<i32>} : memref<20480xf32, #tpu.memory_space<vmem>>, vector<16xf32>,
      tpu.vector_store %arg8[%swap3A_1471], %gather3A_1466 {strides = array<i32>} : memref<20480xf32, #tpu.memory_space<vmem>>, vector<16xf32>,
      %gather3A_1473 = tpu.vector_load_idx %arg7[%broadcast_in_dim3A, %add3A_263, %and3A_266] : memref<16x96x8xf32, #tpu.memory_space<vmem>>[vector<16xi32>, vector<16xi32>, vector<16xi32>], vector<16xf32>,
      %mul3A_1474 = arith.constant 160 : i32
      %mul3A_1475 = arith.muli %add3A_1435, %mul3A_1474 : i32
      %add3A_1476 = arith.constant 48 : i32
      %add3A_1477 = arith.addi %mul3A_1475, %add3A_1476 : i32
      %swap3A_1478 = arith.index_cast %add3A_1477 : i32 to index
      %swap3A_1479 = tpu.vector_load %arg8[%swap3A_1478] {strides = array<i32>} : memref<20480xf32, #tpu.memory_space<vmem>>, vector<16xf32>,
      tpu.vector_store %arg8[%swap3A_1478], %gather3A_1473 {strides = array<i32>} : memref<20480xf32, #tpu.memory_space<vmem>>, vector<16xf32>,
      %gather3A_1480 = tpu.vector_load_idx %arg7[%broadcast_in_dim3A, %add3A_322, %and3A_325] : memref<16x96x8xf32, #tpu.memory_space<vmem>>[vector<16xi32>, vector<16xi32>, vector<16xi32>], vector<16xf32>,
      %mul3A_1481 = arith.constant 160 : i32
      %mul3A_1482 = arith.muli %add3A_1435, %mul3A_1481 : i32
      %add3A_1483 = arith.constant 64 : i32
      %add3A_1484 = arith.addi %mul3A_1482, %add3A_1483 : i32
      %swap3A_1485 = arith.index_cast %add3A_1484 : i32 to index
      %swap3A_1486 = tpu.vector_load %arg8[%swap3A_1485] {strides = array<i32>} : memref<20480xf32, #tpu.memory_space<vmem>>, vector<16xf32>,
      tpu.vector_store %arg8[%swap3A_1485], %gather3A_1480 {strides = array<i32>} : memref<20480xf32, #tpu.memory_space<vmem>>, vector<16xf32>,
      %gather3A_1487 = tpu.vector_load_idx %arg7[%broadcast_in_dim3A, %add3A_381, %and3A_384] : memref<16x96x8xf32, #tpu.memory_space<vmem>>[vector<16xi32>, vector<16xi32>, vector<16xi32>], vector<16xf32>,
      %mul3A_1488 = arith.constant 160 : i32
      %mul3A_1489 = arith.muli %add3A_1435, %mul3A_1488 : i32
      %add3A_1490 = arith.constant 80 : i32
      %add3A_1491 = arith.addi %mul3A_1489, %add3A_1490 : i32
      %swap3A_1492 = arith.index_cast %add3A_1491 : i32 to index
      %swap3A_1493 = tpu.vector_load %arg8[%swap3A_1492] {strides = array<i32>} : memref<20480xf32, #tpu.memory_space<vmem>>, vector<16xf32>,
      tpu.vector_store %arg8[%swap3A_1492], %gather3A_1487 {strides = array<i32>} : memref<20480xf32, #tpu.memory_space<vmem>>, vector<16xf32>,
      %gather3A_1494 = tpu.vector_load_idx %arg7[%broadcast_in_dim3A, %add3A_440, %and3A_443] : memref<16x96x8xf32, #tpu.memory_space<vmem>>[vector<16xi32>, vector<16xi32>, vector<16xi32>], vector<16xf32>,
      %mul3A_1495 = arith.constant 160 : i32
      %mul3A_1496 = arith.muli %add3A_1435, %mul3A_1495 : i32
      %add3A_1497 = arith.constant 96 : i32
      %add3A_1498 = arith.addi %mul3A_1496, %add3A_1497 : i32
      %swap3A_1499 = arith.index_cast %add3A_1498 : i32 to index
      %swap3A_1500 = tpu.vector_load %arg8[%swap3A_1499] {strides = array<i32>} : memref<20480xf32, #tpu.memory_space<vmem>>, vector<16xf32>,
      tpu.vector_store %arg8[%swap3A_1499], %gather3A_1494 {strides = array<i32>} : memref<20480xf32, #tpu.memory_space<vmem>>, vector<16xf32>,
      %gather3A_1501 = tpu.vector_load_idx %arg7[%broadcast_in_dim3A, %add3A_499, %and3A_502] : memref<16x96x8xf32, #tpu.memory_space<vmem>>[vector<16xi32>, vector<16xi32>, vector<16xi32>], vector<16xf32>,
      %mul3A_1502 = arith.constant 160 : i32
      %mul3A_1503 = arith.muli %add3A_1435, %mul3A_1502 : i32
      %add3A_1504 = arith.constant 112 : i32
      %add3A_1505 = arith.addi %mul3A_1503, %add3A_1504 : i32
      %swap3A_1506 = arith.index_cast %add3A_1505 : i32 to index
      %swap3A_1507 = tpu.vector_load %arg8[%swap3A_1506] {strides = array<i32>} : memref<20480xf32, #tpu.memory_space<vmem>>, vector<16xf32>,
      tpu.vector_store %arg8[%swap3A_1506], %gather3A_1501 {strides = array<i32>} : memref<20480xf32, #tpu.memory_space<vmem>>, vector<16xf32>,
      %gather3A_1508 = tpu.vector_load_idx %arg7[%broadcast_in_dim3A, %add3A_558, %and3A_561] : memref<16x96x8xf32, #tpu.memory_space<vmem>>[vector<16xi32>, vector<16xi32>, vector<16xi32>], vector<16xf32>,
      %mul3A_1509 = arith.constant 160 : i32
      %mul3A_1510 = arith.muli %add3A_1435, %mul3A_1509 : i32
      %add3A_1511 = arith.constant 128 : i32
      %add3A_1512 = arith.addi %mul3A_1510, %add3A_1511 : i32
      %swap3A_1513 = arith.index_cast %add3A_1512 : i32 to index
      %swap3A_1514 = tpu.vector_load %arg8[%swap3A_1513] {strides = array<i32>} : memref<20480xf32, #tpu.memory_space<vmem>>, vector<16xf32>,
      tpu.vector_store %arg8[%swap3A_1513], %gather3A_1508 {strides = array<i32>} : memref<20480xf32, #tpu.memory_space<vmem>>, vector<16xf32>,
      %gather3A_1515 = tpu.vector_load_idx %arg7[%broadcast_in_dim3A, %add3A_617, %and3A_620] : memref<16x96x8xf32, #tpu.memory_space<vmem>>[vector<16xi32>, vector<16xi32>, vector<16xi32>], vector<16xf32>,
      %mul3A_1516 = arith.constant 160 : i32
      %mul3A_1517 = arith.muli %add3A_1435, %mul3A_1516 : i32
      %add3A_1518 = arith.constant 144 : i32
      %add3A_1519 = arith.addi %mul3A_1517, %add3A_1518 : i32
      %swap3A_1520 = arith.index_cast %add3A_1519 : i32 to index
      %swap3A_1521 = tpu.vector_load %arg8[%swap3A_1520] {strides = array<i32>} : memref<20480xf32, #tpu.memory_space<vmem>>, vector<16xf32>,
      tpu.vector_store %arg8[%swap3A_1520], %gather3A_1515 {strides = array<i32>} : memref<20480xf32, #tpu.memory_space<vmem>>, vector<16xf32>,
      %add3A_1522 = arith.constant 1 : i32
      %add3A_1523 = arith.addi %mul3A_630, %add3A_1522 : i32
      %jit3A_1524 = arith.constant 16 : i32
      %eq3A_1525 = arith.constant 0 : i32
      %eq3A_1526 = arith.cmpi eq, %jit3A_1524, %eq3A_1525 : i32
      %jit3A_1527 = arith.constant 1 : i32
      %select_n3A_1528 = arith.select %eq3A_1526, %jit3A_1527, %jit3A_1524 : i32
      %rem3A_1529 = arith.remsi %add3A_1523, %select_n3A_1528 : i32
      %ne3A_1530 = arith.constant 0 : i32
      %ne3A_1531 = arith.cmpi ne, %rem3A_1529, %ne3A_1530 : i32
      %lt3A_1532 = arith.constant 0 : i32
      %lt3A_1533 = arith.cmpi slt, %rem3A_1529, %lt3A_1532 : i32
      %lt3A_1534 = arith.constant 0 : i32
      %lt3A_1535 = arith.cmpi slt, %select_n3A_1528, %lt3A_1534 : i32
      %ne3A_1536 = arith.xori %lt3A_1533, %lt3A_1535 : i1
      %and3A_1537 = arith.andi %ne3A_1536, %ne3A_1531 : i1
      %add3A_1538 = arith.addi %rem3A_1529, %select_n3A_1528 : i32
      %select_n3A_1539 = arith.select %and3A_1537, %add3A_1538, %rem3A_1529 : i32
      %broadcast_in_dim3A_1540 = vector.broadcast %select_n3A_1539 : i32 to vector<16xi32>
      %gather3A_1541 = tpu.vector_load_idx %arg7[%broadcast_in_dim3A_1540, %add3A_86, %and3A_89] : memref<16x96x8xf32, #tpu.memory_space<vmem>>[vector<16xi32>, vector<16xi32>, vector<16xi32>], vector<16xf32>,
      %mul3A_1542 = arith.constant 160 : i32
      %mul3A_1543 = arith.muli %add3A_1523, %mul3A_1542 : i32
      %add3A_1544 = arith.constant 0 : i32
      %add3A_1545 = arith.addi %mul3A_1543, %add3A_1544 : i32
      %swap3A_1546 = arith.index_cast %add3A_1545 : i32 to index
      %swap3A_1547 = tpu.vector_load %arg8[%swap3A_1546] {strides = array<i32>} : memref<20480xf32, #tpu.memory_space<vmem>>, vector<16xf32>,
      tpu.vector_store %arg8[%swap3A_1546], %gather3A_1541 {strides = array<i32>} : memref<20480xf32, #tpu.memory_space<vmem>>, vector<16xf32>,
      %gather3A_1548 = tpu.vector_load_idx %arg7[%broadcast_in_dim3A_1540, %add3A_145, %and3A_148] : memref<16x96x8xf32, #tpu.memory_space<vmem>>[vector<16xi32>, vector<16xi32>, vector<16xi32>], vector<16xf32>,
      %mul3A_1549 = arith.constant 160 : i32
      %mul3A_1550 = arith.muli %add3A_1523, %mul3A_1549 : i32
      %add3A_1551 = arith.constant 16 : i32
      %add3A_1552 = arith.addi %mul3A_1550, %add3A_1551 : i32
      %swap3A_1553 = arith.index_cast %add3A_1552 : i32 to index
      %swap3A_1554 = tpu.vector_load %arg8[%swap3A_1553] {strides = array<i32>} : memref<20480xf32, #tpu.memory_space<vmem>>, vector<16xf32>,
      tpu.vector_store %arg8[%swap3A_1553], %gather3A_1548 {strides = array<i32>} : memref<20480xf32, #tpu.memory_space<vmem>>, vector<16xf32>,
      %gather3A_1555 = tpu.vector_load_idx %arg7[%broadcast_in_dim3A_1540, %add3A_204, %and3A_207] : memref<16x96x8xf32, #tpu.memory_space<vmem>>[vector<16xi32>, vector<16xi32>, vector<16xi32>], vector<16xf32>,
      %mul3A_1556 = arith.constant 160 : i32
      %mul3A_1557 = arith.muli %add3A_1523, %mul3A_1556 : i32
      %add3A_1558 = arith.constant 32 : i32
      %add3A_1559 = arith.addi %mul3A_1557, %add3A_1558 : i32
      %swap3A_1560 = arith.index_cast %add3A_1559 : i32 to index
      %swap3A_1561 = tpu.vector_load %arg8[%swap3A_1560] {strides = array<i32>} : memref<20480xf32, #tpu.memory_space<vmem>>, vector<16xf32>,
      tpu.vector_store %arg8[%swap3A_1560], %gather3A_1555 {strides = array<i32>} : memref<20480xf32, #tpu.memory_space<vmem>>, vector<16xf32>,
      %gather3A_1562 = tpu.vector_load_idx %arg7[%broadcast_in_dim3A_1540, %add3A_263, %and3A_266] : memref<16x96x8xf32, #tpu.memory_space<vmem>>[vector<16xi32>, vector<16xi32>, vector<16xi32>], vector<16xf32>,
      %mul3A_1563 = arith.constant 160 : i32
      %mul3A_1564 = arith.muli %add3A_1523, %mul3A_1563 : i32
      %add3A_1565 = arith.constant 48 : i32
      %add3A_1566 = arith.addi %mul3A_1564, %add3A_1565 : i32
      %swap3A_1567 = arith.index_cast %add3A_1566 : i32 to index
      %swap3A_1568 = tpu.vector_load %arg8[%swap3A_1567] {strides = array<i32>} : memref<20480xf32, #tpu.memory_space<vmem>>, vector<16xf32>,
      tpu.vector_store %arg8[%swap3A_1567], %gather3A_1562 {strides = array<i32>} : memref<20480xf32, #tpu.memory_space<vmem>>, vector<16xf32>,
      %gather3A_1569 = tpu.vector_load_idx %arg7[%broadcast_in_dim3A_1540, %add3A_322, %and3A_325] : memref<16x96x8xf32, #tpu.memory_space<vmem>>[vector<16xi32>, vector<16xi32>, vector<16xi32>], vector<16xf32>,
      %mul3A_1570 = arith.constant 160 : i32
      %mul3A_1571 = arith.muli %add3A_1523, %mul3A_1570 : i32
      %add3A_1572 = arith.constant 64 : i32
      %add3A_1573 = arith.addi %mul3A_1571, %add3A_1572 : i32
      %swap3A_1574 = arith.index_cast %add3A_1573 : i32 to index
      %swap3A_1575 = tpu.vector_load %arg8[%swap3A_1574] {strides = array<i32>} : memref<20480xf32, #tpu.memory_space<vmem>>, vector<16xf32>,
      tpu.vector_store %arg8[%swap3A_1574], %gather3A_1569 {strides = array<i32>} : memref<20480xf32, #tpu.memory_space<vmem>>, vector<16xf32>,
      %gather3A_1576 = tpu.vector_load_idx %arg7[%broadcast_in_dim3A_1540, %add3A_381, %and3A_384] : memref<16x96x8xf32, #tpu.memory_space<vmem>>[vector<16xi32>, vector<16xi32>, vector<16xi32>], vector<16xf32>,
      %mul3A_1577 = arith.constant 160 : i32
      %mul3A_1578 = arith.muli %add3A_1523, %mul3A_1577 : i32
      %add3A_1579 = arith.constant 80 : i32
      %add3A_1580 = arith.addi %mul3A_1578, %add3A_1579 : i32
      %swap3A_1581 = arith.index_cast %add3A_1580 : i32 to index
      %swap3A_1582 = tpu.vector_load %arg8[%swap3A_1581] {strides = array<i32>} : memref<20480xf32, #tpu.memory_space<vmem>>, vector<16xf32>,
      tpu.vector_store %arg8[%swap3A_1581], %gather3A_1576 {strides = array<i32>} : memref<20480xf32, #tpu.memory_space<vmem>>, vector<16xf32>,
      %gather3A_1583 = tpu.vector_load_idx %arg7[%broadcast_in_dim3A_1540, %add3A_440, %and3A_443] : memref<16x96x8xf32, #tpu.memory_space<vmem>>[vector<16xi32>, vector<16xi32>, vector<16xi32>], vector<16xf32>,
      %mul3A_1584 = arith.constant 160 : i32
      %mul3A_1585 = arith.muli %add3A_1523, %mul3A_1584 : i32
      %add3A_1586 = arith.constant 96 : i32
      %add3A_1587 = arith.addi %mul3A_1585, %add3A_1586 : i32
      %swap3A_1588 = arith.index_cast %add3A_1587 : i32 to index
      %swap3A_1589 = tpu.vector_load %arg8[%swap3A_1588] {strides = array<i32>} : memref<20480xf32, #tpu.memory_space<vmem>>, vector<16xf32>,
      tpu.vector_store %arg8[%swap3A_1588], %gather3A_1583 {strides = array<i32>} : memref<20480xf32, #tpu.memory_space<vmem>>, vector<16xf32>,
      %gather3A_1590 = tpu.vector_load_idx %arg7[%broadcast_in_dim3A_1540, %add3A_499, %and3A_502] : memref<16x96x8xf32, #tpu.memory_space<vmem>>[vector<16xi32>, vector<16xi32>, vector<16xi32>], vector<16xf32>,
      %mul3A_1591 = arith.constant 160 : i32
      %mul3A_1592 = arith.muli %add3A_1523, %mul3A_1591 : i32
      %add3A_1593 = arith.constant 112 : i32
      %add3A_1594 = arith.addi %mul3A_1592, %add3A_1593 : i32
      %swap3A_1595 = arith.index_cast %add3A_1594 : i32 to index
      %swap3A_1596 = tpu.vector_load %arg8[%swap3A_1595] {strides = array<i32>} : memref<20480xf32, #tpu.memory_space<vmem>>, vector<16xf32>,
      tpu.vector_store %arg8[%swap3A_1595], %gather3A_1590 {strides = array<i32>} : memref<20480xf32, #tpu.memory_space<vmem>>, vector<16xf32>,
      %gather3A_1597 = tpu.vector_load_idx %arg7[%broadcast_in_dim3A_1540, %add3A_558, %and3A_561] : memref<16x96x8xf32, #tpu.memory_space<vmem>>[vector<16xi32>, vector<16xi32>, vector<16xi32>], vector<16xf32>,
      %mul3A_1598 = arith.constant 160 : i32
      %mul3A_1599 = arith.muli %add3A_1523, %mul3A_1598 : i32
      %add3A_1600 = arith.constant 128 : i32
      %add3A_1601 = arith.addi %mul3A_1599, %add3A_1600 : i32
      %swap3A_1602 = arith.index_cast %add3A_1601 : i32 to index
      %swap3A_1603 = tpu.vector_load %arg8[%swap3A_1602] {strides = array<i32>} : memref<20480xf32, #tpu.memory_space<vmem>>, vector<16xf32>,
      tpu.vector_store %arg8[%swap3A_1602], %gather3A_1597 {strides = array<i32>} : memref<20480xf32, #tpu.memory_space<vmem>>, vector<16xf32>,
      %gather3A_1604 = tpu.vector_load_idx %arg7[%broadcast_in_dim3A_1540, %add3A_617, %and3A_620] : memref<16x96x8xf32, #tpu.memory_space<vmem>>[vector<16xi32>, vector<16xi32>, vector<16xi32>], vector<16xf32>,
      %mul3A_1605 = arith.constant 160 : i32
      %mul3A_1606 = arith.muli %add3A_1523, %mul3A_1605 : i32
      %add3A_1607 = arith.constant 144 : i32
      %add3A_1608 = arith.addi %mul3A_1606, %add3A_1607 : i32
      %swap3A_1609 = arith.index_cast %add3A_1608 : i32 to index
      %swap3A_1610 = tpu.vector_load %arg8[%swap3A_1609] {strides = array<i32>} : memref<20480xf32, #tpu.memory_space<vmem>>, vector<16xf32>,
      tpu.vector_store %arg8[%swap3A_1609], %gather3A_1604 {strides = array<i32>} : memref<20480xf32, #tpu.memory_space<vmem>>, vector<16xf32>,
      %add3A_1611 = arith.constant 2 : i32
      %add3A_1612 = arith.addi %mul3A_630, %add3A_1611 : i32
      %jit3A_1613 = arith.constant 16 : i32
      %eq3A_1614 = arith.constant 0 : i32
      %eq3A_1615 = arith.cmpi eq, %jit3A_1613, %eq3A_1614 : i32
      %jit3A_1616 = arith.constant 1 : i32
      %select_n3A_1617 = arith.select %eq3A_1615, %jit3A_1616, %jit3A_1613 : i32
      %rem3A_1618 = arith.remsi %add3A_1612, %select_n3A_1617 : i32
      %ne3A_1619 = arith.constant 0 : i32
      %ne3A_1620 = arith.cmpi ne, %rem3A_1618, %ne3A_1619 : i32
      %lt3A_1621 = arith.constant 0 : i32
      %lt3A_1622 = arith.cmpi slt, %rem3A_1618, %lt3A_1621 : i32
      %lt3A_1623 = arith.constant 0 : i32
      %lt3A_1624 = arith.cmpi slt, %select_n3A_1617, %lt3A_1623 : i32
      %ne3A_1625 = arith.xori %lt3A_1622, %lt3A_1624 : i1
      %and3A_1626 = arith.andi %ne3A_1625, %ne3A_1620 : i1
      %add3A_1627 = arith.addi %rem3A_1618, %select_n3A_1617 : i32
      %select_n3A_1628 = arith.select %and3A_1626, %add3A_1627, %rem3A_1618 : i32
      %broadcast_in_dim3A_1629 = vector.broadcast %select_n3A_1628 : i32 to vector<16xi32>
      %gather3A_1630 = tpu.vector_load_idx %arg7[%broadcast_in_dim3A_1629, %add3A_86, %and3A_89] : memref<16x96x8xf32, #tpu.memory_space<vmem>>[vector<16xi32>, vector<16xi32>, vector<16xi32>], vector<16xf32>,
      %mul3A_1631 = arith.constant 160 : i32
      %mul3A_1632 = arith.muli %add3A_1612, %mul3A_1631 : i32
      %add3A_1633 = arith.constant 0 : i32
      %add3A_1634 = arith.addi %mul3A_1632, %add3A_1633 : i32
      %swap3A_1635 = arith.index_cast %add3A_1634 : i32 to index
      %swap3A_1636 = tpu.vector_load %arg8[%swap3A_1635] {strides = array<i32>} : memref<20480xf32, #tpu.memory_space<vmem>>, vector<16xf32>,
      tpu.vector_store %arg8[%swap3A_1635], %gather3A_1630 {strides = array<i32>} : memref<20480xf32, #tpu.memory_space<vmem>>, vector<16xf32>,
      %gather3A_1637 = tpu.vector_load_idx %arg7[%broadcast_in_dim3A_1629, %add3A_145, %and3A_148] : memref<16x96x8xf32, #tpu.memory_space<vmem>>[vector<16xi32>, vector<16xi32>, vector<16xi32>], vector<16xf32>,
      %mul3A_1638 = arith.constant 160 : i32
      %mul3A_1639 = arith.muli %add3A_1612, %mul3A_1638 : i32
      %add3A_1640 = arith.constant 16 : i32
      %add3A_1641 = arith.addi %mul3A_1639, %add3A_1640 : i32
      %swap3A_1642 = arith.index_cast %add3A_1641 : i32 to index
      %swap3A_1643 = tpu.vector_load %arg8[%swap3A_1642] {strides = array<i32>} : memref<20480xf32, #tpu.memory_space<vmem>>, vector<16xf32>,
      tpu.vector_store %arg8[%swap3A_1642], %gather3A_1637 {strides = array<i32>} : memref<20480xf32, #tpu.memory_space<vmem>>, vector<16xf32>,
      %gather3A_1644 = tpu.vector_load_idx %arg7[%broadcast_in_dim3A_1629, %add3A_204, %and3A_207] : memref<16x96x8xf32, #tpu.memory_space<vmem>>[vector<16xi32>, vector<16xi32>, vector<16xi32>], vector<16xf32>,
      %mul3A_1645 = arith.constant 160 : i32
      %mul3A_1646 = arith.muli %add3A_1612, %mul3A_1645 : i32
      %add3A_1647 = arith.constant 32 : i32
      %add3A_1648 = arith.addi %mul3A_1646, %add3A_1647 : i32
      %swap3A_1649 = arith.index_cast %add3A_1648 : i32 to index
      %swap3A_1650 = tpu.vector_load %arg8[%swap3A_1649] {strides = array<i32>} : memref<20480xf32, #tpu.memory_space<vmem>>, vector<16xf32>,
      tpu.vector_store %arg8[%swap3A_1649], %gather3A_1644 {strides = array<i32>} : memref<20480xf32, #tpu.memory_space<vmem>>, vector<16xf32>,
      %gather3A_1651 = tpu.vector_load_idx %arg7[%broadcast_in_dim3A_1629, %add3A_263, %and3A_266] : memref<16x96x8xf32, #tpu.memory_space<vmem>>[vector<16xi32>, vector<16xi32>, vector<16xi32>], vector<16xf32>,
      %mul3A_1652 = arith.constant 160 : i32
      %mul3A_1653 = arith.muli %add3A_1612, %mul3A_1652 : i32
      %add3A_1654 = arith.constant 48 : i32
      %add3A_1655 = arith.addi %mul3A_1653, %add3A_1654 : i32
      %swap3A_1656 = arith.index_cast %add3A_1655 : i32 to index
      %swap3A_1657 = tpu.vector_load %arg8[%swap3A_1656] {strides = array<i32>} : memref<20480xf32, #tpu.memory_space<vmem>>, vector<16xf32>,
      tpu.vector_store %arg8[%swap3A_1656], %gather3A_1651 {strides = array<i32>} : memref<20480xf32, #tpu.memory_space<vmem>>, vector<16xf32>,
      %gather3A_1658 = tpu.vector_load_idx %arg7[%broadcast_in_dim3A_1629, %add3A_322, %and3A_325] : memref<16x96x8xf32, #tpu.memory_space<vmem>>[vector<16xi32>, vector<16xi32>, vector<16xi32>], vector<16xf32>,
      %mul3A_1659 = arith.constant 160 : i32
      %mul3A_1660 = arith.muli %add3A_1612, %mul3A_1659 : i32
      %add3A_1661 = arith.constant 64 : i32
      %add3A_1662 = arith.addi %mul3A_1660, %add3A_1661 : i32
      %swap3A_1663 = arith.index_cast %add3A_1662 : i32 to index
      %swap3A_1664 = tpu.vector_load %arg8[%swap3A_1663] {strides = array<i32>} : memref<20480xf32, #tpu.memory_space<vmem>>, vector<16xf32>,
      tpu.vector_store %arg8[%swap3A_1663], %gather3A_1658 {strides = array<i32>} : memref<20480xf32, #tpu.memory_space<vmem>>, vector<16xf32>,
      %gather3A_1665 = tpu.vector_load_idx %arg7[%broadcast_in_dim3A_1629, %add3A_381, %and3A_384] : memref<16x96x8xf32, #tpu.memory_space<vmem>>[vector<16xi32>, vector<16xi32>, vector<16xi32>], vector<16xf32>,
      %mul3A_1666 = arith.constant 160 : i32
      %mul3A_1667 = arith.muli %add3A_1612, %mul3A_1666 : i32
      %add3A_1668 = arith.constant 80 : i32
      %add3A_1669 = arith.addi %mul3A_1667, %add3A_1668 : i32
      %swap3A_1670 = arith.index_cast %add3A_1669 : i32 to index
      %swap3A_1671 = tpu.vector_load %arg8[%swap3A_1670] {strides = array<i32>} : memref<20480xf32, #tpu.memory_space<vmem>>, vector<16xf32>,
      tpu.vector_store %arg8[%swap3A_1670], %gather3A_1665 {strides = array<i32>} : memref<20480xf32, #tpu.memory_space<vmem>>, vector<16xf32>,
      %gather3A_1672 = tpu.vector_load_idx %arg7[%broadcast_in_dim3A_1629, %add3A_440, %and3A_443] : memref<16x96x8xf32, #tpu.memory_space<vmem>>[vector<16xi32>, vector<16xi32>, vector<16xi32>], vector<16xf32>,
      %mul3A_1673 = arith.constant 160 : i32
      %mul3A_1674 = arith.muli %add3A_1612, %mul3A_1673 : i32
      %add3A_1675 = arith.constant 96 : i32
      %add3A_1676 = arith.addi %mul3A_1674, %add3A_1675 : i32
      %swap3A_1677 = arith.index_cast %add3A_1676 : i32 to index
      %swap3A_1678 = tpu.vector_load %arg8[%swap3A_1677] {strides = array<i32>} : memref<20480xf32, #tpu.memory_space<vmem>>, vector<16xf32>,
      tpu.vector_store %arg8[%swap3A_1677], %gather3A_1672 {strides = array<i32>} : memref<20480xf32, #tpu.memory_space<vmem>>, vector<16xf32>,
      %gather3A_1679 = tpu.vector_load_idx %arg7[%broadcast_in_dim3A_1629, %add3A_499, %and3A_502] : memref<16x96x8xf32, #tpu.memory_space<vmem>>[vector<16xi32>, vector<16xi32>, vector<16xi32>], vector<16xf32>,
      %mul3A_1680 = arith.constant 160 : i32
      %mul3A_1681 = arith.muli %add3A_1612, %mul3A_1680 : i32
      %add3A_1682 = arith.constant 112 : i32
      %add3A_1683 = arith.addi %mul3A_1681, %add3A_1682 : i32
      %swap3A_1684 = arith.index_cast %add3A_1683 : i32 to index
      %swap3A_1685 = tpu.vector_load %arg8[%swap3A_1684] {strides = array<i32>} : memref<20480xf32, #tpu.memory_space<vmem>>, vector<16xf32>,
      tpu.vector_store %arg8[%swap3A_1684], %gather3A_1679 {strides = array<i32>} : memref<20480xf32, #tpu.memory_space<vmem>>, vector<16xf32>,
      %gather3A_1686 = tpu.vector_load_idx %arg7[%broadcast_in_dim3A_1629, %add3A_558, %and3A_561] : memref<16x96x8xf32, #tpu.memory_space<vmem>>[vector<16xi32>, vector<16xi32>, vector<16xi32>], vector<16xf32>,
      %mul3A_1687 = arith.constant 160 : i32
      %mul3A_1688 = arith.muli %add3A_1612, %mul3A_1687 : i32
      %add3A_1689 = arith.constant 128 : i32
      %add3A_1690 = arith.addi %mul3A_1688, %add3A_1689 : i32
      %swap3A_1691 = arith.index_cast %add3A_1690 : i32 to index
      %swap3A_1692 = tpu.vector_load %arg8[%swap3A_1691] {strides = array<i32>} : memref<20480xf32, #tpu.memory_space<vmem>>, vector<16xf32>,
      tpu.vector_store %arg8[%swap3A_1691], %gather3A_1686 {strides = array<i32>} : memref<20480xf32, #tpu.memory_space<vmem>>, vector<16xf32>,
      %gather3A_1693 = tpu.vector_load_idx %arg7[%broadcast_in_dim3A_1629, %add3A_617, %and3A_620] : memref<16x96x8xf32, #tpu.memory_space<vmem>>[vector<16xi32>, vector<16xi32>, vector<16xi32>], vector<16xf32>,
      %mul3A_1694 = arith.constant 160 : i32
      %mul3A_1695 = arith.muli %add3A_1612, %mul3A_1694 : i32
      %add3A_1696 = arith.constant 144 : i32
      %add3A_1697 = arith.addi %mul3A_1695, %add3A_1696 : i32
      %swap3A_1698 = arith.index_cast %add3A_1697 : i32 to index
      %swap3A_1699 = tpu.vector_load %arg8[%swap3A_1698] {strides = array<i32>} : memref<20480xf32, #tpu.memory_space<vmem>>, vector<16xf32>,
      tpu.vector_store %arg8[%swap3A_1698], %gather3A_1693 {strides = array<i32>} : memref<20480xf32, #tpu.memory_space<vmem>>, vector<16xf32>,
      %add3A_1700 = arith.constant 3 : i32
      %add3A_1701 = arith.addi %mul3A_630, %add3A_1700 : i32
      %jit3A_1702 = arith.constant 16 : i32
      %eq3A_1703 = arith.constant 0 : i32
      %eq3A_1704 = arith.cmpi eq, %jit3A_1702, %eq3A_1703 : i32
      %jit3A_1705 = arith.constant 1 : i32
      %select_n3A_1706 = arith.select %eq3A_1704, %jit3A_1705, %jit3A_1702 : i32
      %rem3A_1707 = arith.remsi %add3A_1701, %select_n3A_1706 : i32
      %ne3A_1708 = arith.constant 0 : i32
      %ne3A_1709 = arith.cmpi ne, %rem3A_1707, %ne3A_1708 : i32
      %lt3A_1710 = arith.constant 0 : i32
      %lt3A_1711 = arith.cmpi slt, %rem3A_1707, %lt3A_1710 : i32
      %lt3A_1712 = arith.constant 0 : i32
      %lt3A_1713 = arith.cmpi slt, %select_n3A_1706, %lt3A_1712 : i32
      %ne3A_1714 = arith.xori %lt3A_1711, %lt3A_1713 : i1
      %and3A_1715 = arith.andi %ne3A_1714, %ne3A_1709 : i1
      %add3A_1716 = arith.addi %rem3A_1707, %select_n3A_1706 : i32
      %select_n3A_1717 = arith.select %and3A_1715, %add3A_1716, %rem3A_1707 : i32
      %broadcast_in_dim3A_1718 = vector.broadcast %select_n3A_1717 : i32 to vector<16xi32>
      %gather3A_1719 = tpu.vector_load_idx %arg7[%broadcast_in_dim3A_1718, %add3A_86, %and3A_89] : memref<16x96x8xf32, #tpu.memory_space<vmem>>[vector<16xi32>, vector<16xi32>, vector<16xi32>], vector<16xf32>,
      %mul3A_1720 = arith.constant 160 : i32
      %mul3A_1721 = arith.muli %add3A_1701, %mul3A_1720 : i32
      %add3A_1722 = arith.constant 0 : i32
      %add3A_1723 = arith.addi %mul3A_1721, %add3A_1722 : i32
      %swap3A_1724 = arith.index_cast %add3A_1723 : i32 to index
      %swap3A_1725 = tpu.vector_load %arg8[%swap3A_1724] {strides = array<i32>} : memref<20480xf32, #tpu.memory_space<vmem>>, vector<16xf32>,
      tpu.vector_store %arg8[%swap3A_1724], %gather3A_1719 {strides = array<i32>} : memref<20480xf32, #tpu.memory_space<vmem>>, vector<16xf32>,
      %gather3A_1726 = tpu.vector_load_idx %arg7[%broadcast_in_dim3A_1718, %add3A_145, %and3A_148] : memref<16x96x8xf32, #tpu.memory_space<vmem>>[vector<16xi32>, vector<16xi32>, vector<16xi32>], vector<16xf32>,
      %mul3A_1727 = arith.constant 160 : i32
      %mul3A_1728 = arith.muli %add3A_1701, %mul3A_1727 : i32
      %add3A_1729 = arith.constant 16 : i32
      %add3A_1730 = arith.addi %mul3A_1728, %add3A_1729 : i32
      %swap3A_1731 = arith.index_cast %add3A_1730 : i32 to index
      %swap3A_1732 = tpu.vector_load %arg8[%swap3A_1731] {strides = array<i32>} : memref<20480xf32, #tpu.memory_space<vmem>>, vector<16xf32>,
      tpu.vector_store %arg8[%swap3A_1731], %gather3A_1726 {strides = array<i32>} : memref<20480xf32, #tpu.memory_space<vmem>>, vector<16xf32>,
      %gather3A_1733 = tpu.vector_load_idx %arg7[%broadcast_in_dim3A_1718, %add3A_204, %and3A_207] : memref<16x96x8xf32, #tpu.memory_space<vmem>>[vector<16xi32>, vector<16xi32>, vector<16xi32>], vector<16xf32>,
      %mul3A_1734 = arith.constant 160 : i32
      %mul3A_1735 = arith.muli %add3A_1701, %mul3A_1734 : i32
      %add3A_1736 = arith.constant 32 : i32
      %add3A_1737 = arith.addi %mul3A_1735, %add3A_1736 : i32
      %swap3A_1738 = arith.index_cast %add3A_1737 : i32 to index
      %swap3A_1739 = tpu.vector_load %arg8[%swap3A_1738] {strides = array<i32>} : memref<20480xf32, #tpu.memory_space<vmem>>, vector<16xf32>,
      tpu.vector_store %arg8[%swap3A_1738], %gather3A_1733 {strides = array<i32>} : memref<20480xf32, #tpu.memory_space<vmem>>, vector<16xf32>,
      %gather3A_1740 = tpu.vector_load_idx %arg7[%broadcast_in_dim3A_1718, %add3A_263, %and3A_266] : memref<16x96x8xf32, #tpu.memory_space<vmem>>[vector<16xi32>, vector<16xi32>, vector<16xi32>], vector<16xf32>,
      %mul3A_1741 = arith.constant 160 : i32
      %mul3A_1742 = arith.muli %add3A_1701, %mul3A_1741 : i32
      %add3A_1743 = arith.constant 48 : i32
      %add3A_1744 = arith.addi %mul3A_1742, %add3A_1743 : i32
      %swap3A_1745 = arith.index_cast %add3A_1744 : i32 to index
      %swap3A_1746 = tpu.vector_load %arg8[%swap3A_1745] {strides = array<i32>} : memref<20480xf32, #tpu.memory_space<vmem>>, vector<16xf32>,
      tpu.vector_store %arg8[%swap3A_1745], %gather3A_1740 {strides = array<i32>} : memref<20480xf32, #tpu.memory_space<vmem>>, vector<16xf32>,
      %gather3A_1747 = tpu.vector_load_idx %arg7[%broadcast_in_dim3A_1718, %add3A_322, %and3A_325] : memref<16x96x8xf32, #tpu.memory_space<vmem>>[vector<16xi32>, vector<16xi32>, vector<16xi32>], vector<16xf32>,
      %mul3A_1748 = arith.constant 160 : i32
      %mul3A_1749 = arith.muli %add3A_1701, %mul3A_1748 : i32
      %add3A_1750 = arith.constant 64 : i32
      %add3A_1751 = arith.addi %mul3A_1749, %add3A_1750 : i32
      %swap3A_1752 = arith.index_cast %add3A_1751 : i32 to index
      %swap3A_1753 = tpu.vector_load %arg8[%swap3A_1752] {strides = array<i32>} : memref<20480xf32, #tpu.memory_space<vmem>>, vector<16xf32>,
      tpu.vector_store %arg8[%swap3A_1752], %gather3A_1747 {strides = array<i32>} : memref<20480xf32, #tpu.memory_space<vmem>>, vector<16xf32>,
      %gather3A_1754 = tpu.vector_load_idx %arg7[%broadcast_in_dim3A_1718, %add3A_381, %and3A_384] : memref<16x96x8xf32, #tpu.memory_space<vmem>>[vector<16xi32>, vector<16xi32>, vector<16xi32>], vector<16xf32>,
      %mul3A_1755 = arith.constant 160 : i32
      %mul3A_1756 = arith.muli %add3A_1701, %mul3A_1755 : i32
      %add3A_1757 = arith.constant 80 : i32
      %add3A_1758 = arith.addi %mul3A_1756, %add3A_1757 : i32
      %swap3A_1759 = arith.index_cast %add3A_1758 : i32 to index
      %swap3A_1760 = tpu.vector_load %arg8[%swap3A_1759] {strides = array<i32>} : memref<20480xf32, #tpu.memory_space<vmem>>, vector<16xf32>,
      tpu.vector_store %arg8[%swap3A_1759], %gather3A_1754 {strides = array<i32>} : memref<20480xf32, #tpu.memory_space<vmem>>, vector<16xf32>,
      %gather3A_1761 = tpu.vector_load_idx %arg7[%broadcast_in_dim3A_1718, %add3A_440, %and3A_443] : memref<16x96x8xf32, #tpu.memory_space<vmem>>[vector<16xi32>, vector<16xi32>, vector<16xi32>], vector<16xf32>,
      %mul3A_1762 = arith.constant 160 : i32
      %mul3A_1763 = arith.muli %add3A_1701, %mul3A_1762 : i32
      %add3A_1764 = arith.constant 96 : i32
      %add3A_1765 = arith.addi %mul3A_1763, %add3A_1764 : i32
      %swap3A_1766 = arith.index_cast %add3A_1765 : i32 to index
      %swap3A_1767 = tpu.vector_load %arg8[%swap3A_1766] {strides = array<i32>} : memref<20480xf32, #tpu.memory_space<vmem>>, vector<16xf32>,
      tpu.vector_store %arg8[%swap3A_1766], %gather3A_1761 {strides = array<i32>} : memref<20480xf32, #tpu.memory_space<vmem>>, vector<16xf32>,
      %gather3A_1768 = tpu.vector_load_idx %arg7[%broadcast_in_dim3A_1718, %add3A_499, %and3A_502] : memref<16x96x8xf32, #tpu.memory_space<vmem>>[vector<16xi32>, vector<16xi32>, vector<16xi32>], vector<16xf32>,
      %mul3A_1769 = arith.constant 160 : i32
      %mul3A_1770 = arith.muli %add3A_1701, %mul3A_1769 : i32
      %add3A_1771 = arith.constant 112 : i32
      %add3A_1772 = arith.addi %mul3A_1770, %add3A_1771 : i32
      %swap3A_1773 = arith.index_cast %add3A_1772 : i32 to index
      %swap3A_1774 = tpu.vector_load %arg8[%swap3A_1773] {strides = array<i32>} : memref<20480xf32, #tpu.memory_space<vmem>>, vector<16xf32>,
      tpu.vector_store %arg8[%swap3A_1773], %gather3A_1768 {strides = array<i32>} : memref<20480xf32, #tpu.memory_space<vmem>>, vector<16xf32>,
      %gather3A_1775 = tpu.vector_load_idx %arg7[%broadcast_in_dim3A_1718, %add3A_558, %and3A_561] : memref<16x96x8xf32, #tpu.memory_space<vmem>>[vector<16xi32>, vector<16xi32>, vector<16xi32>], vector<16xf32>,
      %mul3A_1776 = arith.constant 160 : i32
      %mul3A_1777 = arith.muli %add3A_1701, %mul3A_1776 : i32
      %add3A_1778 = arith.constant 128 : i32
      %add3A_1779 = arith.addi %mul3A_1777, %add3A_1778 : i32
      %swap3A_1780 = arith.index_cast %add3A_1779 : i32 to index
      %swap3A_1781 = tpu.vector_load %arg8[%swap3A_1780] {strides = array<i32>} : memref<20480xf32, #tpu.memory_space<vmem>>, vector<16xf32>,
      tpu.vector_store %arg8[%swap3A_1780], %gather3A_1775 {strides = array<i32>} : memref<20480xf32, #tpu.memory_space<vmem>>, vector<16xf32>,
      %gather3A_1782 = tpu.vector_load_idx %arg7[%broadcast_in_dim3A_1718, %add3A_617, %and3A_620] : memref<16x96x8xf32, #tpu.memory_space<vmem>>[vector<16xi32>, vector<16xi32>, vector<16xi32>], vector<16xf32>,
      %mul3A_1783 = arith.constant 160 : i32
      %mul3A_1784 = arith.muli %add3A_1701, %mul3A_1783 : i32
      %add3A_1785 = arith.constant 144 : i32
      %add3A_1786 = arith.addi %mul3A_1784, %add3A_1785 : i32
      %swap3A_1787 = arith.index_cast %add3A_1786 : i32 to index
      %swap3A_1788 = tpu.vector_load %arg8[%swap3A_1787] {strides = array<i32>} : memref<20480xf32, #tpu.memory_space<vmem>>, vector<16xf32>,
      tpu.vector_store %arg8[%swap3A_1787], %gather3A_1782 {strides = array<i32>} : memref<20480xf32, #tpu.memory_space<vmem>>, vector<16xf32>,
      %add3A_1789 = arith.constant 4 : i32
      %add3A_1790 = arith.addi %mul3A_630, %add3A_1789 : i32
      %jit3A_1791 = arith.constant 16 : i32
      %eq3A_1792 = arith.constant 0 : i32
      %eq3A_1793 = arith.cmpi eq, %jit3A_1791, %eq3A_1792 : i32
      %jit3A_1794 = arith.constant 1 : i32
      %select_n3A_1795 = arith.select %eq3A_1793, %jit3A_1794, %jit3A_1791 : i32
      %rem3A_1796 = arith.remsi %add3A_1790, %select_n3A_1795 : i32
      %ne3A_1797 = arith.constant 0 : i32
      %ne3A_1798 = arith.cmpi ne, %rem3A_1796, %ne3A_1797 : i32
      %lt3A_1799 = arith.constant 0 : i32
      %lt3A_1800 = arith.cmpi slt, %rem3A_1796, %lt3A_1799 : i32
      %lt3A_1801 = arith.constant 0 : i32
      %lt3A_1802 = arith.cmpi slt, %select_n3A_1795, %lt3A_1801 : i32
      %ne3A_1803 = arith.xori %lt3A_1800, %lt3A_1802 : i1
      %and3A_1804 = arith.andi %ne3A_1803, %ne3A_1798 : i1
      %add3A_1805 = arith.addi %rem3A_1796, %select_n3A_1795 : i32
      %select_n3A_1806 = arith.select %and3A_1804, %add3A_1805, %rem3A_1796 : i32
      %broadcast_in_dim3A_1807 = vector.broadcast %select_n3A_1806 : i32 to vector<16xi32>
      %gather3A_1808 = tpu.vector_load_idx %arg7[%broadcast_in_dim3A_1807, %add3A_86, %and3A_89] : memref<16x96x8xf32, #tpu.memory_space<vmem>>[vector<16xi32>, vector<16xi32>, vector<16xi32>], vector<16xf32>,
      %mul3A_1809 = arith.constant 160 : i32
      %mul3A_1810 = arith.muli %add3A_1790, %mul3A_1809 : i32
      %add3A_1811 = arith.constant 0 : i32
      %add3A_1812 = arith.addi %mul3A_1810, %add3A_1811 : i32
      %swap3A_1813 = arith.index_cast %add3A_1812 : i32 to index
      %swap3A_1814 = tpu.vector_load %arg8[%swap3A_1813] {strides = array<i32>} : memref<20480xf32, #tpu.memory_space<vmem>>, vector<16xf32>,
      tpu.vector_store %arg8[%swap3A_1813], %gather3A_1808 {strides = array<i32>} : memref<20480xf32, #tpu.memory_space<vmem>>, vector<16xf32>,
      %gather3A_1815 = tpu.vector_load_idx %arg7[%broadcast_in_dim3A_1807, %add3A_145, %and3A_148] : memref<16x96x8xf32, #tpu.memory_space<vmem>>[vector<16xi32>, vector<16xi32>, vector<16xi32>], vector<16xf32>,
      %mul3A_1816 = arith.constant 160 : i32
      %mul3A_1817 = arith.muli %add3A_1790, %mul3A_1816 : i32
      %add3A_1818 = arith.constant 16 : i32
      %add3A_1819 = arith.addi %mul3A_1817, %add3A_1818 : i32
      %swap3A_1820 = arith.index_cast %add3A_1819 : i32 to index
      %swap3A_1821 = tpu.vector_load %arg8[%swap3A_1820] {strides = array<i32>} : memref<20480xf32, #tpu.memory_space<vmem>>, vector<16xf32>,
      tpu.vector_store %arg8[%swap3A_1820], %gather3A_1815 {strides = array<i32>} : memref<20480xf32, #tpu.memory_space<vmem>>, vector<16xf32>,
      %gather3A_1822 = tpu.vector_load_idx %arg7[%broadcast_in_dim3A_1807, %add3A_204, %and3A_207] : memref<16x96x8xf32, #tpu.memory_space<vmem>>[vector<16xi32>, vector<16xi32>, vector<16xi32>], vector<16xf32>,
      %mul3A_1823 = arith.constant 160 : i32
      %mul3A_1824 = arith.muli %add3A_1790, %mul3A_1823 : i32
      %add3A_1825 = arith.constant 32 : i32
      %add3A_1826 = arith.addi %mul3A_1824, %add3A_1825 : i32
      %swap3A_1827 = arith.index_cast %add3A_1826 : i32 to index
      %swap3A_1828 = tpu.vector_load %arg8[%swap3A_1827] {strides = array<i32>} : memref<20480xf32, #tpu.memory_space<vmem>>, vector<16xf32>,
      tpu.vector_store %arg8[%swap3A_1827], %gather3A_1822 {strides = array<i32>} : memref<20480xf32, #tpu.memory_space<vmem>>, vector<16xf32>,
      %gather3A_1829 = tpu.vector_load_idx %arg7[%broadcast_in_dim3A_1807, %add3A_263, %and3A_266] : memref<16x96x8xf32, #tpu.memory_space<vmem>>[vector<16xi32>, vector<16xi32>, vector<16xi32>], vector<16xf32>,
      %mul3A_1830 = arith.constant 160 : i32
      %mul3A_1831 = arith.muli %add3A_1790, %mul3A_1830 : i32
      %add3A_1832 = arith.constant 48 : i32
      %add3A_1833 = arith.addi %mul3A_1831, %add3A_1832 : i32
      %swap3A_1834 = arith.index_cast %add3A_1833 : i32 to index
      %swap3A_1835 = tpu.vector_load %arg8[%swap3A_1834] {strides = array<i32>} : memref<20480xf32, #tpu.memory_space<vmem>>, vector<16xf32>,
      tpu.vector_store %arg8[%swap3A_1834], %gather3A_1829 {strides = array<i32>} : memref<20480xf32, #tpu.memory_space<vmem>>, vector<16xf32>,
      %gather3A_1836 = tpu.vector_load_idx %arg7[%broadcast_in_dim3A_1807, %add3A_322, %and3A_325] : memref<16x96x8xf32, #tpu.memory_space<vmem>>[vector<16xi32>, vector<16xi32>, vector<16xi32>], vector<16xf32>,
      %mul3A_1837 = arith.constant 160 : i32
      %mul3A_1838 = arith.muli %add3A_1790, %mul3A_1837 : i32
      %add3A_1839 = arith.constant 64 : i32
      %add3A_1840 = arith.addi %mul3A_1838, %add3A_1839 : i32
      %swap3A_1841 = arith.index_cast %add3A_1840 : i32 to index
      %swap3A_1842 = tpu.vector_load %arg8[%swap3A_1841] {strides = array<i32>} : memref<20480xf32, #tpu.memory_space<vmem>>, vector<16xf32>,
      tpu.vector_store %arg8[%swap3A_1841], %gather3A_1836 {strides = array<i32>} : memref<20480xf32, #tpu.memory_space<vmem>>, vector<16xf32>,
      %gather3A_1843 = tpu.vector_load_idx %arg7[%broadcast_in_dim3A_1807, %add3A_381, %and3A_384] : memref<16x96x8xf32, #tpu.memory_space<vmem>>[vector<16xi32>, vector<16xi32>, vector<16xi32>], vector<16xf32>,
      %mul3A_1844 = arith.constant 160 : i32
      %mul3A_1845 = arith.muli %add3A_1790, %mul3A_1844 : i32
      %add3A_1846 = arith.constant 80 : i32
      %add3A_1847 = arith.addi %mul3A_1845, %add3A_1846 : i32
      %swap3A_1848 = arith.index_cast %add3A_1847 : i32 to index
      %swap3A_1849 = tpu.vector_load %arg8[%swap3A_1848] {strides = array<i32>} : memref<20480xf32, #tpu.memory_space<vmem>>, vector<16xf32>,
      tpu.vector_store %arg8[%swap3A_1848], %gather3A_1843 {strides = array<i32>} : memref<20480xf32, #tpu.memory_space<vmem>>, vector<16xf32>,
      %gather3A_1850 = tpu.vector_load_idx %arg7[%broadcast_in_dim3A_1807, %add3A_440, %and3A_443] : memref<16x96x8xf32, #tpu.memory_space<vmem>>[vector<16xi32>, vector<16xi32>, vector<16xi32>], vector<16xf32>,
      %mul3A_1851 = arith.constant 160 : i32
      %mul3A_1852 = arith.muli %add3A_1790, %mul3A_1851 : i32
      %add3A_1853 = arith.constant 96 : i32
      %add3A_1854 = arith.addi %mul3A_1852, %add3A_1853 : i32
      %swap3A_1855 = arith.index_cast %add3A_1854 : i32 to index
      %swap3A_1856 = tpu.vector_load %arg8[%swap3A_1855] {strides = array<i32>} : memref<20480xf32, #tpu.memory_space<vmem>>, vector<16xf32>,
      tpu.vector_store %arg8[%swap3A_1855], %gather3A_1850 {strides = array<i32>} : memref<20480xf32, #tpu.memory_space<vmem>>, vector<16xf32>,
      %gather3A_1857 = tpu.vector_load_idx %arg7[%broadcast_in_dim3A_1807, %add3A_499, %and3A_502] : memref<16x96x8xf32, #tpu.memory_space<vmem>>[vector<16xi32>, vector<16xi32>, vector<16xi32>], vector<16xf32>,
      %mul3A_1858 = arith.constant 160 : i32
      %mul3A_1859 = arith.muli %add3A_1790, %mul3A_1858 : i32
      %add3A_1860 = arith.constant 112 : i32
      %add3A_1861 = arith.addi %mul3A_1859, %add3A_1860 : i32
      %swap3A_1862 = arith.index_cast %add3A_1861 : i32 to index
      %swap3A_1863 = tpu.vector_load %arg8[%swap3A_1862] {strides = array<i32>} : memref<20480xf32, #tpu.memory_space<vmem>>, vector<16xf32>,
      tpu.vector_store %arg8[%swap3A_1862], %gather3A_1857 {strides = array<i32>} : memref<20480xf32, #tpu.memory_space<vmem>>, vector<16xf32>,
      %gather3A_1864 = tpu.vector_load_idx %arg7[%broadcast_in_dim3A_1807, %add3A_558, %and3A_561] : memref<16x96x8xf32, #tpu.memory_space<vmem>>[vector<16xi32>, vector<16xi32>, vector<16xi32>], vector<16xf32>,
      %mul3A_1865 = arith.constant 160 : i32
      %mul3A_1866 = arith.muli %add3A_1790, %mul3A_1865 : i32
      %add3A_1867 = arith.constant 128 : i32
      %add3A_1868 = arith.addi %mul3A_1866, %add3A_1867 : i32
      %swap3A_1869 = arith.index_cast %add3A_1868 : i32 to index
      %swap3A_1870 = tpu.vector_load %arg8[%swap3A_1869] {strides = array<i32>} : memref<20480xf32, #tpu.memory_space<vmem>>, vector<16xf32>,
      tpu.vector_store %arg8[%swap3A_1869], %gather3A_1864 {strides = array<i32>} : memref<20480xf32, #tpu.memory_space<vmem>>, vector<16xf32>,
      %gather3A_1871 = tpu.vector_load_idx %arg7[%broadcast_in_dim3A_1807, %add3A_617, %and3A_620] : memref<16x96x8xf32, #tpu.memory_space<vmem>>[vector<16xi32>, vector<16xi32>, vector<16xi32>], vector<16xf32>,
      %mul3A_1872 = arith.constant 160 : i32
      %mul3A_1873 = arith.muli %add3A_1790, %mul3A_1872 : i32
      %add3A_1874 = arith.constant 144 : i32
      %add3A_1875 = arith.addi %mul3A_1873, %add3A_1874 : i32
      %swap3A_1876 = arith.index_cast %add3A_1875 : i32 to index
      %swap3A_1877 = tpu.vector_load %arg8[%swap3A_1876] {strides = array<i32>} : memref<20480xf32, #tpu.memory_space<vmem>>, vector<16xf32>,
      tpu.vector_store %arg8[%swap3A_1876], %gather3A_1871 {strides = array<i32>} : memref<20480xf32, #tpu.memory_space<vmem>>, vector<16xf32>,
      %add3A_1878 = arith.constant 5 : i32
      %add3A_1879 = arith.addi %mul3A_630, %add3A_1878 : i32
      %jit3A_1880 = arith.constant 16 : i32
      %eq3A_1881 = arith.constant 0 : i32
      %eq3A_1882 = arith.cmpi eq, %jit3A_1880, %eq3A_1881 : i32
      %jit3A_1883 = arith.constant 1 : i32
      %select_n3A_1884 = arith.select %eq3A_1882, %jit3A_1883, %jit3A_1880 : i32
      %rem3A_1885 = arith.remsi %add3A_1879, %select_n3A_1884 : i32
      %ne3A_1886 = arith.constant 0 : i32
      %ne3A_1887 = arith.cmpi ne, %rem3A_1885, %ne3A_1886 : i32
      %lt3A_1888 = arith.constant 0 : i32
      %lt3A_1889 = arith.cmpi slt, %rem3A_1885, %lt3A_1888 : i32
      %lt3A_1890 = arith.constant 0 : i32
      %lt3A_1891 = arith.cmpi slt, %select_n3A_1884, %lt3A_1890 : i32
      %ne3A_1892 = arith.xori %lt3A_1889, %lt3A_1891 : i1
      %and3A_1893 = arith.andi %ne3A_1892, %ne3A_1887 : i1
      %add3A_1894 = arith.addi %rem3A_1885, %select_n3A_1884 : i32
      %select_n3A_1895 = arith.select %and3A_1893, %add3A_1894, %rem3A_1885 : i32
      %broadcast_in_dim3A_1896 = vector.broadcast %select_n3A_1895 : i32 to vector<16xi32>
      %gather3A_1897 = tpu.vector_load_idx %arg7[%broadcast_in_dim3A_1896, %add3A_86, %and3A_89] : memref<16x96x8xf32, #tpu.memory_space<vmem>>[vector<16xi32>, vector<16xi32>, vector<16xi32>], vector<16xf32>,
      %mul3A_1898 = arith.constant 160 : i32
      %mul3A_1899 = arith.muli %add3A_1879, %mul3A_1898 : i32
      %add3A_1900 = arith.constant 0 : i32
      %add3A_1901 = arith.addi %mul3A_1899, %add3A_1900 : i32
      %swap3A_1902 = arith.index_cast %add3A_1901 : i32 to index
      %swap3A_1903 = tpu.vector_load %arg8[%swap3A_1902] {strides = array<i32>} : memref<20480xf32, #tpu.memory_space<vmem>>, vector<16xf32>,
      tpu.vector_store %arg8[%swap3A_1902], %gather3A_1897 {strides = array<i32>} : memref<20480xf32, #tpu.memory_space<vmem>>, vector<16xf32>,
      %gather3A_1904 = tpu.vector_load_idx %arg7[%broadcast_in_dim3A_1896, %add3A_145, %and3A_148] : memref<16x96x8xf32, #tpu.memory_space<vmem>>[vector<16xi32>, vector<16xi32>, vector<16xi32>], vector<16xf32>,
      %mul3A_1905 = arith.constant 160 : i32
      %mul3A_1906 = arith.muli %add3A_1879, %mul3A_1905 : i32
      %add3A_1907 = arith.constant 16 : i32
      %add3A_1908 = arith.addi %mul3A_1906, %add3A_1907 : i32
      %swap3A_1909 = arith.index_cast %add3A_1908 : i32 to index
      %swap3A_1910 = tpu.vector_load %arg8[%swap3A_1909] {strides = array<i32>} : memref<20480xf32, #tpu.memory_space<vmem>>, vector<16xf32>,
      tpu.vector_store %arg8[%swap3A_1909], %gather3A_1904 {strides = array<i32>} : memref<20480xf32, #tpu.memory_space<vmem>>, vector<16xf32>,
      %gather3A_1911 = tpu.vector_load_idx %arg7[%broadcast_in_dim3A_1896, %add3A_204, %and3A_207] : memref<16x96x8xf32, #tpu.memory_space<vmem>>[vector<16xi32>, vector<16xi32>, vector<16xi32>], vector<16xf32>,
      %mul3A_1912 = arith.constant 160 : i32
      %mul3A_1913 = arith.muli %add3A_1879, %mul3A_1912 : i32
      %add3A_1914 = arith.constant 32 : i32
      %add3A_1915 = arith.addi %mul3A_1913, %add3A_1914 : i32
      %swap3A_1916 = arith.index_cast %add3A_1915 : i32 to index
      %swap3A_1917 = tpu.vector_load %arg8[%swap3A_1916] {strides = array<i32>} : memref<20480xf32, #tpu.memory_space<vmem>>, vector<16xf32>,
      tpu.vector_store %arg8[%swap3A_1916], %gather3A_1911 {strides = array<i32>} : memref<20480xf32, #tpu.memory_space<vmem>>, vector<16xf32>,
      %gather3A_1918 = tpu.vector_load_idx %arg7[%broadcast_in_dim3A_1896, %add3A_263, %and3A_266] : memref<16x96x8xf32, #tpu.memory_space<vmem>>[vector<16xi32>, vector<16xi32>, vector<16xi32>], vector<16xf32>,
      %mul3A_1919 = arith.constant 160 : i32
      %mul3A_1920 = arith.muli %add3A_1879, %mul3A_1919 : i32
      %add3A_1921 = arith.constant 48 : i32
      %add3A_1922 = arith.addi %mul3A_1920, %add3A_1921 : i32
      %swap3A_1923 = arith.index_cast %add3A_1922 : i32 to index
      %swap3A_1924 = tpu.vector_load %arg8[%swap3A_1923] {strides = array<i32>} : memref<20480xf32, #tpu.memory_space<vmem>>, vector<16xf32>,
      tpu.vector_store %arg8[%swap3A_1923], %gather3A_1918 {strides = array<i32>} : memref<20480xf32, #tpu.memory_space<vmem>>, vector<16xf32>,
      %gather3A_1925 = tpu.vector_load_idx %arg7[%broadcast_in_dim3A_1896, %add3A_322, %and3A_325] : memref<16x96x8xf32, #tpu.memory_space<vmem>>[vector<16xi32>, vector<16xi32>, vector<16xi32>], vector<16xf32>,
      %mul3A_1926 = arith.constant 160 : i32
      %mul3A_1927 = arith.muli %add3A_1879, %mul3A_1926 : i32
      %add3A_1928 = arith.constant 64 : i32
      %add3A_1929 = arith.addi %mul3A_1927, %add3A_1928 : i32
      %swap3A_1930 = arith.index_cast %add3A_1929 : i32 to index
      %swap3A_1931 = tpu.vector_load %arg8[%swap3A_1930] {strides = array<i32>} : memref<20480xf32, #tpu.memory_space<vmem>>, vector<16xf32>,
      tpu.vector_store %arg8[%swap3A_1930], %gather3A_1925 {strides = array<i32>} : memref<20480xf32, #tpu.memory_space<vmem>>, vector<16xf32>,
      %gather3A_1932 = tpu.vector_load_idx %arg7[%broadcast_in_dim3A_1896, %add3A_381, %and3A_384] : memref<16x96x8xf32, #tpu.memory_space<vmem>>[vector<16xi32>, vector<16xi32>, vector<16xi32>], vector<16xf32>,
      %mul3A_1933 = arith.constant 160 : i32
      %mul3A_1934 = arith.muli %add3A_1879, %mul3A_1933 : i32
      %add3A_1935 = arith.constant 80 : i32
      %add3A_1936 = arith.addi %mul3A_1934, %add3A_1935 : i32
      %swap3A_1937 = arith.index_cast %add3A_1936 : i32 to index
      %swap3A_1938 = tpu.vector_load %arg8[%swap3A_1937] {strides = array<i32>} : memref<20480xf32, #tpu.memory_space<vmem>>, vector<16xf32>,
      tpu.vector_store %arg8[%swap3A_1937], %gather3A_1932 {strides = array<i32>} : memref<20480xf32, #tpu.memory_space<vmem>>, vector<16xf32>,
      %gather3A_1939 = tpu.vector_load_idx %arg7[%broadcast_in_dim3A_1896, %add3A_440, %and3A_443] : memref<16x96x8xf32, #tpu.memory_space<vmem>>[vector<16xi32>, vector<16xi32>, vector<16xi32>], vector<16xf32>,
      %mul3A_1940 = arith.constant 160 : i32
      %mul3A_1941 = arith.muli %add3A_1879, %mul3A_1940 : i32
      %add3A_1942 = arith.constant 96 : i32
      %add3A_1943 = arith.addi %mul3A_1941, %add3A_1942 : i32
      %swap3A_1944 = arith.index_cast %add3A_1943 : i32 to index
      %swap3A_1945 = tpu.vector_load %arg8[%swap3A_1944] {strides = array<i32>} : memref<20480xf32, #tpu.memory_space<vmem>>, vector<16xf32>,
      tpu.vector_store %arg8[%swap3A_1944], %gather3A_1939 {strides = array<i32>} : memref<20480xf32, #tpu.memory_space<vmem>>, vector<16xf32>,
      %gather3A_1946 = tpu.vector_load_idx %arg7[%broadcast_in_dim3A_1896, %add3A_499, %and3A_502] : memref<16x96x8xf32, #tpu.memory_space<vmem>>[vector<16xi32>, vector<16xi32>, vector<16xi32>], vector<16xf32>,
      %mul3A_1947 = arith.constant 160 : i32
      %mul3A_1948 = arith.muli %add3A_1879, %mul3A_1947 : i32
      %add3A_1949 = arith.constant 112 : i32
      %add3A_1950 = arith.addi %mul3A_1948, %add3A_1949 : i32
      %swap3A_1951 = arith.index_cast %add3A_1950 : i32 to index
      %swap3A_1952 = tpu.vector_load %arg8[%swap3A_1951] {strides = array<i32>} : memref<20480xf32, #tpu.memory_space<vmem>>, vector<16xf32>,
      tpu.vector_store %arg8[%swap3A_1951], %gather3A_1946 {strides = array<i32>} : memref<20480xf32, #tpu.memory_space<vmem>>, vector<16xf32>,
      %gather3A_1953 = tpu.vector_load_idx %arg7[%broadcast_in_dim3A_1896, %add3A_558, %and3A_561] : memref<16x96x8xf32, #tpu.memory_space<vmem>>[vector<16xi32>, vector<16xi32>, vector<16xi32>], vector<16xf32>,
      %mul3A_1954 = arith.constant 160 : i32
      %mul3A_1955 = arith.muli %add3A_1879, %mul3A_1954 : i32
      %add3A_1956 = arith.constant 128 : i32
      %add3A_1957 = arith.addi %mul3A_1955, %add3A_1956 : i32
      %swap3A_1958 = arith.index_cast %add3A_1957 : i32 to index
      %swap3A_1959 = tpu.vector_load %arg8[%swap3A_1958] {strides = array<i32>} : memref<20480xf32, #tpu.memory_space<vmem>>, vector<16xf32>,
      tpu.vector_store %arg8[%swap3A_1958], %gather3A_1953 {strides = array<i32>} : memref<20480xf32, #tpu.memory_space<vmem>>, vector<16xf32>,
      %gather3A_1960 = tpu.vector_load_idx %arg7[%broadcast_in_dim3A_1896, %add3A_617, %and3A_620] : memref<16x96x8xf32, #tpu.memory_space<vmem>>[vector<16xi32>, vector<16xi32>, vector<16xi32>], vector<16xf32>,
      %mul3A_1961 = arith.constant 160 : i32
      %mul3A_1962 = arith.muli %add3A_1879, %mul3A_1961 : i32
      %add3A_1963 = arith.constant 144 : i32
      %add3A_1964 = arith.addi %mul3A_1962, %add3A_1963 : i32
      %swap3A_1965 = arith.index_cast %add3A_1964 : i32 to index
      %swap3A_1966 = tpu.vector_load %arg8[%swap3A_1965] {strides = array<i32>} : memref<20480xf32, #tpu.memory_space<vmem>>, vector<16xf32>,
      tpu.vector_store %arg8[%swap3A_1965], %gather3A_1960 {strides = array<i32>} : memref<20480xf32, #tpu.memory_space<vmem>>, vector<16xf32>,
      %add3A_1967 = arith.constant 6 : i32
      %add3A_1968 = arith.addi %mul3A_630, %add3A_1967 : i32
      %jit3A_1969 = arith.constant 16 : i32
      %eq3A_1970 = arith.constant 0 : i32
      %eq3A_1971 = arith.cmpi eq, %jit3A_1969, %eq3A_1970 : i32
      %jit3A_1972 = arith.constant 1 : i32
      %select_n3A_1973 = arith.select %eq3A_1971, %jit3A_1972, %jit3A_1969 : i32
      %rem3A_1974 = arith.remsi %add3A_1968, %select_n3A_1973 : i32
      %ne3A_1975 = arith.constant 0 : i32
      %ne3A_1976 = arith.cmpi ne, %rem3A_1974, %ne3A_1975 : i32
      %lt3A_1977 = arith.constant 0 : i32
      %lt3A_1978 = arith.cmpi slt, %rem3A_1974, %lt3A_1977 : i32
      %lt3A_1979 = arith.constant 0 : i32
      %lt3A_1980 = arith.cmpi slt, %select_n3A_1973, %lt3A_1979 : i32
      %ne3A_1981 = arith.xori %lt3A_1978, %lt3A_1980 : i1
      %and3A_1982 = arith.andi %ne3A_1981, %ne3A_1976 : i1
      %add3A_1983 = arith.addi %rem3A_1974, %select_n3A_1973 : i32
      %select_n3A_1984 = arith.select %and3A_1982, %add3A_1983, %rem3A_1974 : i32
      %broadcast_in_dim3A_1985 = vector.broadcast %select_n3A_1984 : i32 to vector<16xi32>
      %gather3A_1986 = tpu.vector_load_idx %arg7[%broadcast_in_dim3A_1985, %add3A_86, %and3A_89] : memref<16x96x8xf32, #tpu.memory_space<vmem>>[vector<16xi32>, vector<16xi32>, vector<16xi32>], vector<16xf32>,
      %mul3A_1987 = arith.constant 160 : i32
      %mul3A_1988 = arith.muli %add3A_1968, %mul3A_1987 : i32
      %add3A_1989 = arith.constant 0 : i32
      %add3A_1990 = arith.addi %mul3A_1988, %add3A_1989 : i32
      %swap3A_1991 = arith.index_cast %add3A_1990 : i32 to index
      %swap3A_1992 = tpu.vector_load %arg8[%swap3A_1991] {strides = array<i32>} : memref<20480xf32, #tpu.memory_space<vmem>>, vector<16xf32>,
      tpu.vector_store %arg8[%swap3A_1991], %gather3A_1986 {strides = array<i32>} : memref<20480xf32, #tpu.memory_space<vmem>>, vector<16xf32>,
      %gather3A_1993 = tpu.vector_load_idx %arg7[%broadcast_in_dim3A_1985, %add3A_145, %and3A_148] : memref<16x96x8xf32, #tpu.memory_space<vmem>>[vector<16xi32>, vector<16xi32>, vector<16xi32>], vector<16xf32>,
      %mul3A_1994 = arith.constant 160 : i32
      %mul3A_1995 = arith.muli %add3A_1968, %mul3A_1994 : i32
      %add3A_1996 = arith.constant 16 : i32
      %add3A_1997 = arith.addi %mul3A_1995, %add3A_1996 : i32
      %swap3A_1998 = arith.index_cast %add3A_1997 : i32 to index
      %swap3A_1999 = tpu.vector_load %arg8[%swap3A_1998] {strides = array<i32>} : memref<20480xf32, #tpu.memory_space<vmem>>, vector<16xf32>,
      tpu.vector_store %arg8[%swap3A_1998], %gather3A_1993 {strides = array<i32>} : memref<20480xf32, #tpu.memory_space<vmem>>, vector<16xf32>,
      %gather3A_2000 = tpu.vector_load_idx %arg7[%broadcast_in_dim3A_1985, %add3A_204, %and3A_207] : memref<16x96x8xf32, #tpu.memory_space<vmem>>[vector<16xi32>, vector<16xi32>, vector<16xi32>], vector<16xf32>,
      %mul3A_2001 = arith.constant 160 : i32
      %mul3A_2002 = arith.muli %add3A_1968, %mul3A_2001 : i32
      %add3A_2003 = arith.constant 32 : i32
      %add3A_2004 = arith.addi %mul3A_2002, %add3A_2003 : i32
      %swap3A_2005 = arith.index_cast %add3A_2004 : i32 to index
      %swap3A_2006 = tpu.vector_load %arg8[%swap3A_2005] {strides = array<i32>} : memref<20480xf32, #tpu.memory_space<vmem>>, vector<16xf32>,
      tpu.vector_store %arg8[%swap3A_2005], %gather3A_2000 {strides = array<i32>} : memref<20480xf32, #tpu.memory_space<vmem>>, vector<16xf32>,
      %gather3A_2007 = tpu.vector_load_idx %arg7[%broadcast_in_dim3A_1985, %add3A_263, %and3A_266] : memref<16x96x8xf32, #tpu.memory_space<vmem>>[vector<16xi32>, vector<16xi32>, vector<16xi32>], vector<16xf32>,
      %mul3A_2008 = arith.constant 160 : i32
      %mul3A_2009 = arith.muli %add3A_1968, %mul3A_2008 : i32
      %add3A_2010 = arith.constant 48 : i32
      %add3A_2011 = arith.addi %mul3A_2009, %add3A_2010 : i32
      %swap3A_2012 = arith.index_cast %add3A_2011 : i32 to index
      %swap3A_2013 = tpu.vector_load %arg8[%swap3A_2012] {strides = array<i32>} : memref<20480xf32, #tpu.memory_space<vmem>>, vector<16xf32>,
      tpu.vector_store %arg8[%swap3A_2012], %gather3A_2007 {strides = array<i32>} : memref<20480xf32, #tpu.memory_space<vmem>>, vector<16xf32>,
      %gather3A_2014 = tpu.vector_load_idx %arg7[%broadcast_in_dim3A_1985, %add3A_322, %and3A_325] : memref<16x96x8xf32, #tpu.memory_space<vmem>>[vector<16xi32>, vector<16xi32>, vector<16xi32>], vector<16xf32>,
      %mul3A_2015 = arith.constant 160 : i32
      %mul3A_2016 = arith.muli %add3A_1968, %mul3A_2015 : i32
      %add3A_2017 = arith.constant 64 : i32
      %add3A_2018 = arith.addi %mul3A_2016, %add3A_2017 : i32
      %swap3A_2019 = arith.index_cast %add3A_2018 : i32 to index
      %swap3A_2020 = tpu.vector_load %arg8[%swap3A_2019] {strides = array<i32>} : memref<20480xf32, #tpu.memory_space<vmem>>, vector<16xf32>,
      tpu.vector_store %arg8[%swap3A_2019], %gather3A_2014 {strides = array<i32>} : memref<20480xf32, #tpu.memory_space<vmem>>, vector<16xf32>,
      %gather3A_2021 = tpu.vector_load_idx %arg7[%broadcast_in_dim3A_1985, %add3A_381, %and3A_384] : memref<16x96x8xf32, #tpu.memory_space<vmem>>[vector<16xi32>, vector<16xi32>, vector<16xi32>], vector<16xf32>,
      %mul3A_2022 = arith.constant 160 : i32
      %mul3A_2023 = arith.muli %add3A_1968, %mul3A_2022 : i32
      %add3A_2024 = arith.constant 80 : i32
      %add3A_2025 = arith.addi %mul3A_2023, %add3A_2024 : i32
      %swap3A_2026 = arith.index_cast %add3A_2025 : i32 to index
      %swap3A_2027 = tpu.vector_load %arg8[%swap3A_2026] {strides = array<i32>} : memref<20480xf32, #tpu.memory_space<vmem>>, vector<16xf32>,
      tpu.vector_store %arg8[%swap3A_2026], %gather3A_2021 {strides = array<i32>} : memref<20480xf32, #tpu.memory_space<vmem>>, vector<16xf32>,
      %gather3A_2028 = tpu.vector_load_idx %arg7[%broadcast_in_dim3A_1985, %add3A_440, %and3A_443] : memref<16x96x8xf32, #tpu.memory_space<vmem>>[vector<16xi32>, vector<16xi32>, vector<16xi32>], vector<16xf32>,
      %mul3A_2029 = arith.constant 160 : i32
      %mul3A_2030 = arith.muli %add3A_1968, %mul3A_2029 : i32
      %add3A_2031 = arith.constant 96 : i32
      %add3A_2032 = arith.addi %mul3A_2030, %add3A_2031 : i32
      %swap3A_2033 = arith.index_cast %add3A_2032 : i32 to index
      %swap3A_2034 = tpu.vector_load %arg8[%swap3A_2033] {strides = array<i32>} : memref<20480xf32, #tpu.memory_space<vmem>>, vector<16xf32>,
      tpu.vector_store %arg8[%swap3A_2033], %gather3A_2028 {strides = array<i32>} : memref<20480xf32, #tpu.memory_space<vmem>>, vector<16xf32>,
      %gather3A_2035 = tpu.vector_load_idx %arg7[%broadcast_in_dim3A_1985, %add3A_499, %and3A_502] : memref<16x96x8xf32, #tpu.memory_space<vmem>>[vector<16xi32>, vector<16xi32>, vector<16xi32>], vector<16xf32>,
      %mul3A_2036 = arith.constant 160 : i32
      %mul3A_2037 = arith.muli %add3A_1968, %mul3A_2036 : i32
      %add3A_2038 = arith.constant 112 : i32
      %add3A_2039 = arith.addi %mul3A_2037, %add3A_2038 : i32
      %swap3A_2040 = arith.index_cast %add3A_2039 : i32 to index
      %swap3A_2041 = tpu.vector_load %arg8[%swap3A_2040] {strides = array<i32>} : memref<20480xf32, #tpu.memory_space<vmem>>, vector<16xf32>,
      tpu.vector_store %arg8[%swap3A_2040], %gather3A_2035 {strides = array<i32>} : memref<20480xf32, #tpu.memory_space<vmem>>, vector<16xf32>,
      %gather3A_2042 = tpu.vector_load_idx %arg7[%broadcast_in_dim3A_1985, %add3A_558, %and3A_561] : memref<16x96x8xf32, #tpu.memory_space<vmem>>[vector<16xi32>, vector<16xi32>, vector<16xi32>], vector<16xf32>,
      %mul3A_2043 = arith.constant 160 : i32
      %mul3A_2044 = arith.muli %add3A_1968, %mul3A_2043 : i32
      %add3A_2045 = arith.constant 128 : i32
      %add3A_2046 = arith.addi %mul3A_2044, %add3A_2045 : i32
      %swap3A_2047 = arith.index_cast %add3A_2046 : i32 to index
      %swap3A_2048 = tpu.vector_load %arg8[%swap3A_2047] {strides = array<i32>} : memref<20480xf32, #tpu.memory_space<vmem>>, vector<16xf32>,
      tpu.vector_store %arg8[%swap3A_2047], %gather3A_2042 {strides = array<i32>} : memref<20480xf32, #tpu.memory_space<vmem>>, vector<16xf32>,
      %gather3A_2049 = tpu.vector_load_idx %arg7[%broadcast_in_dim3A_1985, %add3A_617, %and3A_620] : memref<16x96x8xf32, #tpu.memory_space<vmem>>[vector<16xi32>, vector<16xi32>, vector<16xi32>], vector<16xf32>,
      %mul3A_2050 = arith.constant 160 : i32
      %mul3A_2051 = arith.muli %add3A_1968, %mul3A_2050 : i32
      %add3A_2052 = arith.constant 144 : i32
      %add3A_2053 = arith.addi %mul3A_2051, %add3A_2052 : i32
      %swap3A_2054 = arith.index_cast %add3A_2053 : i32 to index
      %swap3A_2055 = tpu.vector_load %arg8[%swap3A_2054] {strides = array<i32>} : memref<20480xf32, #tpu.memory_space<vmem>>, vector<16xf32>,
      tpu.vector_store %arg8[%swap3A_2054], %gather3A_2049 {strides = array<i32>} : memref<20480xf32, #tpu.memory_space<vmem>>, vector<16xf32>,
      %add3A_2056 = arith.constant 7 : i32
      %add3A_2057 = arith.addi %mul3A_630, %add3A_2056 : i32
      %jit3A_2058 = arith.constant 16 : i32
      %eq3A_2059 = arith.constant 0 : i32
      %eq3A_2060 = arith.cmpi eq, %jit3A_2058, %eq3A_2059 : i32
      %jit3A_2061 = arith.constant 1 : i32
      %select_n3A_2062 = arith.select %eq3A_2060, %jit3A_2061, %jit3A_2058 : i32
      %rem3A_2063 = arith.remsi %add3A_2057, %select_n3A_2062 : i32
      %ne3A_2064 = arith.constant 0 : i32
      %ne3A_2065 = arith.cmpi ne, %rem3A_2063, %ne3A_2064 : i32
      %lt3A_2066 = arith.constant 0 : i32
      %lt3A_2067 = arith.cmpi slt, %rem3A_2063, %lt3A_2066 : i32
      %lt3A_2068 = arith.constant 0 : i32
      %lt3A_2069 = arith.cmpi slt, %select_n3A_2062, %lt3A_2068 : i32
      %ne3A_2070 = arith.xori %lt3A_2067, %lt3A_2069 : i1
      %and3A_2071 = arith.andi %ne3A_2070, %ne3A_2065 : i1
      %add3A_2072 = arith.addi %rem3A_2063, %select_n3A_2062 : i32
      %select_n3A_2073 = arith.select %and3A_2071, %add3A_2072, %rem3A_2063 : i32
      %broadcast_in_dim3A_2074 = vector.broadcast %select_n3A_2073 : i32 to vector<16xi32>
      %gather3A_2075 = tpu.vector_load_idx %arg7[%broadcast_in_dim3A_2074, %add3A_86, %and3A_89] : memref<16x96x8xf32, #tpu.memory_space<vmem>>[vector<16xi32>, vector<16xi32>, vector<16xi32>], vector<16xf32>,
      %mul3A_2076 = arith.constant 160 : i32
      %mul3A_2077 = arith.muli %add3A_2057, %mul3A_2076 : i32
      %add3A_2078 = arith.constant 0 : i32
      %add3A_2079 = arith.addi %mul3A_2077, %add3A_2078 : i32
      %swap3A_2080 = arith.index_cast %add3A_2079 : i32 to index
      %swap3A_2081 = tpu.vector_load %arg8[%swap3A_2080] {strides = array<i32>} : memref<20480xf32, #tpu.memory_space<vmem>>, vector<16xf32>,
      tpu.vector_store %arg8[%swap3A_2080], %gather3A_2075 {strides = array<i32>} : memref<20480xf32, #tpu.memory_space<vmem>>, vector<16xf32>,
      %gather3A_2082 = tpu.vector_load_idx %arg7[%broadcast_in_dim3A_2074, %add3A_145, %and3A_148] : memref<16x96x8xf32, #tpu.memory_space<vmem>>[vector<16xi32>, vector<16xi32>, vector<16xi32>], vector<16xf32>,
      %mul3A_2083 = arith.constant 160 : i32
      %mul3A_2084 = arith.muli %add3A_2057, %mul3A_2083 : i32
      %add3A_2085 = arith.constant 16 : i32
      %add3A_2086 = arith.addi %mul3A_2084, %add3A_2085 : i32
      %swap3A_2087 = arith.index_cast %add3A_2086 : i32 to index
      %swap3A_2088 = tpu.vector_load %arg8[%swap3A_2087] {strides = array<i32>} : memref<20480xf32, #tpu.memory_space<vmem>>, vector<16xf32>,
      tpu.vector_store %arg8[%swap3A_2087], %gather3A_2082 {strides = array<i32>} : memref<20480xf32, #tpu.memory_space<vmem>>, vector<16xf32>,
      %gather3A_2089 = tpu.vector_load_idx %arg7[%broadcast_in_dim3A_2074, %add3A_204, %and3A_207] : memref<16x96x8xf32, #tpu.memory_space<vmem>>[vector<16xi32>, vector<16xi32>, vector<16xi32>], vector<16xf32>,
      %mul3A_2090 = arith.constant 160 : i32
      %mul3A_2091 = arith.muli %add3A_2057, %mul3A_2090 : i32
      %add3A_2092 = arith.constant 32 : i32
      %add3A_2093 = arith.addi %mul3A_2091, %add3A_2092 : i32
      %swap3A_2094 = arith.index_cast %add3A_2093 : i32 to index
      %swap3A_2095 = tpu.vector_load %arg8[%swap3A_2094] {strides = array<i32>} : memref<20480xf32, #tpu.memory_space<vmem>>, vector<16xf32>,
      tpu.vector_store %arg8[%swap3A_2094], %gather3A_2089 {strides = array<i32>} : memref<20480xf32, #tpu.memory_space<vmem>>, vector<16xf32>,
      %gather3A_2096 = tpu.vector_load_idx %arg7[%broadcast_in_dim3A_2074, %add3A_263, %and3A_266] : memref<16x96x8xf32, #tpu.memory_space<vmem>>[vector<16xi32>, vector<16xi32>, vector<16xi32>], vector<16xf32>,
      %mul3A_2097 = arith.constant 160 : i32
      %mul3A_2098 = arith.muli %add3A_2057, %mul3A_2097 : i32
      %add3A_2099 = arith.constant 48 : i32
      %add3A_2100 = arith.addi %mul3A_2098, %add3A_2099 : i32
      %swap3A_2101 = arith.index_cast %add3A_2100 : i32 to index
      %swap3A_2102 = tpu.vector_load %arg8[%swap3A_2101] {strides = array<i32>} : memref<20480xf32, #tpu.memory_space<vmem>>, vector<16xf32>,
      tpu.vector_store %arg8[%swap3A_2101], %gather3A_2096 {strides = array<i32>} : memref<20480xf32, #tpu.memory_space<vmem>>, vector<16xf32>,
      %gather3A_2103 = tpu.vector_load_idx %arg7[%broadcast_in_dim3A_2074, %add3A_322, %and3A_325] : memref<16x96x8xf32, #tpu.memory_space<vmem>>[vector<16xi32>, vector<16xi32>, vector<16xi32>], vector<16xf32>,
      %mul3A_2104 = arith.constant 160 : i32
      %mul3A_2105 = arith.muli %add3A_2057, %mul3A_2104 : i32
      %add3A_2106 = arith.constant 64 : i32
      %add3A_2107 = arith.addi %mul3A_2105, %add3A_2106 : i32
      %swap3A_2108 = arith.index_cast %add3A_2107 : i32 to index
      %swap3A_2109 = tpu.vector_load %arg8[%swap3A_2108] {strides = array<i32>} : memref<20480xf32, #tpu.memory_space<vmem>>, vector<16xf32>,
      tpu.vector_store %arg8[%swap3A_2108], %gather3A_2103 {strides = array<i32>} : memref<20480xf32, #tpu.memory_space<vmem>>, vector<16xf32>,
      %gather3A_2110 = tpu.vector_load_idx %arg7[%broadcast_in_dim3A_2074, %add3A_381, %and3A_384] : memref<16x96x8xf32, #tpu.memory_space<vmem>>[vector<16xi32>, vector<16xi32>, vector<16xi32>], vector<16xf32>,
      %mul3A_2111 = arith.constant 160 : i32
      %mul3A_2112 = arith.muli %add3A_2057, %mul3A_2111 : i32
      %add3A_2113 = arith.constant 80 : i32
      %add3A_2114 = arith.addi %mul3A_2112, %add3A_2113 : i32
      %swap3A_2115 = arith.index_cast %add3A_2114 : i32 to index
      %swap3A_2116 = tpu.vector_load %arg8[%swap3A_2115] {strides = array<i32>} : memref<20480xf32, #tpu.memory_space<vmem>>, vector<16xf32>,
      tpu.vector_store %arg8[%swap3A_2115], %gather3A_2110 {strides = array<i32>} : memref<20480xf32, #tpu.memory_space<vmem>>, vector<16xf32>,
      %gather3A_2117 = tpu.vector_load_idx %arg7[%broadcast_in_dim3A_2074, %add3A_440, %and3A_443] : memref<16x96x8xf32, #tpu.memory_space<vmem>>[vector<16xi32>, vector<16xi32>, vector<16xi32>], vector<16xf32>,
      %mul3A_2118 = arith.constant 160 : i32
      %mul3A_2119 = arith.muli %add3A_2057, %mul3A_2118 : i32
      %add3A_2120 = arith.constant 96 : i32
      %add3A_2121 = arith.addi %mul3A_2119, %add3A_2120 : i32
      %swap3A_2122 = arith.index_cast %add3A_2121 : i32 to index
      %swap3A_2123 = tpu.vector_load %arg8[%swap3A_2122] {strides = array<i32>} : memref<20480xf32, #tpu.memory_space<vmem>>, vector<16xf32>,
      tpu.vector_store %arg8[%swap3A_2122], %gather3A_2117 {strides = array<i32>} : memref<20480xf32, #tpu.memory_space<vmem>>, vector<16xf32>,
      %gather3A_2124 = tpu.vector_load_idx %arg7[%broadcast_in_dim3A_2074, %add3A_499, %and3A_502] : memref<16x96x8xf32, #tpu.memory_space<vmem>>[vector<16xi32>, vector<16xi32>, vector<16xi32>], vector<16xf32>,
      %mul3A_2125 = arith.constant 160 : i32
      %mul3A_2126 = arith.muli %add3A_2057, %mul3A_2125 : i32
      %add3A_2127 = arith.constant 112 : i32
      %add3A_2128 = arith.addi %mul3A_2126, %add3A_2127 : i32
      %swap3A_2129 = arith.index_cast %add3A_2128 : i32 to index
      %swap3A_2130 = tpu.vector_load %arg8[%swap3A_2129] {strides = array<i32>} : memref<20480xf32, #tpu.memory_space<vmem>>, vector<16xf32>,
      tpu.vector_store %arg8[%swap3A_2129], %gather3A_2124 {strides = array<i32>} : memref<20480xf32, #tpu.memory_space<vmem>>, vector<16xf32>,
      %gather3A_2131 = tpu.vector_load_idx %arg7[%broadcast_in_dim3A_2074, %add3A_558, %and3A_561] : memref<16x96x8xf32, #tpu.memory_space<vmem>>[vector<16xi32>, vector<16xi32>, vector<16xi32>], vector<16xf32>,
      %mul3A_2132 = arith.constant 160 : i32
      %mul3A_2133 = arith.muli %add3A_2057, %mul3A_2132 : i32
      %add3A_2134 = arith.constant 128 : i32
      %add3A_2135 = arith.addi %mul3A_2133, %add3A_2134 : i32
      %swap3A_2136 = arith.index_cast %add3A_2135 : i32 to index
      %swap3A_2137 = tpu.vector_load %arg8[%swap3A_2136] {strides = array<i32>} : memref<20480xf32, #tpu.memory_space<vmem>>, vector<16xf32>,
      tpu.vector_store %arg8[%swap3A_2136], %gather3A_2131 {strides = array<i32>} : memref<20480xf32, #tpu.memory_space<vmem>>, vector<16xf32>,
      %gather3A_2138 = tpu.vector_load_idx %arg7[%broadcast_in_dim3A_2074, %add3A_617, %and3A_620] : memref<16x96x8xf32, #tpu.memory_space<vmem>>[vector<16xi32>, vector<16xi32>, vector<16xi32>], vector<16xf32>,
      %mul3A_2139 = arith.constant 160 : i32
      %mul3A_2140 = arith.muli %add3A_2057, %mul3A_2139 : i32
      %add3A_2141 = arith.constant 144 : i32
      %add3A_2142 = arith.addi %mul3A_2140, %add3A_2141 : i32
      %swap3A_2143 = arith.index_cast %add3A_2142 : i32 to index
      %swap3A_2144 = tpu.vector_load %arg8[%swap3A_2143] {strides = array<i32>} : memref<20480xf32, #tpu.memory_space<vmem>>, vector<16xf32>,
      tpu.vector_store %arg8[%swap3A_2143], %gather3A_2138 {strides = array<i32>} : memref<20480xf32, #tpu.memory_space<vmem>>, vector<16xf32>,
    }
    %scan3A_625 = arith.constant 16 : i32
    %mul3A_626 = arith.constant 20480 : i32
    %mul3A_627 = arith.muli %add3A, %mul3A_626 : i32
    "tpu.region"() ({
      %run_scoped3A = tpu.sem_alloc : memref<!tpu.dma_semaphore, #tpu.memory_space<semaphore_mem>>
      %dma_start3A = tpu.memref_slice %arg4[%mul3A_627] : memref<655360xf32, #tpu.memory_space<hbm>> -> memref<20480xf32, #tpu.memory_space<hbm>>
      %dma_start3A_628 = tpu.memref_slice %arg4[%mul3A_627] : memref<655360xf32, #tpu.memory_space<hbm>> -> memref<20480xf32, #tpu.memory_space<hbm>>
      tpu.enqueue_dma source(%arg8 : memref<20480xf32, #tpu.memory_space<vmem>>) target(%dma_start3A_628 : memref<20480xf32, #tpu.memory_space<hbm>>) target_semaphore(%run_scoped3A : memref<!tpu.dma_semaphore, #tpu.memory_space<semaphore_mem>>)
      %dma_wait3A = tpu.memref_slice %arg4[%mul3A_627] : memref<655360xf32, #tpu.memory_space<hbm>> -> memref<20480xf32, #tpu.memory_space<hbm>>
      %dma_wait3A_629 = tpu.memref_slice %arg4[%mul3A_627] : memref<655360xf32, #tpu.memory_space<hbm>> -> memref<20480xf32, #tpu.memory_space<hbm>>
      tpu.wait_dma2 semaphore(%run_scoped3A : memref<!tpu.dma_semaphore, #tpu.memory_space<semaphore_mem>>) src(%arg8 : memref<20480xf32, #tpu.memory_space<vmem>>) dst(%dma_wait3A_629 : memref<20480xf32, #tpu.memory_space<hbm>>)
      tpu.yield
    }) : () -> ()
    return
  }
}

</mosaic_0001>

<sc_bundles>
// kernel: kernel.3.cloned.1.call-start
scs
__scs_entry_jumppad:
0x0: {  	(pc) =	sbr.rel $0x88, $3  }
0x1: {  	(tag) =	ssettag $0x0;
	lr =	simm.s32 $0x1  }
0x2: {  	[smem:$0x3F9F] =	sst lr;
	_ =	strace $0xD0000000  }
0x3: {  	_ = 	snop  }
0x4: {  	_ = 	snop  }
0x5: {  	_ = 	snop  }
0x6: {  	_ = 	snop  }
0x7: {  	_ = 	snop  }
__scs_overlays_trampoline_lowered:
0x8: {  	[smem:$0x3FAE] =	sst s0  }
0x9: {  	[smem:$0x3FAF] =	sst s1  }
0xa: {  	[smem:$0x3FB0] =	sst s2  }
0xb: {  	[smem:$0x3FB1] =	sst s3  }
0xc: {  	[smem:$0x3FB2] =	sst s4  }
0xd: {  	[smem:$0x3FB3] =	sst s5  }
0xe: {  	[smem:$0x3FB4] =	sst s6  }
0xf: {  	[smem:$0x3FB5] =	sst s7  }
0x10: {  	[smem:$0x3FB6] =	sst s8  }
0x11: {  	[smem:$0x3FB7] =	sst s9;
	s0 =	simm.s32 @!p0 $0x0  }
0x12: {  	s1 =	sld [smem:$0x3F9D];
	s0 =	simm.s32 @p0 $0x1  }
0x13: {  	[smem:$0x3FB8] =	sst s0;
	s0 =	simm.s32 @!p1 $0x0  }
0x14: {  	s2 =	sld [smem:$0x3F9C];
	s0 =	simm.s32 @p1 $0x1  }
0x15: {  	[smem:$0x3FB9] =	sst s0;
	s0 =	simm.s32 @!p2 $0x0  }
0x16: {  	s3 =	sld [smem:$0x3FDB];
	s0 =	simm.s32 @p2 $0x1  }
0x17: {  	s4 =	simm.s32 $0x1BF5;
	[smem:$0x3FBB] =	sst s0  }
0x18: {  	s0 =	sld [smem:$0x3F9E];
	_ =	swait.ge [sflag:s4], $0x0  }
0x19: {  	s7 =	sld [smem:$0x3F9F]  }
0x1a: {  	s8 =	sadd.s32 $0xFFFFE003, lr  }
0x1b: {  	s9 =	sadd.s32 $0xFFFFFEF7, lr;
	s5 =	simm.s32 $0xFFFFFFFF;
	p2 =	slt.u32 s8, $0xFFFFF086  }
0x1c: {  	p1 =	slt.u32 s9, $0xF7A;
	s5 =	simm.s32 @!p2 $0x0  }
0x1d: {  	s5 =	simm.s32 @p1 $0x1;
	p0 =	seq.s32 s7, s2  }
0x1e: {  	s7 =	smul.u32 @!p0 $0xF7A, s2;
	p2 =	seq.s32 @!p0 s5, $0x0  }
0x1f: {  	s9 =	smul.u32 $0xF7A, s1;
	s8 =	simm.s32 @!p0 $0x1BF5;
	p2 =	por !p2, p0  }
0x20: {  	[sflag:s8] =	ssyncset.s32 @!p0 $0xFFFFF086;
	s6 =	sadd.s32 @!p0 s3, s7;
	s7 =	simm.s32 @!p0 $0x108  }
0x21: {  	s3 =	sadd.s32 s3, s9;
	s6 =	sadd.s32 @!p0 $0x88, s6;
	s7 =	simm.s32 @p2 $0x1082  }
0x22: {  	[simem:s7], [sflag:s8] =	dma.local @!p0 [hbm:s6], $0xF7A  }
0x23: {  	s9 =	sor.u32 $0xD0000000, s2;
	s6 =	simm.s32 $0x108;
	_ =	swait.ge @!p0 [sflag:s8], $0x0  }
0x24: {  	s3 =	sadd.s32 $0x88, s3;
	s6 =	simm.s32 @!p1 $0x1082;
	[sflag:s4] =	ssyncset.s32 $0xFFFFF086  }
0x25: {  	[simem:s6], [sflag:s4] =	dma.local [hbm:s3], $0xF7A  }
0x26: {  	[smem:$0x3F9F] =	sst s1;
	(tag) =	ssettag s2;
	_ =	strace s9  }
0x27: {  	s1 =	sld [smem:$0x3FAF]  }
0x28: {  	s2 =	sld [smem:$0x3FB0]  }
0x29: {  	s4 =	sld [smem:$0x3FB2]  }
0x2a: {  	p0 =	seq.s32 s5, $0x0;
	s5 =	sld [smem:$0x3FB3]  }
0x2b: {  	s6 =	sld [smem:$0x3FB4]  }
0x2c: {  	s7 =	sld [smem:$0x3FB5]  }
0x2d: {  	s3 =	simm.s32 $0x108;
	s8 =	sld [smem:$0x3FB6]  }
0x2e: {  	s3 =	simm.s32 @!p0 $0x1082;
	s9 =	sld [smem:$0x3FB7]  }
0x2f: {  	lr =	sadd.s32 s0, s3;
	s0 =	sld [smem:$0x3FAE]  }
0x30: {  	s3 =	sld [smem:$0x3FB1]  }
0x31: {  	[smem:$0x3FBA] =	sst s10  }
0x32: {  	s10 =	sld [smem:$0x3FB8];
	_ =	sdelay $0x3  }
0x33: {  	p0 =	seq.s32 s10, $0x1;
	s10 =	sld [smem:$0x3FBA];
	_ =	sdelay $0x3  }
0x34: {  	[smem:$0x3FBA] =	sst s10  }
0x35: {  	s10 =	sld [smem:$0x3FB9];
	_ =	sdelay $0x3  }
0x36: {  	p1 =	seq.s32 s10, $0x1;
	s10 =	sld [smem:$0x3FBA];
	_ =	sdelay $0x3  }
0x37: {  	[smem:$0x3FBA] =	sst s10  }
0x38: {  	s10 =	sld [smem:$0x3FBB]  }
0x39: {  	_ = 	snop;
	(pc) =	sbr.ind lr, $3  }
0x3a: {  	_ = 	snop  }
0x3b: {  	_ = 	snop  }
0x3c: {  	p2 =	seq.s32 s10, $0x1;
	s10 =	sld [smem:$0x3FBA]  }
0x3d: {  	_ =	shalt  }
0x3e: {  	_ =	shalt  }
0x3f: {  	_ =	shalt  }
0x40: {  	_ =	shalt  }
0x41: {  	_ =	shalt  }
0x42: {  	_ =	shalt  }
0x43: {  	_ =	shalt  }
0x44: {  	_ =	shalt  }
0x45: {  	_ =	shalt  }
0x46: {  	_ =	shalt  }
0x47: {  	_ =	shalt  }
0x48: {  	_ =	shalt  }
0x49: {  	_ =	shalt  }
0x4a: {  	_ =	shalt  }
0x4b: {  	_ =	shalt  }
0x4c: {  	_ =	shalt  }
0x4d: {  	_ =	shalt  }
0x4e: {  	_ =	shalt  }
0x4f: {  	_ =	shalt  }
0x50: {  	_ =	shalt  }
0x51: {  	_ =	shalt  }
0x52: {  	_ =	shalt  }
0x53: {  	_ =	shalt  }
0x54: {  	_ =	shalt  }
0x55: {  	_ =	shalt  }
0x56: {  	_ =	shalt  }
0x57: {  	_ =	shalt  }
0x58: {  	_ =	shalt  }
0x59: {  	_ =	shalt  }
0x5a: {  	_ =	shalt  }
0x5b: {  	_ =	shalt  }
0x5c: {  	_ =	shalt  }
0x5d: {  	_ =	shalt  }
0x5e: {  	_ =	shalt  }
0x5f: {  	_ =	shalt  }
0x60: {  	_ =	shalt  }
0x61: {  	_ =	shalt  }
0x62: {  	_ =	shalt  }
0x63: {  	_ =	shalt  }
0x64: {  	_ =	shalt  }
0x65: {  	_ =	shalt  }
0x66: {  	_ =	shalt  }
0x67: {  	_ =	shalt  }
0x68: {  	_ =	shalt  }
0x69: {  	_ =	shalt  }
0x6a: {  	_ =	shalt  }
0x6b: {  	_ =	shalt  }
0x6c: {  	_ =	shalt  }
0x6d: {  	_ =	shalt  }
0x6e: {  	_ =	shalt  }
0x6f: {  	_ =	shalt  }
0x70: {  	_ =	shalt  }
0x71: {  	_ =	shalt  }
0x72: {  	_ =	shalt  }
0x73: {  	_ =	shalt  }
0x74: {  	_ =	shalt  }
0x75: {  	_ =	shalt  }
0x76: {  	_ =	shalt  }
0x77: {  	_ =	shalt  }
0x78: {  	_ =	shalt  }
0x79: {  	_ =	shalt  }
0x7a: {  	_ =	shalt  }
0x7b: {  	_ =	shalt  }
0x7c: {  	_ =	shalt  }
0x7d: {  	_ =	shalt  }
0x7e: {  	_ =	shalt  }
0x7f: {  	_ =	shalt  }
0x80: {  	_ =	shalt  }
0x81: {  	_ =	shalt  }
0x82: {  	_ =	shalt  }
0x83: {  	_ =	shalt  }
0x84: {  	_ =	shalt  }
0x85: {  	_ =	shalt  }
0x86: {  	_ =	shalt  }
0x87: {  	_ =	shalt  }
.Lfunc_end0:
.L_simem_size_0:
called_computation_lowered:
.L_overlay_start_0:
0x88: {  	s2 =	sld [smem:$0x3FD9]  }
0x89: {  	s3 =	sld [smem:$0x3FFE];
	_ =	sdelay $0x1  }
0x8a: {  	s1 =	srdreg.scid  }
0x8b: {  	s0 =	sand.u32 $0x1, s1  }
0x8c: {  	s17 =	sshll.u32 s0, $0xA;
	s2 =	sadd.s32 s3, s2  }
0x8d: {  	s2 =	sadd.s32 s2, s17  }
0x8e: {  	[smem:$0x3FC6] =	sst s2  }
0x8f: {  	_ = 	snop  }
0x90: {  	s2 =	sld [smem:$0x3FC8];
	(tm) =	ssettm $0x1  }
0x91: {  	s18 =	sld [smem:$0x3FFB];
	_ =	sdelay $0x3  }
0x92: {  	_ =	strace s18  }
0x93: {  	s3 =	sld [smem:$0x3FFC];
	_ =	sdelay $0x3  }
0x94: {  	_ =	strace s3  }
0x95: {  	s3 =	sld [smem:$0x3FFD];
	_ =	sdelay $0x3  }
0x96: {  	_ =	strace s3  }
0x97: {  	_ =	strace $0x8FFFFFFF  }
0x98: {  	s19 =	sld [smem:$0x3FDB];
	_ =	sdelay $0x1  }
0x99: {  	s4 =	simm.s32 $_scs_section_size  }
0x9a: {  	s5 =	simm.s32 $_size__tile_overlayer_lowered;
	s6 =	simm.s32 $_tile_overlayer_lowered  }
0x9b: {  	s22 =	simm.s32 $0x1BFF;
	s21 =	sshll.u32 s6, $0x1;
	s3 =	sadd.s32 s4, s19  }
0x9c: {  	s7 =	simm.s32 $0x0;
	s20 =	sshll.u32 s5, $0x1;
	s5 =	sadd.s32 s21, s3  }
0x9d: {  	[timem:s7], [sflag:s22] =	dma.local [hbm:s5], s20  }
0x9e: {  	_ =	swait.ge [sflag:s22], s20  }
0x9f: {  	s4 =	ssub.s32 $0x0, s20;
	[sflag:s22] =	ssyncset.done $0x0  }
0xa0: {  	[sflag:s22] =	ssyncadd.s32 s4;
	_ =	sdelay $0x1  }
0xa1: {  	s23 =	simm.s32 $0x1B8B  }
0xa2: {  	_ =	swait.ge [sflag:s23], $0x1  }
0xa3: {  	[sflag:s23] =	ssyncset.done $0x0  }
0xa4: {  	s25 =	simm.s32 $0x1B8E;
	s24 =	sld [smem:$0x3FFE];
	[sflag:s23] =	ssyncadd.s32 $0xFFFFFFFF  }
0xa5: {  	s26 =	simm.s32 $execute0_lowered;
	[smem:$0x3FD2] =	sst s25  }
0xa6: {  	s5 =	sshll.u32 s26, $0x1;
	_ =	strace $0x80000046;
	[dreg:$0x1] =	wrdreg $0xFFFFFFFF  }
0xa7: {  	s28 =	simm.s32 $_size_execute0_lowered;
	s3 =	sadd.s32 s3, s5;
	[dreg:$0x0] =	wrdreg $0x0  }
0xa8: {  	s5 =	sshll.u32 s28, $0x1;
	[dreg:$0x2] =	wrdreg s3  }
0xa9: {  	[dreg:$0x3] =	wrdreg s5  }
0xaa: {  	[dreg:$0x4] =	wrdreg $0xC0  }
0xab: {  	_ =	task [dreg:s7], $0x5FFFF  }
0xac: {  	[dreg:$0x1] =	wrdreg $0xFFFFFFFF  }
0xad: {  	[dreg:$0x0] =	wrdreg $0x60  }
0xae: {  	[dreg:$0x2] =	wrdreg s24  }
0xaf: {  	[dreg:$0x3] =	wrdreg s2  }
0xb0: {  	[dreg:$0x4] =	wrdreg $0x9  }
0xb1: {  	_ =	task.clear_ibuf [dreg:s7], $0x5FFFF;
	_ =	strace $0x90000046  }
0xb2: {  	s29 =	simm.s32 $0x9;
	_ =	strace $0x80000048  }
0xb3: {  	_ =	swait.ge [sflag:s29], $0x1  }
0xb4: {  	[sflag:s29] =	ssyncadd.s32 $0xFFFFFFFF  }
0xb5: {  	_ =	strace $0x90000048  }
0xb6: {  	_ =	sfence  }
0xb7: {  	s30 =	sld [smem:$0x0];
	_ =	sdelay $0x2  }
0xb8: {  	s31 =	sshll.u32 s1, $0xD;
	s1 =	sshrl.u32 s1, $0x2  }
0xb9: {  	s3 =	sand.u32 $0x4000, s31;
	s1 =	sadd.s32 s1, s30  }
0xba: {  	s0 =	sor.u32 s3, s0;
	s1 =	sshll.u32 s1, $0x11  }
0xbb: {  	s0 =	sor.u32 s1, s0  }
0xbc: {  	s0 =	sadd.s32 $0x8F2B, s0  }
0xbd: {  	[sflag:s0] =	ssyncadd.remote.s32 $0x1  }
0xbe: {  	_ =	sfence.sel $0xFFFF  }
0xbf: {  	[dreg:$0x0] =	wrdreg $0xFFFFFFFF;
	(pc) =	sbr.abs _section_cstart, $3  }
0xc0: {  	[dreg:$0x1] =	wrdreg $0xFFFFFFFF  }
0xc1: {  	_ =	task.clear_ibuf [dreg:s7], $0x2FFFF;
	_ =	strace $0x9FFFFFFF  }
0xc2: {  	(tm) =	ssettm $0x7FFFFFFF  }
0xc3: {  	_ =	shalt  }
tec
execute0_lowered:
.L_overlay_start_1:
0x0: {  	(tag) =	ssettag $0x1  }
0x1: {  	v0 =	vimm.s32 $0x1A8;
	vm3 =	vcmask $0xB00;
	vm4 =	vcmask $0x170C  }
0x2: {  	vm2 =	vcmask $0x2318;
	v1 =	vimm.s32 $0x178;
	vm7 =	vcmask $0x300  }
0x3: {  	vm5 =	vcmask $0x2F24;
	vm8 =	vcmask $0xF04;
	vm0 =	vcmask $0x1B10  }
0x4: {  	vm1 =	vcmask $0x3B30;
	vm9 =	vcmask $0x271C;
	vm10 =	vcmask $0x3328  }
0x5: {  	vm11 =	vcmask $0x700;
	vm12 =	vcmask $0x1308;
	vm13 =	vcmask $0x1F14  }
0x6: {  	v4 =	vimm.s32 $0x128;
	vm14 =	vcmask $0x2B20;
	v5 =	vimm.s32 $0xF8  }
0x7: {  	vm6 =	vcmask $0x372C;
	v6 =	vimm.s32 $0xD0;
	v7 =	vimm.s32 $0xA8  }
0x8: {  	v8 =	vimm.s32 $0x58585850;
	v9 =	vimm.s32 $0x68606060;
	v10 =	vimm.s32 $0x70706868  }
0x9: {  	v11 =	vimm.s32 $0x30302828;
	v12 =	vimm.s32 $0x8000000;
	v13 =	vimm.s32 $0x10100808  }
0xa: {  	v14 =	vimm.s32 $0x27262524;
	v15 =	vimm.s32 $0x2B2A2928;
	v16 =	vimm.s32 $0x77766655  }
0xb: {  	vm15 =	vcmask $0x1F00;
	v17 =	vimm.s32 $0x12121111;
	v18 =	vimm.s32 $0x16161515  }
0xc: {  	v20 =	vimm.s32 $0x19181818;
	v21 =	vimm.s32 $0x1B1B1B1A;
	v22 =	vimm.s32 $0x1D1C1C1C  }
0xd: {  	v0 =	vsel vm3, $0x180, v0;
	v1 =	vsel vm7, $0x150, v1;
	v4 =	vsel vm3, $0x100, v4  }
0xe: {  	v5 =	vsel vm7, $0xD0, v5;
	v6 =	vsel vm11, $0xA8, v6;
	v7 =	vsel vm3, $0x80, v7  }
0xf: {  	v8 =	vunpack.c.0.s8.s32 v8;
	v9 =	vunpack.c.0.s8.s32 v9;
	v10 =	vunpack.c.0.s8.s32 v10  }
0x10: {  	v12 =	vunpack.c.0.s8.s32 v12;
	v14 =	vunpack.c.0.s8.s32 v14;
	v15 =	vunpack.c.0.s8.s32 v15  }
0x11: {  	v17 =	vunpack.c.0.s8.s32 v17;
	v18 =	vunpack.c.0.s8.s32 v18;
	v20 =	vunpack.c.0.s8.s32 v20  }
0x12: {  	v21 =	vunpack.c.0.s8.s32 v21;
	v22 =	vunpack.c.0.s8.s32 v22;
	v0 =	vsel vm4, $0x188, v0  }
0x13: {  	v4 =	vsel vm4, $0x108, v4;
	v5 =	vsel vm8, $0xD8, v5;
	v6 =	vsel vm12, $0xB0, v6  }
0x14: {  	v7 =	vsel vm4, $0x88, v7;
	v0 =	vsel vm2, $0x190, v0;
	v4 =	vsel vm2, $0x110, v4  }
0x15: {  	v5 =	vsel vm0, $0xE0, v5;
	v6 =	vsel vm13, $0xB8, v6;
	v7 =	vsel vm2, $0x90, v7  }
0x16: {  	v2 =	vsel vm5, $0x198, v0;
	v0 =	vsel vm8, $0x158, v1;
	v4 =	vsel vm5, $0x118, v4  }
0x17: {  	v5 =	vsel vm9, $0xE8, v5;
	v6 =	vsel vm14, $0xC0, v6;
	v7 =	vsel vm5, $0x98, v7  }
0x18: {  	v3 =	vsel vm0, $0x160, v0;
	v0 =	vlaneseq.u32;
	v1 =	vsel vm1, $0x1A0, v2  }
0x19: {  	v4 =	vsel vm1, $0x120, v4;
	v5 =	vsel vm10, $0xF0, v5;
	v6 =	vsel vm6, $0xC8, v6  }
0x1a: {  	v7 =	vsel vm1, $0xA0, v7;
	v2 =	vsel vm9, $0x168, v3;
	v3 =	vimm.s32 $0x150  }
0x1b: {  	vm9 =	vcmask $0xF00;
	v2 =	vsel vm10, $0x170, v2;
	v3 =	vsel vm11, $0x128, v3  }
0x1c: {  	v8 =	vnsel vm9, $0x78, v8;
	vm10 =	vcmask $0x1F10;
	vm11 =	vcmask $0x2F20  }
0x1d: {  	v3 =	vsel vm12, $0x130, v3;
	v8 =	vsel vm10, v9, v8;
	v9 =	vunpack.c.0.s8.s32 v11  }
0x1e: {  	vm12 =	vcmask $0x3330;
	v8 =	vsel vm11, v10, v8;
	v10 =	vimm.s32 $0x38383830  }
0x1f: {  	v11 =	vimm.s32 $0x48404040;
	v3 =	vsel vm13, $0x138, v3;
	v10 =	vunpack.c.0.s8.s32 v10  }
0x20: {  	v11 =	vunpack.c.0.s8.s32 v11;
	vm13 =	vcmask $0x3730;
	v9 =	vnsel vm9, $0x50, v9  }
0x21: {  	v3 =	vsel vm14, $0x140, v3;
	v9 =	vsel vm10, v10, v9;
	v10 =	vunpack.c.0.s8.s32 v13  }
0x22: {  	v9 =	vsel vm11, v11, v9;
	v11 =	vnsel vm9, $0x28, v12;
	v12 =	vimm.s32 $0x18181810  }
0x23: {  	v8 =	vsel vm12, $0x70, v8;
	v13 =	vimm.s32 $0xFEA540;
	v12 =	vunpack.c.0.s8.s32 v12  }
0x24: {  	v13 =	vunpack.c.l.s2.s4 v13;
	v10 =	vsel vm10, v10, v11;
	v11 =	vimm.s32 $0x23222120  }
0x25: {  	v11 =	vunpack.c.0.s8.s32 v11;
	v10 =	vsel vm11, v12, v10;
	v12 =	vunpack.c.l.s4.s8 v16  }
0x26: {  	vm14 =	vcmask $0x2F00;
	v3 =	vsel vm6, $0x148, v3;
	v13 =	vunpack.c.l.s4.s8 v13  }
0x27: {  	v9 =	vsel vm13, $0x48, v9;
	v11 =	vnsel vm9, $0x2D, v11;
	v12 =	vunpack.c.0.s8.s32 v12  }
0x28: {  	v13 =	vunpack.c.0.s8.s32 v13;
	v11 =	vsel vm10, v14, v11;
	v14 =	vimm.s32 $0xDCCCBBBA  }
0x29: {  	v11 =	vsel vm11, v15, v11;
	v15 =	vand.u32 $0xF, v12;
	v12 =	vimm.s32 $0x9080808  }
0x2a: {  	v10 =	vsel vm1, $0x20, v10;
	v14 =	vunpack.c.l.s4.s8 v14;
	v16 =	vunpack.c.0.s8.s32 v12  }
0x2b: {  	v13 =	vand.u32 $0x3, v13;
	v11 =	vsel vm12, $0x2C, v11;
	v15 =	vnsel vm15, $0xA, v15  }
0x2c: {  	v14 =	vunpack.c.0.s8.s32 v14;
	v19 =	vsel vm11, v16, v15;
	v15 =	vimm.s32 $0x11101010  }
0x2d: {  	v13 =	vnsel vm14, $0x5, v13;
	v16 =	vimm.s32 $0xE0E0D0D;
	v15 =	vunpack.c.0.s8.s32 v15  }
0x2e: {  	v12 =	vsel vm1, $0x4, v13;
	v14 =	vand.u32 $0xF, v14;
	v16 =	vunpack.c.0.s8.s32 v16  }
0x2f: {  	v13 =	vimm.s32 $0x24924924;
	v14 =	vnsel vm15, $0xF, v14;
	v15 =	vnsel vm9, $0x15, v15  }
0x30: {  	v14 =	vsel vm11, v16, v14;
	v16 =	vimm.s32 $0x13131312;
	v15 =	vsel vm10, v17, v15  }
0x31: {  	v16 =	vunpack.c.0.s8.s32 v16;
	v17 =	vnsel vm9, $0x1A, v18;
	v18 =	vimm.s32 $0x17171716  }
0x32: {  	v13 =	vunpack.c.l.s2.s4 v13;
	v19 =	vsel vm13, $0x9, v19;
	v18 =	vunpack.c.0.s8.s32 v18  }
0x33: {  	v15 =	vsel vm11, v16, v15;
	v16 =	vnsel vm9, $0x1F, v21;
	v21 =	vimm.s32 $0x22222121  }
0x34: {  	v17 =	vsel vm10, v18, v17;
	v18 =	vimm.s32 $0x49249249;
	v16 =	vsel vm10, v22, v16  }
0x35: {  	v23 =	vsel vm11, v20, v17;
	v17 =	vimm.s32 $0x1E1E1D1D;
	v20 =	vimm.s32 $0x21202020  }
0x36: {  	v21 =	vunpack.c.0.s8.s32 v21;
	v17 =	vunpack.c.0.s8.s32 v17;
	v20 =	vunpack.c.0.s8.s32 v20  }
0x37: {  	v22 =	vunpack.c.l.s4.s8 v13;
	v13 =	vsel vm12, $0xE, v14;
	v18 =	vunpack.c.l.s2.s4 v18  }
0x38: {  	v16 =	vsel vm11, v17, v16;
	v17 =	vimm.s32 $0x92492492;
	v20 =	vnsel vm9, $0x25, v20  }
0x39: {  	v17 =	vunpack.c.l.s2.s4 v17;
	v20 =	vsel vm10, v21, v20;
	v21 =	vimm.s32 $0x23232322  }
0x3a: {  	s5 =	rddreg [dreg:$0x0];
	s1 =	srdreg.scid;
	v14 =	vsel vm1, $0x14, v15;
	v18 =	vunpack.c.l.s4.s8 v18;
	v21 =	vunpack.c.0.s8.s32 v21  }
0x3b: {  	s0 =	stileid.u32;
	s2 =	rddreg [dreg:$0x1];
	v15 =	vsel vm12, $0x1E, v16;
	v24 =	vunpack.c.l.s4.s8 v17;
	v17 =	vimm.s32 $0x26262525  }
0x3c: {  	s3 =	simm.s32 $0x0;
	s11 =	simm.s32 $0x630;
	s12 =	simm.s32 $0x3630;
	v16 =	vsel vm11, v21, v20;
	v20 =	vunpack.c.0.s8.s32 v17;
	v21 =	vimm.s32 $0x27272726  }
0x3d: {  	s13 =	simm.s32 $0x0;
	s4 =	sand.u32 $0x1, s1;
	s1 =	rddreg [dreg:$0x2];
	v22 =	vunpack.c.0.s8.s32 v22;
	v25 =	vunpack.c.0.s8.s32 v18;
	v21 =	vunpack.c.0.s8.s32 v21  }
0x3e: {  	s6 =	sshll.u32 s0, $0x1;
	[smem:$0x7FF] =	sst s3;
	s8 =	smul.u32 $0x5EB00, s0;
	v17 =	vor.u32 $0x10, v0;
	v16 =	vsel vm1, $0x24, v16;
	v18 =	vnsel vm9, $0x2A, v20  }
0x3f: {  	s6 =	sor.u32 s4, s6;
	s7 =	ssub.s32 $0x2, s4;
	s10 =	smul.u32 $0x2F580, s4;
	v20 =	vimm.s32 $0x29282828;
	v26 =	vsel vm10, v21, v18;
	v21 =	vimm.s32 $0x2B2B2B2A  }
0x40: {  	_ =	strace $0x80000047;
	s6 =	smul.u32 $0xA00, s6;
	s9 =	sshrl.u32 s7, $0x1;
	v24 =	vunpack.c.0.s8.s32 v24;
	v27 =	vunpack.c.0.s8.s32 v20;
	v28 =	vunpack.c.0.s8.s32 v21  }
0x41: {  	s4 =	sadd.s32 $0xFC80400, s5;
	s31 =	ssub.s32 s7, s9;
	s7 =	sadd.s32 s10, s8;
	v18 =	vand.u32 $0x3, v22;
	v20 =	vand.u32 $0x3, v25;
	v22 =	vsel vm13, $0x19, v23  }
0x42: {  	s8 =	simm.s32 $0x2;
	s9 =	simm.s32 $0x60;
	s5 =	sadd.s32 s6, s5;
	v21 =	vand.u32 $0x3, v24;
	v23 =	vsel vm11, v27, v26;
	v24 =	vnsel vm9, $0x2D, v28  }
0x43: {  	s10 =	simm.s32 $0x1;
	s6 =	smax.u32 s31, $0x1;
	s5 =	sadd.s32 $0x400, s5;
	v25 =	vimm.s32 $0x2D;
	v23 =	vsel vm13, $0x29, v23;
	v24 =	vsel vm0, $0x2C, v24  }
.LBB2_1:
0x44: {  	[tilespmem:s3], [sflag:$0x2] =	stream.linear.gather [hbm4b:s2+s3], $0x30, $0x38;
	[tilespmem:$0x8630] =	vst v63  }
0x45: {  	_ =	swait.ge [sflag:s8], $0x30  }
0x46: {  	[sflag:s8] =	ssyncset.done $0x0  }
0x47: {  	[sflag:s8] =	ssyncadd.s32 $0xFFFFFFD0  }
0x48: {  	v26 =	vld.idx.msk [tilespmem:v0+s3+$0x0], $0xffff  }
0x49: {  	v27 =	vld.idx.msk [tilespmem:v12+s3+$0x0], $0xffff  }
0x4a: {  	v28 =	vld.idx.msk [tilespmem:v17+s3+$0x0], $0xffff  }
0x4b: {  	v29 =	vld.idx.msk [tilespmem:v11+s3+$0x0], $0xffff  }
0x4c: {  	v30 =	vld.idx.msk [tilespmem:v19+s3+$0x0], $0xffff  }
0x4d: {  	v31 =	vld.idx.msk [tilespmem:v13+s3+$0x0], $0xffff  }
0x4e: {  	v32 =	vld.idx.msk [tilespmem:v14+s3+$0x0], $0xffff  }
0x4f: {  	v34 =	vld.idx.msk [tilespmem:v22+s3+$0x0], $0xffff  }
0x50: {  	v37 =	vld.idx.msk [tilespmem:v16+s3+$0x0], $0xffff  }
0x51: {  	v43 =	vld.idx.msk [tilespmem:v25+s3+$0x0], $0xffff  }
0x52: {  	v41 =	vld.idx.msk [tilespmem:v24+s3+$0x0], $0xffff;
	_ =	sdelay $0x1  }
0x53: {  	v26 =	vmul.u32 $0x3, v26;
	v27 =	vmul.u32 $0x3, v27  }
0x54: {  	v28 =	vmul.u32 $0x3, v28;
	v29 =	vmul.u32 $0x3, v29;
	v30 =	vmul.u32 $0x3, v30  }
0x55: {  	v31 =	vmul.u32 $0x3, v31;
	v32 =	vmul.u32 $0x3, v32;
	v60 =	vmul.u32 $0x3, v43  }
0x56: {  	v34 =	vmul.u32 $0x3, v34;
	v37 =	vmul.u32 $0x3, v37;
	v59 =	vmul.u32 $0x3, v41  }
0x57: {  	v26 =	vshra.s32 v26, $0x3;
	v27 =	vand.u32 $0x7, v27;
	v62 =	vand.u32 $0x7, v60  }
0x58: {  	v57 =	vld.idx.msk [tilespmem:v23+s3+$0x0], $0xffff;
	v33 =	vadd.s32 v18, v27;
	v27 =	vshra.s32 v28, $0x3;
	v28 =	vshra.s32 v29, $0x3  }
0x59: {  	v29 =	vand.u32 $0x7, v30;
	v30 =	vand.u32 $0x7, v31;
	v35 =	vshrl.u32 v33, $0x3  }
0x5a: {  	v33 =	vand.u32 $0x7, v33;
	v29 =	vadd.s32 v20, v29;
	v30 =	vadd.s32 v21, v30  }
0x5b: {  	v35 =	vmul.u32 $0x180, v35;
	v36 =	vshrl.u32 v29, $0x3;
	v38 =	vshrl.u32 v30, $0x3  }
0x5c: {  	v31 =	vld.idx.msk [tilespmem:v15+s3+$0x0], $0xffff;
	v39 =	vand.u32 $0x7, v29;
	v29 =	vand.u32 $0x7, v32;
	v40 =	vand.u32 $0x7, v30  }
0x5d: {  	v30 =	vand.u32 $0x7, v34;
	v32 =	vmul.u32 $0x3, v57;
	v36 =	vmul.u32 $0x180, v36  }
0x5e: {  	v38 =	vmul.u32 $0x180, v38;
	v29 =	vadd.s32 v18, v29;
	v30 =	vadd.s32 v20, v30  }
0x5f: {  	v58 =	vshrl.u32 v29, $0x3;
	v42 =	vshrl.u32 v30, $0x3;
	v44 =	vand.u32 $0x7, v29  }
0x60: {  	v45 =	vand.u32 $0x7, v30;
	v30 =	vand.u32 $0x7, v37;
	v55 =	vor.u32 v10, v35  }
0x61: {  	v31 =	vmul.u32 $0x3, v31;
	v34 =	vmul.u32 $0x180, v58;
	v42 =	vmul.u32 $0x180, v42  }
0x62: {  	v30 =	vadd.s32 v18, v30;
	v56 =	vor.u32 v9, v36;
	v57 =	vor.u32 v8, v38  }
0x63: {  	v47 =	vand.u32 $0x7, v30;
	v29 =	vand.u32 $0x7, v31;
	v58 =	vadd.s32 v7, v34  }
0x64: {  	v34 =	vor.u32 v40, v57;
	v29 =	vadd.s32 v21, v29;
	v35 =	vor.u32 v44, v58  }
0x65: {  	v31 =	vshrl.u32 v29, $0x3;
	v46 =	vand.u32 $0x7, v29;
	v29 =	vshrl.u32 v30, $0x3  }
0x66: {  	v37 =	vmul.u32 $0x180, v31;
	v31 =	vand.u32 $0x7, v32;
	v61 =	vmul.u32 $0x180, v29  }
0x67: {  	v29 =	vadd.s32 v20, v31;
	v31 =	vand.u32 $0x7, v59;
	v59 =	vadd.s32 v6, v42  }
0x68: {  	v30 =	vshrl.u32 v29, $0x3;
	v48 =	vand.u32 $0x7, v29;
	v37 =	vadd.s32 v5, v37  }
0x69: {  	v60 =	vadd.s32 v4, v61;
	v36 =	vor.u32 v45, v59;
	v63 =	vmul.u32 $0x180, v30  }
0x6a: {  	v30 =	vadd.s32 v21, v31;
	v31 =	vadd.s32 v18, v62;
	v37 =	vor.u32 v46, v37  }
0x6b: {  	v38 =	vor.u32 v47, v60;
	v29 =	vshrl.u32 v30, $0x3;
	v32 =	vshrl.u32 v31, $0x3  }
0x6c: {  	v50 =	vand.u32 $0x7, v30;
	v52 =	vand.u32 $0x7, v31;
	v30 =	vadd.s32 $0x1, v27  }
0x6d: {  	v31 =	vadd.s32 $0x1, v28;
	v49 =	vmul.u32 $0x180, v29;
	v51 =	vmul.u32 $0x180, v32  }
0x6e: {  	v29 =	vadd.s32 $0x1, v26;
	v32 =	vor.u32 v33, v55;
	v33 =	vor.u32 v39, v56  }
0x6f: {  	v61 =	vadd.s32 v3, v63;
	v62 =	vadd.s32 v2, v49;
	v63 =	vadd.s32 v1, v51  }
0x70: {  	s14 =	simm.s32 $0x7;
	s15 =	simm.s32 $0x38B0;
	s16 =	smov.u32 s7;
	v39 =	vor.u32 v48, v61;
	v40 =	vor.u32 v50, v62;
	v41 =	vor.u32 v52, v63  }
.LBB2_2:
0x71: {  	s17 =	sadd.s32 $0xFFFFFFF9, s14  }
0x72: {  	s24 =	sand.u32 $0x8, s17  }
0x73: {  	s17 =	smul.u32 $0x180, s24  }
0x74: {  	v42 =	vadd.s32 s16, v29  }
0x75: {  	v43 =	vadd.s32 s16, v26;
	vm0 =	vlt.s32 v42, $0x5EAFFF;
	s17 =	sshrl.u32 s17, $0x2  }
0x76: {  	v63 =	vadd.s32 s16, v30;
	v42 =	vnsel vm0, $0x5EAFFF, v42;
	[tilespmem:s17+$0x30] =	vst v43  }
0x77: {  	v45 =	vadd.s32 s16, v27;
	s19 =	sadd.s32 $0xFFFFFFFA, s14;
	vm5 =	vlt.s32 v63, $0x5EAFFF;
	[tilespmem:s17+$0x60] =	vst v42  }
0x78: {  	v47 =	vadd.s32 s16, v31;
	s23 =	sand.u32 $0x9, s19;
	v46 =	vnsel vm5, $0x5EAFFF, v63;
	s18 =	smul.u32 $0xC00, s24;
	[tilespmem:s17+$0x40] =	vst v45  }
0x79: {  	v48 =	vadd.s32 s16, v28;
	vm6 =	vlt.s32 v47, $0x5EAFFF;
	s19 =	smul.u32 $0x180, s23;
	[tilespmem:s17+$0x70] =	vst v46  }
0x7a: {  	s22 =	sadd.s32 $0x5EB, s16;
	v49 =	vnsel vm6, $0x5EAFFF, v47;
	s18 =	sshrl.u32 s18, $0x2;
	[tilespmem:s17+$0x50] =	vst v48  }
0x7b: {  	v50 =	vadd.s32 s22, v29;
	s25 =	sshrl.u32 s19, $0x2;
	s20 =	sor.u32 $0x30, s17;
	[tilespmem:s17+$0x80] =	vst v49;
	s21 =	sor.u32 $0x630, s18  }
0x7c: {  	v51 =	vadd.s32 s22, v26;
	vm7 =	vlt.s32 v50, $0x5EAFFF;
	[tilespmem:s21], [sflag:$0x1] =	stream.indirect.gather [hbm4b:s4+s9], $0x8, s20, s9, $0xb8;
	[tilespmem:$0x8630] =	vst v63  }
0x7d: {  	v52 =	vadd.s32 s22, v30;
	v42 =	vnsel vm7, $0x5EAFFF, v50;
	[tilespmem:s25+$0x30] =	vst v51  }
0x7e: {  	v53 =	vadd.s32 s22, v27;
	vm8 =	vlt.s32 v52, $0x5EAFFF;
	[tilespmem:s25+$0x60] =	vst v42  }
0x7f: {  	v55 =	vadd.s32 s22, v31;
	s26 =	smul.u32 $0xC00, s23;
	v54 =	vnsel vm8, $0x5EAFFF, v52;
	[tilespmem:s25+$0x40] =	vst v53  }
0x80: {  	s28 =	sadd.s32 $0xFFFFFFFB, s14;
	v56 =	vadd.s32 s22, v28;
	vm9 =	vlt.s32 v55, $0x5EAFFF;
	[tilespmem:s25+$0x70] =	vst v54  }
0x81: {  	s31 =	sadd.s32 $0xBD6, s16;
	s22 =	sand.u32 $0xA, s28;
	v57 =	vnsel vm9, $0x5EAFFF, v55;
	s19 =	sshrl.u32 s26, $0x2;
	[tilespmem:s25+$0x50] =	vst v56  }
0x82: {  	s29 =	sadd.s32 $0x30, s25;
	s30 =	sadd.s32 $0x630, s19;
	s21 =	smul.u32 $0x180, s22;
	[tilespmem:s25+$0x80] =	vst v57  }
0x83: {  	v58 =	vadd.s32 s31, v29;
	[tilespmem:s30], [sflag:$0x1] =	stream.indirect.gather [hbm4b:s4+s9], $0x8, s29, s9, $0xb8;
	[tilespmem:$0x8630] =	vst v63  }
0x84: {  	v59 =	vadd.s32 s31, v26;
	vm10 =	vlt.s32 v58, $0x5EAFFF;
	s25 =	sshrl.u32 s21, $0x2  }
0x85: {  	v60 =	vadd.s32 s31, v30;
	v42 =	vnsel vm10, $0x5EAFFF, v58;
	[tilespmem:s25+$0x30] =	vst v59  }
0x86: {  	v61 =	vadd.s32 s31, v27;
	vm11 =	vlt.s32 v60, $0x5EAFFF;
	[tilespmem:s25+$0x60] =	vst v42  }
0x87: {  	v63 =	vadd.s32 s31, v31;
	v62 =	vnsel vm11, $0x5EAFFF, v60;
	s26 =	smul.u32 $0xC00, s22;
	[tilespmem:s25+$0x40] =	vst v61  }
0x88: {  	s28 =	sadd.s32 $0xFFFFFFFC, s14;
	vm12 =	vlt.s32 v63, $0x5EAFFF;
	v45 =	vadd.s32 s31, v28;
	[tilespmem:s25+$0x70] =	vst v62  }
0x89: {  	v46 =	vnsel vm12, $0x5EAFFF, v63;
	s31 =	sadd.s32 $0x11C1, s16;
	s19 =	sshrl.u32 s26, $0x2;
	s21 =	sand.u32 $0xB, s28;
	[tilespmem:s25+$0x50] =	vst v45  }
0x8a: {  	s30 =	sadd.s32 $0x630, s19;
	s29 =	sor.u32 $0x30, s25;
	[tilespmem:s25+$0x80] =	vst v46;
	s25 =	smul.u32 $0x180, s21  }
0x8b: {  	v47 =	vadd.s32 s31, v29;
	[tilespmem:s30], [sflag:$0x1] =	stream.indirect.gather [hbm4b:s4+s9], $0x8, s29, s9, $0xb8;
	[tilespmem:$0x8630] =	vst v63  }
0x8c: {  	v48 =	vadd.s32 s31, v26;
	vm13 =	vlt.s32 v47, $0x5EAFFF;
	s26 =	sshrl.u32 s25, $0x2  }
0x8d: {  	v49 =	vadd.s32 s31, v30;
	v42 =	vnsel vm13, $0x5EAFFF, v47;
	[tilespmem:s26+$0x30] =	vst v48  }
0x8e: {  	v50 =	vadd.s32 s31, v27;
	vm14 =	vlt.s32 v49, $0x5EAFFF;
	[tilespmem:s26+$0x60] =	vst v42  }
0x8f: {  	v52 =	vadd.s32 s31, v31;
	v51 =	vnsel vm14, $0x5EAFFF, v49;
	s28 =	smul.u32 $0xC00, s21;
	[tilespmem:s26+$0x40] =	vst v50  }
0x90: {  	v53 =	vadd.s32 s31, v28;
	vm15 =	vlt.s32 v52, $0x5EAFFF;
	s29 =	sadd.s32 $0xFFFFFFFD, s14;
	[tilespmem:s26+$0x70] =	vst v51  }
0x91: {  	s31 =	sadd.s32 $0x17AC, s16;
	v54 =	vnsel vm15, $0x5EAFFF, v52;
	s19 =	sshrl.u32 s28, $0x2;
	s20 =	sand.u32 $0xC, s29;
	[tilespmem:s26+$0x50] =	vst v53  }
0x92: {  	s25 =	sadd.s32 $0x30, s26;
	[tilespmem:s26+$0x80] =	vst v54;
	s30 =	sadd.s32 $0x630, s19;
	s26 =	smul.u32 $0x180, s20  }
0x93: {  	v55 =	vadd.s32 s31, v29;
	[tilespmem:s30], [sflag:$0x1] =	stream.indirect.gather [hbm4b:s4+s9], $0x8, s25, s9, $0xb8;
	[tilespmem:$0x8630] =	vst v63  }
0x94: {  	v56 =	vadd.s32 s31, v26;
	vm4 =	vlt.s32 v55, $0x5EAFFF;
	s28 =	sshrl.u32 s26, $0x2  }
0x95: {  	v57 =	vadd.s32 s31, v30;
	v42 =	vnsel vm4, $0x5EAFFF, v55;
	[tilespmem:s28+$0x30] =	vst v56  }
0x96: {  	v58 =	vadd.s32 s31, v27;
	vm5 =	vlt.s32 v57, $0x5EAFFF;
	[tilespmem:s28+$0x60] =	vst v42  }
0x97: {  	v60 =	vadd.s32 s31, v31;
	v59 =	vnsel vm5, $0x5EAFFF, v57;
	s29 =	smul.u32 $0xC00, s20;
	[tilespmem:s28+$0x40] =	vst v58  }
0x98: {  	v61 =	vadd.s32 s31, v28;
	vm6 =	vlt.s32 v60, $0x5EAFFF;
	s30 =	sadd.s32 $0xFFFFFFFE, s14;
	[tilespmem:s28+$0x70] =	vst v59  }
0x99: {  	v62 =	vnsel vm6, $0x5EAFFF, v60;
	s26 =	sshrl.u32 s29, $0x2;
	s19 =	sand.u32 $0xD, s30;
	s31 =	sor.u32 $0x30, s28;
	[tilespmem:s28+$0x50] =	vst v61  }
0x9a: {  	[tilespmem:s28+$0x80] =	vst v62;
	s26 =	sadd.s32 $0x630, s26;
	s28 =	sadd.s32 $0x1D97, s16;
	s29 =	smul.u32 $0x180, s19  }
0x9b: {  	[tilespmem:s26], [sflag:$0x1] =	stream.indirect.gather [hbm4b:s4+s9], $0x8, s31, s9, $0xb8;
	[tilespmem:$0x8630] =	vst v63  }
0x9c: {  	v45 =	vadd.s32 s28, v26;
	s30 =	sshrl.u32 s29, $0x2  }
0x9d: {  	v63 =	vadd.s32 s28, v29;
	v47 =	vadd.s32 s28, v27;
	[tilespmem:s30+$0x30] =	vst v45  }
0x9e: {  	v46 =	vadd.s32 s28, v30;
	v50 =	vadd.s32 s28, v28;
	vm7 =	vlt.s32 v63, $0x5EAFFF;
	[tilespmem:s30+$0x40] =	vst v47  }
0x9f: {  	v49 =	vadd.s32 s28, v31;
	s31 =	smul.u32 $0xC00, s19;
	vm8 =	vlt.s32 v46, $0x5EAFFF;
	v42 =	vnsel vm7, $0x5EAFFF, v63;
	[tilespmem:s30+$0x50] =	vst v50  }
0xa0: {  	s28 =	sadd.s32 $0xFFFFFFFF, s14;
	vm9 =	vlt.s32 v49, $0x5EAFFF;
	v48 =	vnsel vm8, $0x5EAFFF, v46;
	[tilespmem:s30+$0x60] =	vst v42  }
0xa1: {  	s18 =	sand.u32 $0xE, s28;
	s26 =	sadd.s32 $0x30, s30;
	v51 =	vnsel vm9, $0x5EAFFF, v49;
	s25 =	sshrl.u32 s31, $0x2;
	[tilespmem:s30+$0x70] =	vst v48  }
0xa2: {  	s28 =	smul.u32 $0x180, s18;
	[tilespmem:s30+$0x80] =	vst v51;
	s29 =	sadd.s32 $0x630, s25;
	s30 =	sadd.s32 $0x2382, s16  }
0xa3: {  	[tilespmem:s29], [sflag:$0x1] =	stream.indirect.gather [hbm4b:s4+s9], $0x8, s26, s9, $0xb8;
	[tilespmem:$0x8630] =	vst v63  }
0xa4: {  	v53 =	vadd.s32 s30, v26;
	s31 =	sshrl.u32 s28, $0x2  }
0xa5: {  	v52 =	vadd.s32 s30, v29;
	v55 =	vadd.s32 s30, v27;
	[tilespmem:s31+$0x30] =	vst v53  }
0xa6: {  	v54 =	vadd.s32 s30, v30;
	v58 =	vadd.s32 s30, v28;
	vm10 =	vlt.s32 v52, $0x5EAFFF;
	[tilespmem:s31+$0x40] =	vst v55  }
0xa7: {  	v57 =	vadd.s32 s30, v31;
	s29 =	smul.u32 $0xC00, s18;
	vm11 =	vlt.s32 v54, $0x5EAFFF;
	[tilespmem:s31+$0x50] =	vst v58;
	v42 =	vnsel vm10, $0x5EAFFF, v52  }
0xa8: {  	vm12 =	vlt.s32 v57, $0x5EAFFF;
	v56 =	vnsel vm11, $0x5EAFFF, v54;
	[tilespmem:s31+$0x60] =	vst v42  }
0xa9: {  	s17 =	sand.u32 $0xF, s14;
	s25 =	sor.u32 $0x30, s31;
	v59 =	vnsel vm12, $0x5EAFFF, v57;
	s30 =	sshrl.u32 s29, $0x2;
	[tilespmem:s31+$0x70] =	vst v56  }
0xaa: {  	s29 =	smul.u32 $0x180, s17;
	[tilespmem:s31+$0x80] =	vst v59;
	s31 =	sadd.s32 $0x630, s30;
	s30 =	sadd.s32 $0x296D, s16  }
0xab: {  	[tilespmem:s31], [sflag:$0x1] =	stream.indirect.gather [hbm4b:s4+s9], $0x8, s25, s9, $0xb8;
	[tilespmem:$0x8630] =	vst v63  }
0xac: {  	v61 =	vadd.s32 s30, v26;
	s31 =	sshrl.u32 s29, $0x2  }
0xad: {  	v60 =	vadd.s32 s30, v29;
	v63 =	vadd.s32 s30, v27;
	[tilespmem:s31+$0x30] =	vst v61  }
0xae: {  	v62 =	vadd.s32 s30, v30;
	v47 =	vadd.s32 s30, v28;
	vm13 =	vlt.s32 v60, $0x5EAFFF;
	[tilespmem:s31+$0x40] =	vst v63  }
0xaf: {  	v46 =	vadd.s32 s30, v31;
	s29 =	smul.u32 $0xC00, s17;
	vm14 =	vlt.s32 v62, $0x5EAFFF;
	[tilespmem:s31+$0x50] =	vst v47;
	v42 =	vnsel vm13, $0x5EAFFF, v60  }
0xb0: {  	vm15 =	vlt.s32 v46, $0x5EAFFF;
	v45 =	vnsel vm14, $0x5EAFFF, v62;
	[tilespmem:s31+$0x60] =	vst v42  }
0xb1: {  	v48 =	vnsel vm15, $0x5EAFFF, v46;
	s26 =	sshrl.u32 s29, $0x2;
	[tilespmem:s31+$0x70] =	vst v45  }
0xb2: {  	s30 =	sadd.s32 $0x30, s31;
	[tilespmem:s31+$0x80] =	vst v48;
	s31 =	sadd.s32 $0x630, s26  }
0xb3: {  	[tilespmem:s31], [sflag:$0x1] =	stream.indirect.gather [hbm4b:s4+s9], $0x8, s30, s9, $0xb8;
	[tilespmem:$0x8630] =	vst v63  }
0xb4: {  	_ =	swait.ge [sflag:s10], $0x300  }
0xb5: {  	[sflag:s10] =	ssyncset.done $0x0  }
0xb6: {  	[sflag:s10] =	ssyncadd.s32 $0xFFFFFD00  }
0xb7: {  	_ =	swait.ge [sflag:s10], $0x300  }
0xb8: {  	[sflag:s10] =	ssyncset.done $0x0  }
0xb9: {  	[sflag:s10] =	ssyncadd.s32 $0xFFFFFD00  }
0xba: {  	_ =	swait.ge [sflag:s10], $0x300  }
0xbb: {  	[sflag:s10] =	ssyncset.done $0x0  }
0xbc: {  	[sflag:s10] =	ssyncadd.s32 $0xFFFFFD00  }
0xbd: {  	_ =	swait.ge [sflag:s10], $0x300  }
0xbe: {  	[sflag:s10] =	ssyncset.done $0x0  }
0xbf: {  	[sflag:s10] =	ssyncadd.s32 $0xFFFFFD00  }
0xc0: {  	_ =	swait.ge [sflag:s10], $0x300  }
0xc1: {  	[sflag:s10] =	ssyncset.done $0x0  }
0xc2: {  	v49 =	vmov s24;
	[sflag:s10] =	ssyncadd.s32 $0xFFFFFD00  }
0xc3: {  	v42 =	vmul.u32 $0x300, v49;
	_ =	swait.ge [sflag:s10], $0x300  }
0xc4: {  	[sflag:s10] =	ssyncset.done $0x0  }
0xc5: {  	v42 =	vbroadcast v42, $0x0;
	[sflag:s10] =	ssyncadd.s32 $0xFFFFFD00  }
0xc6: {  	_ =	swait.ge [sflag:s10], $0x300  }
0xc7: {  	v50 =	vor.u32 v42, v32;
	[sflag:s10] =	ssyncset.done $0x0  }
0xc8: {  	[sflag:s10] =	ssyncadd.s32 $0xFFFFFD00  }
0xc9: {  	_ =	swait.ge [sflag:s10], $0x300  }
0xca: {  	[sflag:s10] =	ssyncset.done $0x0  }
0xcb: {  	[sflag:s10] =	ssyncadd.s32 $0xFFFFFD00  }
0xcc: {  	v43 =	vld.idx.msk [tilespmem:v50+s11+$0x0], $0xffff  }
0xcd: {  	v44 =	vor.u32 v42, v33;
	_ =	sdelay $0x3  }
0xce: {  	[tilespmem:s15+$0xFFFFFD80] =	vst v43  }
0xcf: {  	v43 =	vld.idx.msk [tilespmem:v44+s11+$0x0], $0xffff  }
0xd0: {  	v51 =	vor.u32 v42, v34;
	_ =	sdelay $0x3  }
0xd1: {  	[tilespmem:s15+$0xFFFFFD90] =	vst v43  }
0xd2: {  	v43 =	vld.idx.msk [tilespmem:v51+s11+$0x0], $0xffff  }
0xd3: {  	v52 =	vor.u32 v42, v35;
	_ =	sdelay $0x3  }
0xd4: {  	[tilespmem:s15+$0xFFFFFDA0] =	vst v43  }
0xd5: {  	v43 =	vld.idx.msk [tilespmem:v52+s11+$0x0], $0xffff  }
0xd6: {  	v53 =	vor.u32 v42, v36;
	_ =	sdelay $0x3  }
0xd7: {  	[tilespmem:s15+$0xFFFFFDB0] =	vst v43  }
0xd8: {  	v43 =	vld.idx.msk [tilespmem:v53+s11+$0x0], $0xffff  }
0xd9: {  	v54 =	vor.u32 v42, v37;
	_ =	sdelay $0x3  }
0xda: {  	[tilespmem:s15+$0xFFFFFDC0] =	vst v43  }
0xdb: {  	v43 =	vld.idx.msk [tilespmem:v54+s11+$0x0], $0xffff  }
0xdc: {  	v55 =	vor.u32 v42, v38;
	_ =	sdelay $0x3  }
0xdd: {  	[tilespmem:s15+$0xFFFFFDD0] =	vst v43  }
0xde: {  	v43 =	vld.idx.msk [tilespmem:v55+s11+$0x0], $0xffff  }
0xdf: {  	v56 =	vor.u32 v42, v39;
	_ =	sdelay $0x3  }
0xe0: {  	[tilespmem:s15+$0xFFFFFDE0] =	vst v43  }
0xe1: {  	v43 =	vld.idx.msk [tilespmem:v56+s11+$0x0], $0xffff  }
0xe2: {  	v57 =	vor.u32 v42, v40;
	_ =	sdelay $0x3  }
0xe3: {  	[tilespmem:s15+$0xFFFFFDF0] =	vst v43  }
0xe4: {  	v43 =	vld.idx.msk [tilespmem:v57+s11+$0x0], $0xffff  }
0xe5: {  	v42 =	vor.u32 v42, v41  }
0xe6: {  	v58 =	vmov s23  }
0xe7: {  	v44 =	vmul.u32 $0x300, v58;
	_ =	sdelay $0x1  }
0xe8: {  	v59 =	vbroadcast v44, $0x0;
	[tilespmem:s15+$0xFFFFFE00] =	vst v43  }
0xe9: {  	v42 =	vld.idx.msk [tilespmem:v42+s11+$0x0], $0xffff  }
0xea: {  	v44 =	vadd.s32 v32, v59;
	_ =	sdelay $0x3  }
0xeb: {  	[tilespmem:s15+$0xFFFFFE10] =	vst v42  }
0xec: {  	v42 =	vld.idx.msk [tilespmem:v44+s11+$0x0], $0xffff  }
0xed: {  	v60 =	vadd.s32 v33, v59;
	_ =	sdelay $0x3  }
0xee: {  	[tilespmem:s15+$0xFFFFFE20] =	vst v42  }
0xef: {  	v42 =	vld.idx.msk [tilespmem:v60+s11+$0x0], $0xffff  }
0xf0: {  	v61 =	vadd.s32 v34, v59;
	_ =	sdelay $0x3  }
0xf1: {  	[tilespmem:s15+$0xFFFFFE30] =	vst v42  }
0xf2: {  	v42 =	vld.idx.msk [tilespmem:v61+s11+$0x0], $0xffff  }
0xf3: {  	v62 =	vadd.s32 v35, v59;
	_ =	sdelay $0x3  }
0xf4: {  	[tilespmem:s15+$0xFFFFFE40] =	vst v42  }
0xf5: {  	v42 =	vld.idx.msk [tilespmem:v62+s11+$0x0], $0xffff  }
0xf6: {  	v63 =	vadd.s32 v36, v59;
	_ =	sdelay $0x3  }
0xf7: {  	[tilespmem:s15+$0xFFFFFE50] =	vst v42  }
0xf8: {  	v42 =	vld.idx.msk [tilespmem:v63+s11+$0x0], $0xffff  }
0xf9: {  	v48 =	vadd.s32 v37, v59;
	_ =	sdelay $0x3  }
0xfa: {  	[tilespmem:s15+$0xFFFFFE60] =	vst v42  }
0xfb: {  	v42 =	vld.idx.msk [tilespmem:v48+s11+$0x0], $0xffff  }
0xfc: {  	v49 =	vadd.s32 v38, v59;
	_ =	sdelay $0x3  }
0xfd: {  	[tilespmem:s15+$0xFFFFFE70] =	vst v42  }
0xfe: {  	v42 =	vld.idx.msk [tilespmem:v49+s11+$0x0], $0xffff  }
0xff: {  	v50 =	vadd.s32 v39, v59;
	_ =	sdelay $0x3  }
0x100: {  	[tilespmem:s15+$0xFFFFFE80] =	vst v42  }
0x101: {  	v42 =	vld.idx.msk [tilespmem:v50+s11+$0x0], $0xffff  }
0x102: {  	v51 =	vadd.s32 v40, v59;
	_ =	sdelay $0x3  }
0x103: {  	[tilespmem:s15+$0xFFFFFE90] =	vst v42  }
0x104: {  	v42 =	vld.idx.msk [tilespmem:v51+s11+$0x0], $0xffff  }
0x105: {  	v43 =	vadd.s32 v41, v59  }
0x106: {  	v52 =	vmov s22  }
0x107: {  	v44 =	vmul.u32 $0x300, v52;
	_ =	sdelay $0x1  }
0x108: {  	v53 =	vbroadcast v44, $0x0;
	[tilespmem:s15+$0xFFFFFEA0] =	vst v42  }
0x109: {  	v43 =	vld.idx.msk [tilespmem:v43+s11+$0x0], $0xffff  }
0x10a: {  	v44 =	vor.u32 v53, v32;
	_ =	sdelay $0x3  }
0x10b: {  	[tilespmem:s15+$0xFFFFFEB0] =	vst v43  }
0x10c: {  	v43 =	vld.idx.msk [tilespmem:v44+s11+$0x0], $0xffff  }
0x10d: {  	v54 =	vor.u32 v53, v33;
	_ =	sdelay $0x3  }
0x10e: {  	[tilespmem:s15+$0xFFFFFEC0] =	vst v43  }
0x10f: {  	v43 =	vld.idx.msk [tilespmem:v54+s11+$0x0], $0xffff  }
0x110: {  	v55 =	vor.u32 v53, v34;
	_ =	sdelay $0x3  }
0x111: {  	[tilespmem:s15+$0xFFFFFED0] =	vst v43  }
0x112: {  	v43 =	vld.idx.msk [tilespmem:v55+s11+$0x0], $0xffff  }
0x113: {  	v56 =	vadd.s32 v35, v53;
	_ =	sdelay $0x3  }
0x114: {  	[tilespmem:s15+$0xFFFFFEE0] =	vst v43  }
0x115: {  	v43 =	vld.idx.msk [tilespmem:v56+s11+$0x0], $0xffff  }
0x116: {  	v57 =	vadd.s32 v36, v53;
	_ =	sdelay $0x3  }
0x117: {  	[tilespmem:s15+$0xFFFFFEF0] =	vst v43  }
0x118: {  	v43 =	vld.idx.msk [tilespmem:v57+s11+$0x0], $0xffff  }
0x119: {  	v58 =	vadd.s32 v37, v53;
	_ =	sdelay $0x3  }
0x11a: {  	[tilespmem:s15+$0xFFFFFF00] =	vst v43  }
0x11b: {  	v43 =	vld.idx.msk [tilespmem:v58+s11+$0x0], $0xffff  }
0x11c: {  	v59 =	vadd.s32 v38, v53;
	_ =	sdelay $0x3  }
0x11d: {  	[tilespmem:s15+$0xFFFFFF10] =	vst v43  }
0x11e: {  	v43 =	vld.idx.msk [tilespmem:v59+s11+$0x0], $0xffff  }
0x11f: {  	v60 =	vadd.s32 v39, v53;
	_ =	sdelay $0x3  }
0x120: {  	[tilespmem:s15+$0xFFFFFF20] =	vst v43  }
0x121: {  	v43 =	vld.idx.msk [tilespmem:v60+s11+$0x0], $0xffff  }
0x122: {  	v61 =	vadd.s32 v40, v53;
	_ =	sdelay $0x3  }
0x123: {  	[tilespmem:s15+$0xFFFFFF30] =	vst v43  }
0x124: {  	v43 =	vld.idx.msk [tilespmem:v61+s11+$0x0], $0xffff  }
0x125: {  	v42 =	vadd.s32 v41, v53  }
0x126: {  	v62 =	vmov s21  }
0x127: {  	v44 =	vmul.u32 $0x300, v62;
	_ =	sdelay $0x1  }
0x128: {  	v63 =	vbroadcast v44, $0x0;
	[tilespmem:s15+$0xFFFFFF40] =	vst v43  }
0x129: {  	v42 =	vld.idx.msk [tilespmem:v42+s11+$0x0], $0xffff  }
0x12a: {  	v44 =	vadd.s32 v32, v63;
	_ =	sdelay $0x3  }
0x12b: {  	[tilespmem:s15+$0xFFFFFF50] =	vst v42  }
0x12c: {  	v42 =	vld.idx.msk [tilespmem:v44+s11+$0x0], $0xffff  }
0x12d: {  	v48 =	vadd.s32 v33, v63;
	_ =	sdelay $0x3  }
0x12e: {  	[tilespmem:s15+$0xFFFFFF60] =	vst v42  }
0x12f: {  	v42 =	vld.idx.msk [tilespmem:v48+s11+$0x0], $0xffff  }
0x130: {  	v49 =	vadd.s32 v34, v63;
	_ =	sdelay $0x3  }
0x131: {  	[tilespmem:s15+$0xFFFFFF70] =	vst v42  }
0x132: {  	v42 =	vld.idx.msk [tilespmem:v49+s11+$0x0], $0xffff  }
0x133: {  	v50 =	vadd.s32 v35, v63;
	_ =	sdelay $0x3  }
0x134: {  	[tilespmem:s15+$0xFFFFFF80] =	vst v42  }
0x135: {  	v42 =	vld.idx.msk [tilespmem:v50+s11+$0x0], $0xffff  }
0x136: {  	v51 =	vadd.s32 v36, v63;
	_ =	sdelay $0x3  }
0x137: {  	[tilespmem:s15+$0xFFFFFF90] =	vst v42  }
0x138: {  	v42 =	vld.idx.msk [tilespmem:v51+s11+$0x0], $0xffff  }
0x139: {  	v52 =	vadd.s32 v37, v63;
	_ =	sdelay $0x3  }
0x13a: {  	[tilespmem:s15+$0xFFFFFFA0] =	vst v42  }
0x13b: {  	v42 =	vld.idx.msk [tilespmem:v52+s11+$0x0], $0xffff  }
0x13c: {  	v53 =	vadd.s32 v38, v63;
	_ =	sdelay $0x3  }
0x13d: {  	[tilespmem:s15+$0xFFFFFFB0] =	vst v42  }
0x13e: {  	v42 =	vld.idx.msk [tilespmem:v53+s11+$0x0], $0xffff  }
0x13f: {  	v54 =	vadd.s32 v39, v63;
	_ =	sdelay $0x3  }
0x140: {  	[tilespmem:s15+$0xFFFFFFC0] =	vst v42  }
0x141: {  	v42 =	vld.idx.msk [tilespmem:v54+s11+$0x0], $0xffff  }
0x142: {  	v55 =	vadd.s32 v40, v63;
	_ =	sdelay $0x3  }
0x143: {  	[tilespmem:s15+$0xFFFFFFD0] =	vst v42  }
0x144: {  	v42 =	vld.idx.msk [tilespmem:v55+s11+$0x0], $0xffff  }
0x145: {  	v43 =	vadd.s32 v41, v63  }
0x146: {  	v56 =	vmov s20  }
0x147: {  	v44 =	vmul.u32 $0x300, v56;
	_ =	sdelay $0x1  }
0x148: {  	v57 =	vbroadcast v44, $0x0;
	[tilespmem:s15+$0xFFFFFFE0] =	vst v42  }
0x149: {  	v43 =	vld.idx.msk [tilespmem:v43+s11+$0x0], $0xffff  }
0x14a: {  	v44 =	vor.u32 v57, v32;
	_ =	sdelay $0x3  }
0x14b: {  	[tilespmem:s15+$0xFFFFFFF0] =	vst v43  }
0x14c: {  	v43 =	vld.idx.msk [tilespmem:v44+s11+$0x0], $0xffff  }
0x14d: {  	v58 =	vor.u32 v57, v33;
	_ =	sdelay $0x3  }
0x14e: {  	[tilespmem:s15+$0x0] =	vst v43  }
0x14f: {  	v43 =	vld.idx.msk [tilespmem:v58+s11+$0x0], $0xffff  }
0x150: {  	v59 =	vor.u32 v57, v34;
	_ =	sdelay $0x3  }
0x151: {  	[tilespmem:s15+$0x10] =	vst v43  }
0x152: {  	v43 =	vld.idx.msk [tilespmem:v59+s11+$0x0], $0xffff  }
0x153: {  	v60 =	vor.u32 v57, v35;
	_ =	sdelay $0x3  }
0x154: {  	[tilespmem:s15+$0x20] =	vst v43  }
0x155: {  	v43 =	vld.idx.msk [tilespmem:v60+s11+$0x0], $0xffff  }
0x156: {  	v61 =	vor.u32 v57, v36;
	_ =	sdelay $0x3  }
0x157: {  	[tilespmem:s15+$0x30] =	vst v43  }
0x158: {  	v43 =	vld.idx.msk [tilespmem:v61+s11+$0x0], $0xffff  }
0x159: {  	v62 =	vor.u32 v57, v37;
	_ =	sdelay $0x3  }
0x15a: {  	[tilespmem:s15+$0x40] =	vst v43  }
0x15b: {  	v43 =	vld.idx.msk [tilespmem:v62+s11+$0x0], $0xffff  }
0x15c: {  	v63 =	vor.u32 v57, v38;
	_ =	sdelay $0x3  }
0x15d: {  	[tilespmem:s15+$0x50] =	vst v43  }
0x15e: {  	v43 =	vld.idx.msk [tilespmem:v63+s11+$0x0], $0xffff  }
0x15f: {  	v48 =	vor.u32 v57, v39;
	_ =	sdelay $0x3  }
0x160: {  	[tilespmem:s15+$0x60] =	vst v43  }
0x161: {  	v43 =	vld.idx.msk [tilespmem:v48+s11+$0x0], $0xffff  }
0x162: {  	v49 =	vor.u32 v57, v40;
	_ =	sdelay $0x3  }
0x163: {  	[tilespmem:s15+$0x70] =	vst v43  }
0x164: {  	v43 =	vld.idx.msk [tilespmem:v49+s11+$0x0], $0xffff  }
0x165: {  	v42 =	vor.u32 v57, v41  }
0x166: {  	v50 =	vmov s19  }
0x167: {  	v44 =	vmul.u32 $0x300, v50;
	_ =	sdelay $0x1  }
0x168: {  	v51 =	vbroadcast v44, $0x0;
	[tilespmem:s15+$0x80] =	vst v43  }
0x169: {  	v42 =	vld.idx.msk [tilespmem:v42+s11+$0x0], $0xffff  }
0x16a: {  	v44 =	vadd.s32 v32, v51;
	_ =	sdelay $0x3  }
0x16b: {  	[tilespmem:s15+$0x90] =	vst v42  }
0x16c: {  	v42 =	vld.idx.msk [tilespmem:v44+s11+$0x0], $0xffff  }
0x16d: {  	v52 =	vadd.s32 v33, v51;
	_ =	sdelay $0x3  }
0x16e: {  	[tilespmem:s15+$0xA0] =	vst v42  }
0x16f: {  	v42 =	vld.idx.msk [tilespmem:v52+s11+$0x0], $0xffff  }
0x170: {  	v53 =	vadd.s32 v34, v51;
	_ =	sdelay $0x3  }
0x171: {  	[tilespmem:s15+$0xB0] =	vst v42  }
0x172: {  	v42 =	vld.idx.msk [tilespmem:v53+s11+$0x0], $0xffff  }
0x173: {  	v54 =	vadd.s32 v35, v51;
	_ =	sdelay $0x3  }
0x174: {  	[tilespmem:s15+$0xC0] =	vst v42  }
0x175: {  	v42 =	vld.idx.msk [tilespmem:v54+s11+$0x0], $0xffff  }
0x176: {  	v55 =	vadd.s32 v36, v51;
	_ =	sdelay $0x3  }
0x177: {  	[tilespmem:s15+$0xD0] =	vst v42  }
0x178: {  	v42 =	vld.idx.msk [tilespmem:v55+s11+$0x0], $0xffff  }
0x179: {  	v56 =	vadd.s32 v37, v51;
	_ =	sdelay $0x3  }
0x17a: {  	[tilespmem:s15+$0xE0] =	vst v42  }
0x17b: {  	v42 =	vld.idx.msk [tilespmem:v56+s11+$0x0], $0xffff  }
0x17c: {  	v57 =	vadd.s32 v38, v51;
	_ =	sdelay $0x3  }
0x17d: {  	[tilespmem:s15+$0xF0] =	vst v42  }
0x17e: {  	v42 =	vld.idx.msk [tilespmem:v57+s11+$0x0], $0xffff  }
0x17f: {  	v58 =	vadd.s32 v39, v51;
	_ =	sdelay $0x3  }
0x180: {  	[tilespmem:s15+$0x100] =	vst v42  }
0x181: {  	v42 =	vld.idx.msk [tilespmem:v58+s11+$0x0], $0xffff  }
0x182: {  	v59 =	vadd.s32 v40, v51;
	_ =	sdelay $0x3  }
0x183: {  	[tilespmem:s15+$0x110] =	vst v42  }
0x184: {  	v42 =	vld.idx.msk [tilespmem:v59+s11+$0x0], $0xffff  }
0x185: {  	v43 =	vadd.s32 v41, v51  }
0x186: {  	v60 =	vmov s18  }
0x187: {  	v44 =	vmul.u32 $0x300, v60;
	_ =	sdelay $0x1  }
0x188: {  	v61 =	vbroadcast v44, $0x0;
	[tilespmem:s15+$0x120] =	vst v42  }
0x189: {  	v43 =	vld.idx.msk [tilespmem:v43+s11+$0x0], $0xffff  }
0x18a: {  	v44 =	vor.u32 v61, v32;
	_ =	sdelay $0x3  }
0x18b: {  	[tilespmem:s15+$0x130] =	vst v43  }
0x18c: {  	v43 =	vld.idx.msk [tilespmem:v44+s11+$0x0], $0xffff  }
0x18d: {  	v62 =	vor.u32 v61, v33;
	_ =	sdelay $0x3  }
0x18e: {  	[tilespmem:s15+$0x140] =	vst v43  }
0x18f: {  	v43 =	vld.idx.msk [tilespmem:v62+s11+$0x0], $0xffff  }
0x190: {  	v63 =	vor.u32 v61, v34;
	_ =	sdelay $0x3  }
0x191: {  	[tilespmem:s15+$0x150] =	vst v43  }
0x192: {  	v43 =	vld.idx.msk [tilespmem:v63+s11+$0x0], $0xffff  }
0x193: {  	v48 =	vadd.s32 v35, v61;
	_ =	sdelay $0x3  }
0x194: {  	[tilespmem:s15+$0x160] =	vst v43  }
0x195: {  	v43 =	vld.idx.msk [tilespmem:v48+s11+$0x0], $0xffff  }
0x196: {  	v49 =	vadd.s32 v36, v61;
	_ =	sdelay $0x3  }
0x197: {  	[tilespmem:s15+$0x170] =	vst v43  }
0x198: {  	v43 =	vld.idx.msk [tilespmem:v49+s11+$0x0], $0xffff  }
0x199: {  	v50 =	vadd.s32 v37, v61;
	_ =	sdelay $0x3  }
0x19a: {  	[tilespmem:s15+$0x180] =	vst v43  }
0x19b: {  	v43 =	vld.idx.msk [tilespmem:v50+s11+$0x0], $0xffff  }
0x19c: {  	v51 =	vadd.s32 v38, v61;
	_ =	sdelay $0x3  }
0x19d: {  	[tilespmem:s15+$0x190] =	vst v43  }
0x19e: {  	v43 =	vld.idx.msk [tilespmem:v51+s11+$0x0], $0xffff  }
0x19f: {  	v52 =	vadd.s32 v39, v61;
	_ =	sdelay $0x3  }
0x1a0: {  	[tilespmem:s15+$0x1A0] =	vst v43  }
0x1a1: {  	v43 =	vld.idx.msk [tilespmem:v52+s11+$0x0], $0xffff  }
0x1a2: {  	v53 =	vadd.s32 v40, v61;
	_ =	sdelay $0x3  }
0x1a3: {  	[tilespmem:s15+$0x1B0] =	vst v43  }
0x1a4: {  	v43 =	vld.idx.msk [tilespmem:v53+s11+$0x0], $0xffff  }
0x1a5: {  	v42 =	vadd.s32 v41, v61  }
0x1a6: {  	v54 =	vmov s17  }
0x1a7: {  	v44 =	vmul.u32 $0x300, v54;
	_ =	sdelay $0x1  }
0x1a8: {  	v55 =	vbroadcast v44, $0x0;
	[tilespmem:s15+$0x1C0] =	vst v43  }
0x1a9: {  	v42 =	vld.idx.msk [tilespmem:v42+s11+$0x0], $0xffff  }
0x1aa: {  	v44 =	vadd.s32 v32, v55;
	_ =	sdelay $0x3  }
0x1ab: {  	[tilespmem:s15+$0x1D0] =	vst v42  }
0x1ac: {  	v42 =	vld.idx.msk [tilespmem:v44+s11+$0x0], $0xffff  }
0x1ad: {  	v56 =	vadd.s32 v33, v55;
	_ =	sdelay $0x3  }
0x1ae: {  	[tilespmem:s15+$0x1E0] =	vst v42  }
0x1af: {  	v42 =	vld.idx.msk [tilespmem:v56+s11+$0x0], $0xffff  }
0x1b0: {  	v57 =	vadd.s32 v34, v55;
	_ =	sdelay $0x3  }
0x1b1: {  	[tilespmem:s15+$0x1F0] =	vst v42  }
0x1b2: {  	v42 =	vld.idx.msk [tilespmem:v57+s11+$0x0], $0xffff  }
0x1b3: {  	v58 =	vadd.s32 v35, v55;
	_ =	sdelay $0x3  }
0x1b4: {  	[tilespmem:s15+$0x200] =	vst v42  }
0x1b5: {  	v42 =	vld.idx.msk [tilespmem:v58+s11+$0x0], $0xffff  }
0x1b6: {  	v59 =	vadd.s32 v36, v55;
	_ =	sdelay $0x3  }
0x1b7: {  	[tilespmem:s15+$0x210] =	vst v42  }
0x1b8: {  	v42 =	vld.idx.msk [tilespmem:v59+s11+$0x0], $0xffff  }
0x1b9: {  	v60 =	vadd.s32 v37, v55;
	_ =	sdelay $0x3  }
0x1ba: {  	[tilespmem:s15+$0x220] =	vst v42  }
0x1bb: {  	v42 =	vld.idx.msk [tilespmem:v60+s11+$0x0], $0xffff  }
0x1bc: {  	v61 =	vadd.s32 v38, v55;
	_ =	sdelay $0x3  }
0x1bd: {  	[tilespmem:s15+$0x230] =	vst v42  }
0x1be: {  	v42 =	vld.idx.msk [tilespmem:v61+s11+$0x0], $0xffff  }
0x1bf: {  	v62 =	vadd.s32 v39, v55;
	_ =	sdelay $0x3  }
0x1c0: {  	[tilespmem:s15+$0x240] =	vst v42  }
0x1c1: {  	v42 =	vld.idx.msk [tilespmem:v62+s11+$0x0], $0xffff  }
0x1c2: {  	v63 =	vadd.s32 v40, v55;
	_ =	sdelay $0x3  }
0x1c3: {  	[tilespmem:s15+$0x250] =	vst v42  }
0x1c4: {  	v42 =	vld.idx.msk [tilespmem:v63+s11+$0x0], $0xffff  }
0x1c5: {  	v43 =	vadd.s32 v41, v55;
	_ =	sdelay $0x3  }
0x1c6: {  	[tilespmem:s15+$0x260] =	vst v42  }
0x1c7: {  	p0 =	sne.s32 s14, $0x7F;
	v42 =	vld.idx.msk [tilespmem:v43+s11+$0x0], $0xffff  }
.Ltmp0:
0x1c8: {  	_ = 	snop;
	(pc) =	sbr.rel @p0 .LBB2_2-.Ltmp0, $2  }
0x1c9: {  	_ =	sdelay $0x2  }
0x1ca: {  	s14 =	sadd.s32 $0x8, s14;
	s16 =	sadd.s32 $0x2F58, s16;
	[tilespmem:s15+$0x270] =	vst v42;
	s15 =	sadd.s32 $0x500, s15  }
0x1cb: {  	s13 =	sadd.s32 $0x1, s13  }
0x1cc: {  	p0 =	sne.s32 s13, s6  }
.Ltmp1:
0x1cd: {  	_ = 	snop;
	(pc) =	sbr.rel @p0 .LBB2_1-.Ltmp1, $4  }
0x1ce: {  	[hbm4b:s5+s3] =	stream.linear.scatter [tilespmem:s12], [sflag:$0x2], $0x5000, $0x38;
	[tilespmem:$0x8630] =	vst v63  }
0x1cf: {  	_ =	swait.ge [sflag:s8], $0x5000  }
0x1d0: {  	[sflag:s8] =	ssyncset.done $0x0  }
0x1d1: {  	[sflag:s8] =	ssyncadd.s32 $0xFFFFB000  }
0x1d2: {  	_ =	sfence.sel $0x180000  }
0x1d3: {  	[bflag:$0x0] =	sbarrier.arrive $0xFFFF  }
0x1d4: {  	p0 =	sne.s32 s0, $0x0;
	_ =	strace $0x90000047  }
0x1d5: {  	s0 =	sadd.s32 @!p0 $0x100000, s1;
	[bflag:$0x2] =	sbarrier.arrive $0xFFFF  }
0x1d6: {  	[sflag:s0] =	ssyncadd.tile.s32 @!p0 $0x1;
	_ =	shalt  }
.Lfunc_end2:
_tile_overlayer_lowered:
.L_overlay_start_2:
0x1d7: {  	(tag) =	ssettag $0x2  }
0x1d8: {  	s0 =	rddreg [dreg:$0x0];
	s2 =	stileid.u32  }
0x1d9: {  	s1 =	rddreg [dreg:$0x1];
	p0 =	sne.s32 s2, $0x0  }
0x1da: {  	s3 =	rddreg [dreg:$0x2];
	[bflag:$0x3] =	sbarrier.arrive $0xFFFF;
	s2 =	simm.s32 @!p0 $0x1C02  }
0x1db: {  	[timem:s3], [sflag:s2] =	dma.local @!p0 [hbm:s0], s1  }
0x1dc: {  	s0 =	simm.s32 @!p0 $0x2  }
0x1dd: {  	_ =	swait.ge @!p0 [sflag:s0], s1  }
0x1de: {  	s1 =	ssub.s32 @!p0 $0x0, s1;
	[sflag:s0] =	ssyncset.done @!p0 $0x0  }
0x1df: {  	[sflag:s0] =	ssyncadd.s32 @!p0 s1  }
0x1e0: {  	[bflag:$0x3] =	sbarrier.arrive $0xFFFF  }
0x1e1: {  	_ =	shalt  }

</sc_bundles>
